<compile_context>
chip_gen: v7x
topology: tpu7x:2x2x1
jax: 0.10.2.dev20260603
libtpu: 0.0.44.dev20260713+nightly
codegen_flags: <defaults>
</compile_context>

<pallas_src>
import functools

import jax
import jax.numpy as jnp
import numpy as np
from jax import lax
from jax.experimental import pallas as pl
from jax.experimental.pallas import tpu as pltpu
from jax.experimental.pallas import tpu_sc as plsc

_NUM_HASHES = 5
_BITS = 12
_TABLE = 2048
_M = 3
_U = 0.83
_ROW_LEN = 64
_D = 512
_K = 4096
_QN = 8192
_N = _QN + _K
_HPAD = 8

_W_np = np.zeros((_NUM_HASHES * _BITS + 4, _HPAD), np.float32)
for _h in range(_NUM_HASHES):
    for _j in range(_BITS):
        _W_np[_h * _BITS + _j, _h] = float(2 ** _j) if _j < 11 else 0.0


_QT = _QN // 512
_KT = _K // 512


def _pack(x, at_ref, w_ref, out_ref):
    proj = jnp.dot(x, at_ref[...], preferred_element_type=jnp.float32)
    bits = (proj > 0).astype(jnp.float32)
    codes = jnp.dot(bits, w_ref[...], preferred_element_type=jnp.float32)
    out_ref[...] = codes.T


def _codes_body(q_ref, k_ref, at_ref, w_ref, out_ref, maxsq_ref):
    i = pl.program_id(0)

    @pl.when(i < _KT)
    def _():
        k = k_ref[...]
        mx = jnp.max(jnp.sum(k * k, axis=1))

        @pl.when(i == 0)
        def _():
            maxsq_ref[0] = mx

        @pl.when(i > 0)
        def _():
            maxsq_ref[0] = jnp.maximum(maxsq_ref[0], mx)

    @pl.when((i >= _KT) & (i < 2 * _KT))
    def _():
        scale = _U / jnp.sqrt(maxsq_ref[0])
        ku = k_ref[...] * scale
        sq = jnp.sum(ku * ku, axis=1, keepdims=True)
        s2 = sq * sq
        s4 = s2 * s2
        x = jnp.concatenate([ku, sq, s2, s4], axis=1)
        _pack(x, at_ref, w_ref, out_ref)

    @pl.when(i >= 2 * _KT)
    def _():
        q = q_ref[...]
        nrm = jnp.sqrt(jnp.sum(q * q, axis=1, keepdims=True))
        qn = q / (nrm + 1e-8)
        half = jnp.full((q.shape[0], _M), 0.5, jnp.float32)
        x = jnp.concatenate([qn, half], axis=1)
        _pack(x, at_ref, w_ref, out_ref)


def _codes_call(queries, kernels, at, w):
    def qmap(i):
        return (lax.max(i - 2 * _KT, 0), 0)

    def kmap(i):
        return (jnp.clip(jnp.where(i < _KT, i, i - _KT), 0, _KT - 1), 0)

    def omap(i):
        return (0, jnp.where(i < _KT, _QT,
                jnp.where(i < 2 * _KT, _QT + (i - _KT), i - 2 * _KT)))

    return pl.pallas_call(
        _codes_body,
        grid=(2 * _KT + _QT,),
        in_specs=[
            pl.BlockSpec((512, _D), qmap),
            pl.BlockSpec((512, _D), kmap),
            pl.BlockSpec((_D + _M, 64), lambda i: (0, 0)),
            pl.BlockSpec((64, _HPAD), lambda i: (0, 0)),
        ],
        out_specs=pl.BlockSpec((_HPAD, 512), omap),
        out_shape=jax.ShapeDtypeStruct((_HPAD, _N), jnp.float32),
        scratch_shapes=[pltpu.SMEM((1,), jnp.float32)],
    )(queries, kernels, at, w)


def _sc_vote_gather(codesT, kernels):
    mesh = plsc.VectorSubcoreMesh(core_axis_name="c", subcore_axis_name="s")
    nact = _NUM_HASHES * _ROW_LEN

    @functools.partial(
        pl.kernel,
        out_type=jax.ShapeDtypeStruct((nact, _D), jnp.float32),
        mesh=mesh,
        compiler_params=pltpu.CompilerParams(needs_layout_passes=False),
        scratch_types=[
            pltpu.VMEM((6144,), jnp.int32),
            pltpu.VMEM((1536,), jnp.float32),
            pltpu.VMEM((_K,), jnp.float32),
            pltpu.VMEM((16, 128), jnp.int32),
            pltpu.VMEM((16,), jnp.int32),
            pltpu.VMEM((256,), jnp.int32),
            pltpu.VMEM((_ROW_LEN,), jnp.int32),
            pltpu.VMEM((_ROW_LEN, _D), jnp.float32),
            pltpu.VMEM_SHARED((16, 6144), jnp.int32),
            pltpu.VMEM_SHARED((256,), jnp.int32),
            pltpu.SemaphoreType.DMA,
        ],
    )
    def body(qcT_hbm, kern_hbm, active_hbm,
             hist_v, qbuf, kbuf, abuf, pbuf, bbuf, rows_v, rbuf,
             hist_sh, best_sh, sem):
        cid = lax.axis_index("c")
        sid = lax.axis_index("s")
        nh = jnp.where(cid == 0, 3, 2)
        hbase = jnp.where(cid == 0, 0, 3)

        z16 = jnp.zeros((16,), jnp.int32)
        zf16 = jnp.zeros((16,), jnp.float32)

        def zb(r, c):
            hist_v[pl.ds(r * 16, 16)] = z16
            return c
        lax.fori_loop(0, 384, zb, 0, unroll=8)

        def ql(j, c):
            pltpu.sync_copy(qcT_hbm.at[hbase + j, pl.ds(sid * 512, 512)],
                            qbuf.at[pl.ds(j * 512, 512)])
            return c
        lax.fori_loop(0, nh, ql, 0)

        ones16 = jnp.ones((16,), jnp.int32)

        def hu(t, c):
            @pl.when(t < nh * 32)
            def _():
                j = t // 32
                code = qbuf[pl.ds(t * 16, 16)]
                v = code.astype(jnp.int32) + j * 2048
                plsc.addupdate_scatter(hist_v, [v], ones16)
            return c
        lax.fori_loop(0, 96, hu, 0, unroll=4)

        pltpu.sync_copy(hist_v, hist_sh.at[sid])
        plsc.subcore_barrier()

        lane = lax.iota(jnp.int32, 16)

        def amh(j, pub):
            pltpu.sync_copy(
                hist_sh.at[:, pl.ds(j * 2048 + sid * 128, 128)], abuf)

            def am(r, carry):
                bv, bi = carry

                def acc_t(t, a):
                    return a + abuf[t, pl.ds(r * 16, 16)]
                cv = lax.fori_loop(1, 16, acc_t, abuf[0, pl.ds(r * 16, 16)],
                                   unroll=16)
                m = jnp.max(cv)
                f = plsc.all_reduce_ffs(cv == jnp.full((16,), m, jnp.int32))
                fi = jnp.max(f)
                upd = m > bv
                return (jnp.where(upd, m, bv),
                        jnp.where(upd, sid * 128 + r * 16 + fi, bi))
            bv, bi = lax.fori_loop(0, 8, am, (jnp.int32(-1), jnp.int32(0)))
            pub = jnp.where(lane == 2 * j, jnp.full((16,), bv, jnp.int32), pub)
            pub = jnp.where(lane == 2 * j + 1,
                            jnp.full((16,), bi, jnp.int32), pub)
            return pub
        pub = lax.fori_loop(0, nh, amh, z16)
        pbuf[...] = pub
        pltpu.sync_copy(pbuf, best_sh.at[pl.ds(sid * 16, 16)])
        plsc.subcore_barrier()

        @pl.when(sid < nh)
        def _():
            h = hbase + sid
            pltpu.sync_copy(best_sh, bbuf)
            neg = jnp.full((16,), -(2 ** 31) + 1, jnp.int32)

            def rd(t, carry):
                bv, bi = carry
                row = bbuf[pl.ds(t * 16, 16)]
                v = jnp.max(jnp.where(lane == 2 * sid, row, neg))
                i = jnp.max(jnp.where(lane == 2 * sid + 1, row, neg))
                upd = v > bv
                return (jnp.where(upd, v, bv), jnp.where(upd, i, bi))
            _, besti = lax.fori_loop(0, 16, rd,
                                     (jnp.int32(-1), jnp.int32(0)), unroll=16)

            pltpu.sync_copy(qcT_hbm.at[h, pl.ds(_QN, _K)], kbuf)

            def rz(r, c):
                rows_v[pl.ds(r * 16, 16)] = z16
                return c
            lax.fori_loop(0, _ROW_LEN // 16, rz, 0)

            bvec = jnp.full((16,), besti, jnp.int32)

            def cp(t, cnt0):
                code = kbuf[pl.ds(t * 16, 16)].astype(jnp.int32)
                m = code == bvec
                nm = jnp.max(plsc.all_reduce_population_count(m))

                @pl.when(nm > 0)
                def _():
                    cum = plsc.cumsum(m.astype(jnp.int32))
                    pos = cum + (cnt0 - 1)
                    wm = m & (pos < _ROW_LEN)
                    posc = jnp.clip(pos, 0, _ROW_LEN - 1)
                    rowid = lax.iota(jnp.int32, 16) + t * 16
                    plsc.store_scatter(rows_v, [posc], rowid, mask=wm)
                return cnt0 + nm
            total = lax.fori_loop(0, _K // 16, cp, jnp.int32(0), unroll=2)

            pltpu.async_copy(kern_hbm.at[rows_v], rbuf, sem).wait()

            def zz(s, c):
                @pl.when(s >= total)
                def _():
                    def zc(q, cc):
                        rbuf[s, pl.ds(q * 16, 16)] = zf16
                        return cc
                    lax.fori_loop(0, _D // 16, zc, 0, unroll=8)
                return c
            lax.fori_loop(0, _ROW_LEN, zz, 0)
            pltpu.sync_copy(rbuf, active_hbm.at[pl.ds(h * _ROW_LEN, _ROW_LEN)])

    return body(codesT, kernels)


def _score_body(q_ref, act_ref, out_ref, at_ref):
    @pl.when(pl.program_id(0) == 0)
    def _():
        at_ref[...] = act_ref[...].T

    out_ref[...] = jnp.dot(q_ref[...], at_ref[...],
                           preferred_element_type=jnp.float32)


def _score_call(queries, active):
    tile = 1024
    grid = _QN // tile
    nact = _NUM_HASHES * _ROW_LEN
    return pl.pallas_call(
        _score_body,
        grid=(grid,),
        in_specs=[
            pl.BlockSpec((tile, _D), lambda i: (i, 0)),
            pl.BlockSpec((nact, _D), lambda i: (0, 0)),
        ],
        out_specs=pl.BlockSpec((tile, nact), lambda i: (i, 0)),
        out_shape=jax.ShapeDtypeStruct((_QN, nact), jnp.float32),
        scratch_shapes=[pltpu.VMEM((_D, nact), jnp.float32)],
    )(queries, active)


def kernel(queries, kernels, a):
    at = jnp.pad(a.T, ((0, 0), (0, 4)))
    w = jnp.asarray(_W_np[:64])
    codesT = _codes_call(queries, kernels, at, w)

    active = _sc_vote_gather(codesT, kernels)

    return _score_call(queries, active)

# --- scband reference (transcript-rebuilt; emitter-appended) ---
"""Pipeline reference for scband-alshconv-85031762526321 (READ-ONLY COPY).

The authoritative reference and input builder live on the scoring server;
editing this copy changes nothing except your own understanding.
"""

import jax, jax.numpy as jnp
import numpy as np

NUM_HASHES = 5
BITS = 12
TABLE_SIZE = 2048
M = 3
U = 0.83
ROW_LEN = 64
D = 512
K = 4096
QN = 8192


def setup_inputs(seed: int = 0):
    key = jax.random.key(seed)
    k1, k2, k3 = jax.random.split(key, 3)
    queries = jax.random.normal(k1, (QN, D), dtype=jnp.float32)
    kernels = jax.random.normal(k2, (K, D), dtype=jnp.float32)
    a = jax.random.normal(k3, (NUM_HASHES * BITS, D + M), dtype=jnp.float32)
    return {"queries": queries, "kernels": kernels, "a": a}


def _codes(x_aug, a):
    # sign random projection hash -> integer bucket codes, fmod table_size, abs
    proj = x_aug @ a.T  # [N, H*B]
    bits = (proj > 0).astype(jnp.int32).reshape(x_aug.shape[0], NUM_HASHES, BITS)
    pw = (2 ** jnp.arange(BITS)).astype(jnp.int32)
    codes = jnp.sum(bits * pw[None, None, :], axis=-1)  # [N, H]
    codes = jnp.abs(jnp.mod(codes, TABLE_SIZE))
    return codes


def reference(queries, kernels, a):
    # ScaleUnder_U: scale kernels so max norm <= U
    norms = jnp.linalg.norm(kernels, axis=1)
    scale = U / jnp.max(norms)
    ku = kernels * scale
    # P augmentation for keys: append ||x||^2, ||x||^4, ..., ||x||^(2^M)
    sq = jnp.sum(ku * ku, axis=1)
    aug_k = jnp.stack([sq ** (2 ** i) for i in range(M)], axis=1)
    keys_aug = jnp.concatenate([ku, aug_k], axis=1)  # [K, D+M]
    # Q augmentation for queries: normalize, append 0.5 constants
    qn = queries / (jnp.linalg.norm(queries, axis=1, keepdims=True) + 1e-8)
    q_aug = jnp.concatenate([qn, jnp.full((queries.shape[0], M), 0.5, dtype=queries.dtype)], axis=1)
    # hash codes (table insertion / vote)
    kc = _codes(keys_aug, a)  # [K, H]
    qc = _codes(q_aug, a)     # [QN, H]
    # tally votes per hash over the table (scatter-add histogram)
    tallied = jnp.stack([
        jnp.zeros((TABLE_SIZE,), jnp.int32).at[qc[:, h]].add(1)
        for h in range(NUM_HASHES)
    ])  # [H, TABLE_SIZE]
    best = jnp.argmax(tallied, axis=1)  # [H]
    # gather the active set: kernels whose code matches the winning bucket
    rows_list, valid_list = [], []
    for h in range(NUM_HASHES):
        match = kc[:, h] == best[h]
        order = jnp.argsort(jnp.where(match, 0, 1))  # matched rows first, stable
        rows = order[:ROW_LEN]
        valid = match[rows]
        rows_list.append(rows)
        valid_list.append(valid)
    rows_flat = jnp.concatenate(rows_list)            # [H*ROW_LEN]
    valid_flat = jnp.concatenate(valid_list)
    active = kernels[rows_flat] * valid_flat[:, None].astype(kernels.dtype)
    # knn-style scoring of queries against the active kernel set
    scores = queries @ active.T  # [QN, H*ROW_LEN]
    return scores

if __name__ == "__main__":
    import jax
    _d = setup_inputs()
    print(jax.jit(kernel)(*tuple(_d.values())))

</pallas_src>

<mosaic_0001>
#map = affine_map<(d0, d1) -> (0, 0)>
module attributes {stable_mosaic.version = 14 : i64} {
  func.func @body(%arg0: i32, %arg1: i32, %arg2: memref<8x12288xf32, #tpu.memory_space<hbm>>, %arg3: memref<4096x512xf32, #tpu.memory_space<hbm>>, %arg4: memref<320x512xf32, #tpu.memory_space<hbm>>, %arg5: memref<6144xi32, #tpu.memory_space<vmem>>, %arg6: memref<1536xf32, #tpu.memory_space<vmem>>, %arg7: memref<4096xf32, #tpu.memory_space<vmem>>, %arg8: memref<16x128xi32, #tpu.memory_space<vmem>>, %arg9: memref<16xi32, #tpu.memory_space<vmem>>, %arg10: memref<256xi32, #tpu.memory_space<vmem>>, %arg11: memref<64xi32, #tpu.memory_space<vmem>>, %arg12: memref<64x512xf32, #tpu.memory_space<vmem>>, %arg13: memref<16x6144xi32, #tpu.memory_space<vmem_shared>>, %arg14: memref<256xi32, #tpu.memory_space<vmem_shared>>, %arg15: memref<!tpu.dma_semaphore, #tpu.memory_space<semaphore_mem>>) attributes {dimension_semantics = [#tpu.dimension_semantics<core_parallel>, #tpu.dimension_semantics<subcore_parallel>], iteration_bounds = array<i64: 2, 16>, scalar_prefetch = 0 : i64, scratch_operands = 11 : i64, tpu.core_type = #tpu.core_type<sc_vector_subcore>, window_params = [{transform_indices = #map}, {transform_indices = #map}, {transform_indices = #map}]} {
    %eq3A = arith.constant 0 : i32
    %eq3A_0 = arith.cmpi eq, %arg0, %eq3A : i32
    %jit3A = arith.constant 3 : i32
    %jit3A_1 = arith.constant 2 : i32
    %select_n3A = arith.select %eq3A_0, %jit3A, %jit3A_1 : i32
    %eq3A_2 = arith.constant 0 : i32
    %eq3A_3 = arith.cmpi eq, %arg0, %eq3A_2 : i32
    %jit3A_4 = arith.constant 0 : i32
    %jit3A_5 = arith.constant 3 : i32
    %select_n3A_6 = arith.select %eq3A_3, %jit3A_4, %jit3A_5 : i32
    %broadcast_in_dim3A = arith.constant 0 : i32
    %broadcast_in_dim3A_7 = vector.broadcast %broadcast_in_dim3A : i32 to vector<16xi32>
    %broadcast_in_dim3A_8 = arith.constant 0.000000e+00 : f32
    %broadcast_in_dim3A_9 = vector.broadcast %broadcast_in_dim3A_8 : f32 to vector<16xf32>
    %scan3A = arith.constant 0 : i32
    %scan3A_10 = arith.constant 0 : i32
    %scan3A_11 = arith.constant 384 : i32
    %scan3A_12 = arith.addi %scan3A_10, %scan3A_11 : i32
    %scan3A_13 = arith.constant 8 : i32
    scf.for %scan3A_47 = %scan3A_10 to %scan3A_12 step %scan3A_13  : i32 {
      %mul3A_48 = arith.constant 16 : i32
      %mul3A_49 = arith.muli %scan3A_47, %mul3A_48 : i32
      %swap3A_50 = arith.index_cast %mul3A_49 : i32 to index
      %swap3A_51 = tpu.vector_load %arg5[%swap3A_50] {strides = array<i32>} : memref<6144xi32, #tpu.memory_space<vmem>>, vector<16xi32>,
      tpu.vector_store %arg5[%swap3A_50], %broadcast_in_dim3A_7 {strides = array<i32>} : memref<6144xi32, #tpu.memory_space<vmem>>, vector<16xi32>,
      %scan3A_52 = arith.constant 1 : i32
      %scan3A_53 = arith.addi %scan3A_47, %scan3A_52 : i32
      %mul3A_54 = arith.constant 16 : i32
      %mul3A_55 = arith.muli %scan3A_53, %mul3A_54 : i32
      %swap3A_56 = arith.index_cast %mul3A_55 : i32 to index
      %swap3A_57 = tpu.vector_load %arg5[%swap3A_56] {strides = array<i32>} : memref<6144xi32, #tpu.memory_space<vmem>>, vector<16xi32>,
      tpu.vector_store %arg5[%swap3A_56], %broadcast_in_dim3A_7 {strides = array<i32>} : memref<6144xi32, #tpu.memory_space<vmem>>, vector<16xi32>,
      %scan3A_58 = arith.constant 2 : i32
      %scan3A_59 = arith.addi %scan3A_47, %scan3A_58 : i32
      %mul3A_60 = arith.constant 16 : i32
      %mul3A_61 = arith.muli %scan3A_59, %mul3A_60 : i32
      %swap3A_62 = arith.index_cast %mul3A_61 : i32 to index
      %swap3A_63 = tpu.vector_load %arg5[%swap3A_62] {strides = array<i32>} : memref<6144xi32, #tpu.memory_space<vmem>>, vector<16xi32>,
      tpu.vector_store %arg5[%swap3A_62], %broadcast_in_dim3A_7 {strides = array<i32>} : memref<6144xi32, #tpu.memory_space<vmem>>, vector<16xi32>,
      %scan3A_64 = arith.constant 3 : i32
      %scan3A_65 = arith.addi %scan3A_47, %scan3A_64 : i32
      %mul3A_66 = arith.constant 16 : i32
      %mul3A_67 = arith.muli %scan3A_65, %mul3A_66 : i32
      %swap3A_68 = arith.index_cast %mul3A_67 : i32 to index
      %swap3A_69 = tpu.vector_load %arg5[%swap3A_68] {strides = array<i32>} : memref<6144xi32, #tpu.memory_space<vmem>>, vector<16xi32>,
      tpu.vector_store %arg5[%swap3A_68], %broadcast_in_dim3A_7 {strides = array<i32>} : memref<6144xi32, #tpu.memory_space<vmem>>, vector<16xi32>,
      %scan3A_70 = arith.constant 4 : i32
      %scan3A_71 = arith.addi %scan3A_47, %scan3A_70 : i32
      %mul3A_72 = arith.constant 16 : i32
      %mul3A_73 = arith.muli %scan3A_71, %mul3A_72 : i32
      %swap3A_74 = arith.index_cast %mul3A_73 : i32 to index
      %swap3A_75 = tpu.vector_load %arg5[%swap3A_74] {strides = array<i32>} : memref<6144xi32, #tpu.memory_space<vmem>>, vector<16xi32>,
      tpu.vector_store %arg5[%swap3A_74], %broadcast_in_dim3A_7 {strides = array<i32>} : memref<6144xi32, #tpu.memory_space<vmem>>, vector<16xi32>,
      %scan3A_76 = arith.constant 5 : i32
      %scan3A_77 = arith.addi %scan3A_47, %scan3A_76 : i32
      %mul3A_78 = arith.constant 16 : i32
      %mul3A_79 = arith.muli %scan3A_77, %mul3A_78 : i32
      %swap3A_80 = arith.index_cast %mul3A_79 : i32 to index
      %swap3A_81 = tpu.vector_load %arg5[%swap3A_80] {strides = array<i32>} : memref<6144xi32, #tpu.memory_space<vmem>>, vector<16xi32>,
      tpu.vector_store %arg5[%swap3A_80], %broadcast_in_dim3A_7 {strides = array<i32>} : memref<6144xi32, #tpu.memory_space<vmem>>, vector<16xi32>,
      %scan3A_82 = arith.constant 6 : i32
      %scan3A_83 = arith.addi %scan3A_47, %scan3A_82 : i32
      %mul3A_84 = arith.constant 16 : i32
      %mul3A_85 = arith.muli %scan3A_83, %mul3A_84 : i32
      %swap3A_86 = arith.index_cast %mul3A_85 : i32 to index
      %swap3A_87 = tpu.vector_load %arg5[%swap3A_86] {strides = array<i32>} : memref<6144xi32, #tpu.memory_space<vmem>>, vector<16xi32>,
      tpu.vector_store %arg5[%swap3A_86], %broadcast_in_dim3A_7 {strides = array<i32>} : memref<6144xi32, #tpu.memory_space<vmem>>, vector<16xi32>,
      %scan3A_88 = arith.constant 7 : i32
      %scan3A_89 = arith.addi %scan3A_47, %scan3A_88 : i32
      %mul3A_90 = arith.constant 16 : i32
      %mul3A_91 = arith.muli %scan3A_89, %mul3A_90 : i32
      %swap3A_92 = arith.index_cast %mul3A_91 : i32 to index
      %swap3A_93 = tpu.vector_load %arg5[%swap3A_92] {strides = array<i32>} : memref<6144xi32, #tpu.memory_space<vmem>>, vector<16xi32>,
      tpu.vector_store %arg5[%swap3A_92], %broadcast_in_dim3A_7 {strides = array<i32>} : memref<6144xi32, #tpu.memory_space<vmem>>, vector<16xi32>,
    }
    %scan3A_14 = arith.constant 384 : i32
    %while3A = arith.constant 0 : i32
    %while3A_15 = arith.constant 0 : i32
    %while3A_16 = arith.subi %select_n3A, %while3A_15 : i32
    %while3A_17 = arith.addi %while3A_15, %while3A_16 : i32
    %while3A_18 = arith.constant 1 : i32
    %while3A_19 = arith.divsi %while3A_16, %while3A_18 : i32
    %while3A_20 = arith.muli %while3A_19, %while3A_18 : i32
    %while3A_21 = arith.addi %while3A_15, %while3A_20 : i32
    %while3A_22 = arith.constant 1 : i32
    scf.for %while3A_47 = %while3A_15 to %while3A_21 step %while3A_22  : i32 {
      %add3A = arith.addi %select_n3A_6, %while3A_47 : i32
      %mul3A_48 = arith.constant 512 : i32
      %mul3A_49 = arith.muli %arg1, %mul3A_48 : i32
      %mul3A_50 = arith.constant 512 : i32
      %mul3A_51 = arith.muli %while3A_47, %mul3A_50 : i32
      "tpu.region"() ({
        %run_scoped3A = tpu.sem_alloc : memref<!tpu.dma_semaphore, #tpu.memory_space<semaphore_mem>>
        %dma_start3A = tpu.memref_slice %arg6[%mul3A_51] : memref<1536xf32, #tpu.memory_space<vmem>> -> memref<512xf32, #tpu.memory_space<vmem>>
        %dma_start3A_52 = tpu.memref_slice %arg2[%add3A, %mul3A_49] : memref<8x12288xf32, #tpu.memory_space<hbm>> -> memref<1x512xf32, #tpu.memory_space<hbm>>
        %dma_start3A_53 = tpu.memref_squeeze %dma_start3A_52 : memref<1x512xf32, #tpu.memory_space<hbm>> -> memref<512xf32, #tpu.memory_space<hbm>>
        %dma_start3A_54 = tpu.memref_slice %arg6[%mul3A_51] : memref<1536xf32, #tpu.memory_space<vmem>> -> memref<512xf32, #tpu.memory_space<vmem>>
        %dma_start3A_55 = tpu.memref_slice %arg2[%add3A, %mul3A_49] : memref<8x12288xf32, #tpu.memory_space<hbm>> -> memref<1x512xf32, #tpu.memory_space<hbm>>
        %dma_start3A_56 = tpu.memref_squeeze %dma_start3A_55 : memref<1x512xf32, #tpu.memory_space<hbm>> -> memref<512xf32, #tpu.memory_space<hbm>>
        tpu.enqueue_dma source(%dma_start3A_56 : memref<512xf32, #tpu.memory_space<hbm>>) target(%dma_start3A_54 : memref<512xf32, #tpu.memory_space<vmem>>) target_semaphore(%run_scoped3A : memref<!tpu.dma_semaphore, #tpu.memory_space<semaphore_mem>>)
        %dma_wait3A = tpu.memref_slice %arg6[%mul3A_51] : memref<1536xf32, #tpu.memory_space<vmem>> -> memref<512xf32, #tpu.memory_space<vmem>>
        %dma_wait3A_57 = tpu.memref_slice %arg2[%add3A, %mul3A_49] : memref<8x12288xf32, #tpu.memory_space<hbm>> -> memref<1x512xf32, #tpu.memory_space<hbm>>
        %dma_wait3A_58 = tpu.memref_squeeze %dma_wait3A_57 : memref<1x512xf32, #tpu.memory_space<hbm>> -> memref<512xf32, #tpu.memory_space<hbm>>
        %dma_wait3A_59 = tpu.memref_slice %arg6[%mul3A_51] : memref<1536xf32, #tpu.memory_space<vmem>> -> memref<512xf32, #tpu.memory_space<vmem>>
        %dma_wait3A_60 = tpu.memref_slice %arg2[%add3A, %mul3A_49] : memref<8x12288xf32, #tpu.memory_space<hbm>> -> memref<1x512xf32, #tpu.memory_space<hbm>>
        %dma_wait3A_61 = tpu.memref_squeeze %dma_wait3A_60 : memref<1x512xf32, #tpu.memory_space<hbm>> -> memref<512xf32, #tpu.memory_space<hbm>>
        tpu.wait_dma2 semaphore(%run_scoped3A : memref<!tpu.dma_semaphore, #tpu.memory_space<semaphore_mem>>) src(%dma_wait3A_61 : memref<512xf32, #tpu.memory_space<hbm>>) dst(%dma_wait3A_59 : memref<512xf32, #tpu.memory_space<vmem>>)
        tpu.yield
      }) : () -> ()
    }
    %while3A_23 = arith.constant 1 : i32
    scf.for %while3A_47 = %while3A_21 to %while3A_17 step %while3A_23  : i32 {
      %add3A = arith.addi %select_n3A_6, %while3A_47 : i32
      %mul3A_48 = arith.constant 512 : i32
      %mul3A_49 = arith.muli %arg1, %mul3A_48 : i32
      %mul3A_50 = arith.constant 512 : i32
      %mul3A_51 = arith.muli %while3A_47, %mul3A_50 : i32
      "tpu.region"() ({
        %run_scoped3A = tpu.sem_alloc : memref<!tpu.dma_semaphore, #tpu.memory_space<semaphore_mem>>
        %dma_start3A = tpu.memref_slice %arg6[%mul3A_51] : memref<1536xf32, #tpu.memory_space<vmem>> -> memref<512xf32, #tpu.memory_space<vmem>>
        %dma_start3A_52 = tpu.memref_slice %arg2[%add3A, %mul3A_49] : memref<8x12288xf32, #tpu.memory_space<hbm>> -> memref<1x512xf32, #tpu.memory_space<hbm>>
        %dma_start3A_53 = tpu.memref_squeeze %dma_start3A_52 : memref<1x512xf32, #tpu.memory_space<hbm>> -> memref<512xf32, #tpu.memory_space<hbm>>
        %dma_start3A_54 = tpu.memref_slice %arg6[%mul3A_51] : memref<1536xf32, #tpu.memory_space<vmem>> -> memref<512xf32, #tpu.memory_space<vmem>>
        %dma_start3A_55 = tpu.memref_slice %arg2[%add3A, %mul3A_49] : memref<8x12288xf32, #tpu.memory_space<hbm>> -> memref<1x512xf32, #tpu.memory_space<hbm>>
        %dma_start3A_56 = tpu.memref_squeeze %dma_start3A_55 : memref<1x512xf32, #tpu.memory_space<hbm>> -> memref<512xf32, #tpu.memory_space<hbm>>
        tpu.enqueue_dma source(%dma_start3A_56 : memref<512xf32, #tpu.memory_space<hbm>>) target(%dma_start3A_54 : memref<512xf32, #tpu.memory_space<vmem>>) target_semaphore(%run_scoped3A : memref<!tpu.dma_semaphore, #tpu.memory_space<semaphore_mem>>)
        %dma_wait3A = tpu.memref_slice %arg6[%mul3A_51] : memref<1536xf32, #tpu.memory_space<vmem>> -> memref<512xf32, #tpu.memory_space<vmem>>
        %dma_wait3A_57 = tpu.memref_slice %arg2[%add3A, %mul3A_49] : memref<8x12288xf32, #tpu.memory_space<hbm>> -> memref<1x512xf32, #tpu.memory_space<hbm>>
        %dma_wait3A_58 = tpu.memref_squeeze %dma_wait3A_57 : memref<1x512xf32, #tpu.memory_space<hbm>> -> memref<512xf32, #tpu.memory_space<hbm>>
        %dma_wait3A_59 = tpu.memref_slice %arg6[%mul3A_51] : memref<1536xf32, #tpu.memory_space<vmem>> -> memref<512xf32, #tpu.memory_space<vmem>>
        %dma_wait3A_60 = tpu.memref_slice %arg2[%add3A, %mul3A_49] : memref<8x12288xf32, #tpu.memory_space<hbm>> -> memref<1x512xf32, #tpu.memory_space<hbm>>
        %dma_wait3A_61 = tpu.memref_squeeze %dma_wait3A_60 : memref<1x512xf32, #tpu.memory_space<hbm>> -> memref<512xf32, #tpu.memory_space<hbm>>
        tpu.wait_dma2 semaphore(%run_scoped3A : memref<!tpu.dma_semaphore, #tpu.memory_space<semaphore_mem>>) src(%dma_wait3A_61 : memref<512xf32, #tpu.memory_space<hbm>>) dst(%dma_wait3A_59 : memref<512xf32, #tpu.memory_space<vmem>>)
        tpu.yield
      }) : () -> ()
    }
    %broadcast_in_dim3A_24 = arith.constant 1 : i32
    %broadcast_in_dim3A_25 = vector.broadcast %broadcast_in_dim3A_24 : i32 to vector<16xi32>
    %scan3A_26 = arith.constant 0 : i32
    %scan3A_27 = arith.constant 0 : i32
    %scan3A_28 = arith.constant 96 : i32
    %scan3A_29 = arith.addi %scan3A_27, %scan3A_28 : i32
    %scan3A_30 = arith.constant 4 : i32
    scf.for %scan3A_47 = %scan3A_27 to %scan3A_29 step %scan3A_30  : i32 {
      %mul3A_48 = arith.constant 32 : i32
      %mul3A_49 = arith.muli %select_n3A, %mul3A_48 : i32
      %lt3A_50 = arith.cmpi slt, %scan3A_47, %mul3A_49 : i32
      %convert_element_type3A_51 = arith.extui %lt3A_50 : i1 to i32
      %cond3A_52 = arith.constant 0 : i32
      %cond3A_53 = arith.cmpi ne, %convert_element_type3A_51, %cond3A_52 : i32
      scf.if %cond3A_53 {
        %jit3A_78 = arith.constant 32 : i32
        %div3A = arith.divsi %scan3A_47, %jit3A_78 : i32
        %sign3A = arith.constant 0 : i32
        %sign3A_79 = arith.cmpi sgt, %scan3A_47, %sign3A : i32
        %sign3A_80 = arith.extui %sign3A_79 : i1 to i32
        %sign3A_81 = arith.constant 0 : i32
        %sign3A_82 = arith.cmpi slt, %scan3A_47, %sign3A_81 : i32
        %sign3A_83 = arith.extui %sign3A_82 : i1 to i32
        %sign3A_84 = arith.subi %sign3A_80, %sign3A_83 : i32
        %sign3A_85 = arith.constant 0 : i32
        %sign3A_86 = arith.cmpi sgt, %jit3A_78, %sign3A_85 : i32
        %sign3A_87 = arith.extui %sign3A_86 : i1 to i32
        %sign3A_88 = arith.constant 0 : i32
        %sign3A_89 = arith.cmpi slt, %jit3A_78, %sign3A_88 : i32
        %sign3A_90 = arith.extui %sign3A_89 : i1 to i32
        %sign3A_91 = arith.subi %sign3A_87, %sign3A_90 : i32
        %ne3A = arith.cmpi ne, %sign3A_84, %sign3A_91 : i32
        %rem3A = arith.remsi %scan3A_47, %jit3A_78 : i32
        %ne3A_92 = arith.constant 0 : i32
        %ne3A_93 = arith.cmpi ne, %rem3A, %ne3A_92 : i32
        %and3A = arith.andi %ne3A, %ne3A_93 : i1
        %sub3A = arith.constant 1 : i32
        %sub3A_94 = arith.subi %div3A, %sub3A : i32
        %select_n3A_95 = arith.select %and3A, %sub3A_94, %div3A : i32
        %mul3A_96 = arith.constant 16 : i32
        %mul3A_97 = arith.muli %scan3A_47, %mul3A_96 : i32
        %get3A = arith.index_cast %mul3A_97 : i32 to index
        %get3A_98 = tpu.vector_load %arg6[%get3A] {strides = array<i32>} : memref<1536xf32, #tpu.memory_space<vmem>>, vector<16xf32>,
        %convert_element_type3A_99 = arith.fptosi %get3A_98 : vector<16xf32> to vector<16xi32>
        %mul3A_100 = arith.constant 2048 : i32
        %mul3A_101 = arith.muli %select_n3A_95, %mul3A_100 : i32
        %add3A = vector.broadcast %mul3A_101 : i32 to vector<16xi32>
        %add3A_102 = arith.addi %convert_element_type3A_99, %add3A : vector<16xi32>
        tpu.vector_store_idx %arg5[%add3A_102], %broadcast_in_dim3A_25 {add = true} : memref<6144xi32, #tpu.memory_space<vmem>>[vector<16xi32>], vector<16xi32>,
      } else {
      }
      %scan3A_54 = arith.constant 1 : i32
      %scan3A_55 = arith.addi %scan3A_47, %scan3A_54 : i32
      %mul3A_56 = arith.constant 32 : i32
      %mul3A_57 = arith.muli %select_n3A, %mul3A_56 : i32
      %lt3A_58 = arith.cmpi slt, %scan3A_55, %mul3A_57 : i32
      %convert_element_type3A_59 = arith.extui %lt3A_58 : i1 to i32
      %cond3A_60 = arith.constant 0 : i32
      %cond3A_61 = arith.cmpi ne, %convert_element_type3A_59, %cond3A_60 : i32
      scf.if %cond3A_61 {
        %jit3A_78 = arith.constant 32 : i32
        %div3A = arith.divsi %scan3A_55, %jit3A_78 : i32
        %sign3A = arith.constant 0 : i32
        %sign3A_79 = arith.cmpi sgt, %scan3A_55, %sign3A : i32
        %sign3A_80 = arith.extui %sign3A_79 : i1 to i32
        %sign3A_81 = arith.constant 0 : i32
        %sign3A_82 = arith.cmpi slt, %scan3A_55, %sign3A_81 : i32
        %sign3A_83 = arith.extui %sign3A_82 : i1 to i32
        %sign3A_84 = arith.subi %sign3A_80, %sign3A_83 : i32
        %sign3A_85 = arith.constant 0 : i32
        %sign3A_86 = arith.cmpi sgt, %jit3A_78, %sign3A_85 : i32
        %sign3A_87 = arith.extui %sign3A_86 : i1 to i32
        %sign3A_88 = arith.constant 0 : i32
        %sign3A_89 = arith.cmpi slt, %jit3A_78, %sign3A_88 : i32
        %sign3A_90 = arith.extui %sign3A_89 : i1 to i32
        %sign3A_91 = arith.subi %sign3A_87, %sign3A_90 : i32
        %ne3A = arith.cmpi ne, %sign3A_84, %sign3A_91 : i32
        %rem3A = arith.remsi %scan3A_55, %jit3A_78 : i32
        %ne3A_92 = arith.constant 0 : i32
        %ne3A_93 = arith.cmpi ne, %rem3A, %ne3A_92 : i32
        %and3A = arith.andi %ne3A, %ne3A_93 : i1
        %sub3A = arith.constant 1 : i32
        %sub3A_94 = arith.subi %div3A, %sub3A : i32
        %select_n3A_95 = arith.select %and3A, %sub3A_94, %div3A : i32
        %mul3A_96 = arith.constant 16 : i32
        %mul3A_97 = arith.muli %scan3A_55, %mul3A_96 : i32
        %get3A = arith.index_cast %mul3A_97 : i32 to index
        %get3A_98 = tpu.vector_load %arg6[%get3A] {strides = array<i32>} : memref<1536xf32, #tpu.memory_space<vmem>>, vector<16xf32>,
        %convert_element_type3A_99 = arith.fptosi %get3A_98 : vector<16xf32> to vector<16xi32>
        %mul3A_100 = arith.constant 2048 : i32
        %mul3A_101 = arith.muli %select_n3A_95, %mul3A_100 : i32
        %add3A = vector.broadcast %mul3A_101 : i32 to vector<16xi32>
        %add3A_102 = arith.addi %convert_element_type3A_99, %add3A : vector<16xi32>
        tpu.vector_store_idx %arg5[%add3A_102], %broadcast_in_dim3A_25 {add = true} : memref<6144xi32, #tpu.memory_space<vmem>>[vector<16xi32>], vector<16xi32>,
      } else {
      }
      %scan3A_62 = arith.constant 2 : i32
      %scan3A_63 = arith.addi %scan3A_47, %scan3A_62 : i32
      %mul3A_64 = arith.constant 32 : i32
      %mul3A_65 = arith.muli %select_n3A, %mul3A_64 : i32
      %lt3A_66 = arith.cmpi slt, %scan3A_63, %mul3A_65 : i32
      %convert_element_type3A_67 = arith.extui %lt3A_66 : i1 to i32
      %cond3A_68 = arith.constant 0 : i32
      %cond3A_69 = arith.cmpi ne, %convert_element_type3A_67, %cond3A_68 : i32
      scf.if %cond3A_69 {
        %jit3A_78 = arith.constant 32 : i32
        %div3A = arith.divsi %scan3A_63, %jit3A_78 : i32
        %sign3A = arith.constant 0 : i32
        %sign3A_79 = arith.cmpi sgt, %scan3A_63, %sign3A : i32
        %sign3A_80 = arith.extui %sign3A_79 : i1 to i32
        %sign3A_81 = arith.constant 0 : i32
        %sign3A_82 = arith.cmpi slt, %scan3A_63, %sign3A_81 : i32
        %sign3A_83 = arith.extui %sign3A_82 : i1 to i32
        %sign3A_84 = arith.subi %sign3A_80, %sign3A_83 : i32
        %sign3A_85 = arith.constant 0 : i32
        %sign3A_86 = arith.cmpi sgt, %jit3A_78, %sign3A_85 : i32
        %sign3A_87 = arith.extui %sign3A_86 : i1 to i32
        %sign3A_88 = arith.constant 0 : i32
        %sign3A_89 = arith.cmpi slt, %jit3A_78, %sign3A_88 : i32
        %sign3A_90 = arith.extui %sign3A_89 : i1 to i32
        %sign3A_91 = arith.subi %sign3A_87, %sign3A_90 : i32
        %ne3A = arith.cmpi ne, %sign3A_84, %sign3A_91 : i32
        %rem3A = arith.remsi %scan3A_63, %jit3A_78 : i32
        %ne3A_92 = arith.constant 0 : i32
        %ne3A_93 = arith.cmpi ne, %rem3A, %ne3A_92 : i32
        %and3A = arith.andi %ne3A, %ne3A_93 : i1
        %sub3A = arith.constant 1 : i32
        %sub3A_94 = arith.subi %div3A, %sub3A : i32
        %select_n3A_95 = arith.select %and3A, %sub3A_94, %div3A : i32
        %mul3A_96 = arith.constant 16 : i32
        %mul3A_97 = arith.muli %scan3A_63, %mul3A_96 : i32
        %get3A = arith.index_cast %mul3A_97 : i32 to index
        %get3A_98 = tpu.vector_load %arg6[%get3A] {strides = array<i32>} : memref<1536xf32, #tpu.memory_space<vmem>>, vector<16xf32>,
        %convert_element_type3A_99 = arith.fptosi %get3A_98 : vector<16xf32> to vector<16xi32>
        %mul3A_100 = arith.constant 2048 : i32
        %mul3A_101 = arith.muli %select_n3A_95, %mul3A_100 : i32
        %add3A = vector.broadcast %mul3A_101 : i32 to vector<16xi32>
        %add3A_102 = arith.addi %convert_element_type3A_99, %add3A : vector<16xi32>
        tpu.vector_store_idx %arg5[%add3A_102], %broadcast_in_dim3A_25 {add = true} : memref<6144xi32, #tpu.memory_space<vmem>>[vector<16xi32>], vector<16xi32>,
      } else {
      }
      %scan3A_70 = arith.constant 3 : i32
      %scan3A_71 = arith.addi %scan3A_47, %scan3A_70 : i32
      %mul3A_72 = arith.constant 32 : i32
      %mul3A_73 = arith.muli %select_n3A, %mul3A_72 : i32
      %lt3A_74 = arith.cmpi slt, %scan3A_71, %mul3A_73 : i32
      %convert_element_type3A_75 = arith.extui %lt3A_74 : i1 to i32
      %cond3A_76 = arith.constant 0 : i32
      %cond3A_77 = arith.cmpi ne, %convert_element_type3A_75, %cond3A_76 : i32
      scf.if %cond3A_77 {
        %jit3A_78 = arith.constant 32 : i32
        %div3A = arith.divsi %scan3A_71, %jit3A_78 : i32
        %sign3A = arith.constant 0 : i32
        %sign3A_79 = arith.cmpi sgt, %scan3A_71, %sign3A : i32
        %sign3A_80 = arith.extui %sign3A_79 : i1 to i32
        %sign3A_81 = arith.constant 0 : i32
        %sign3A_82 = arith.cmpi slt, %scan3A_71, %sign3A_81 : i32
        %sign3A_83 = arith.extui %sign3A_82 : i1 to i32
        %sign3A_84 = arith.subi %sign3A_80, %sign3A_83 : i32
        %sign3A_85 = arith.constant 0 : i32
        %sign3A_86 = arith.cmpi sgt, %jit3A_78, %sign3A_85 : i32
        %sign3A_87 = arith.extui %sign3A_86 : i1 to i32
        %sign3A_88 = arith.constant 0 : i32
        %sign3A_89 = arith.cmpi slt, %jit3A_78, %sign3A_88 : i32
        %sign3A_90 = arith.extui %sign3A_89 : i1 to i32
        %sign3A_91 = arith.subi %sign3A_87, %sign3A_90 : i32
        %ne3A = arith.cmpi ne, %sign3A_84, %sign3A_91 : i32
        %rem3A = arith.remsi %scan3A_71, %jit3A_78 : i32
        %ne3A_92 = arith.constant 0 : i32
        %ne3A_93 = arith.cmpi ne, %rem3A, %ne3A_92 : i32
        %and3A = arith.andi %ne3A, %ne3A_93 : i1
        %sub3A = arith.constant 1 : i32
        %sub3A_94 = arith.subi %div3A, %sub3A : i32
        %select_n3A_95 = arith.select %and3A, %sub3A_94, %div3A : i32
        %mul3A_96 = arith.constant 16 : i32
        %mul3A_97 = arith.muli %scan3A_71, %mul3A_96 : i32
        %get3A = arith.index_cast %mul3A_97 : i32 to index
        %get3A_98 = tpu.vector_load %arg6[%get3A] {strides = array<i32>} : memref<1536xf32, #tpu.memory_space<vmem>>, vector<16xf32>,
        %convert_element_type3A_99 = arith.fptosi %get3A_98 : vector<16xf32> to vector<16xi32>
        %mul3A_100 = arith.constant 2048 : i32
        %mul3A_101 = arith.muli %select_n3A_95, %mul3A_100 : i32
        %add3A = vector.broadcast %mul3A_101 : i32 to vector<16xi32>
        %add3A_102 = arith.addi %convert_element_type3A_99, %add3A : vector<16xi32>
        tpu.vector_store_idx %arg5[%add3A_102], %broadcast_in_dim3A_25 {add = true} : memref<6144xi32, #tpu.memory_space<vmem>>[vector<16xi32>], vector<16xi32>,
      } else {
      }
    }
    %scan3A_31 = arith.constant 96 : i32
    "tpu.region"() ({
      %run_scoped3A = tpu.sem_alloc : memref<!tpu.dma_semaphore, #tpu.memory_space<semaphore_mem>>
      %dma_start3A = arith.constant 0 : i32
      %dma_start3A_47 = tpu.memref_slice %arg13[%arg1, %dma_start3A] : memref<16x6144xi32, #tpu.memory_space<vmem_shared>> -> memref<1x6144xi32, #tpu.memory_space<vmem_shared>>
      %dma_start3A_48 = tpu.memref_squeeze %dma_start3A_47 : memref<1x6144xi32, #tpu.memory_space<vmem_shared>> -> memref<6144xi32, #tpu.memory_space<vmem_shared>>
      %dma_start3A_49 = arith.constant 0 : i32
      %dma_start3A_50 = tpu.memref_slice %arg13[%arg1, %dma_start3A_49] : memref<16x6144xi32, #tpu.memory_space<vmem_shared>> -> memref<1x6144xi32, #tpu.memory_space<vmem_shared>>
      %dma_start3A_51 = tpu.memref_squeeze %dma_start3A_50 : memref<1x6144xi32, #tpu.memory_space<vmem_shared>> -> memref<6144xi32, #tpu.memory_space<vmem_shared>>
      tpu.enqueue_dma source(%arg5 : memref<6144xi32, #tpu.memory_space<vmem>>) target(%dma_start3A_51 : memref<6144xi32, #tpu.memory_space<vmem_shared>>) target_semaphore(%run_scoped3A : memref<!tpu.dma_semaphore, #tpu.memory_space<semaphore_mem>>)
      %dma_wait3A = arith.constant 0 : i32
      %dma_wait3A_52 = tpu.memref_slice %arg13[%arg1, %dma_wait3A] : memref<16x6144xi32, #tpu.memory_space<vmem_shared>> -> memref<1x6144xi32, #tpu.memory_space<vmem_shared>>
      %dma_wait3A_53 = tpu.memref_squeeze %dma_wait3A_52 : memref<1x6144xi32, #tpu.memory_space<vmem_shared>> -> memref<6144xi32, #tpu.memory_space<vmem_shared>>
      %dma_wait3A_54 = arith.constant 0 : i32
      %dma_wait3A_55 = tpu.memref_slice %arg13[%arg1, %dma_wait3A_54] : memref<16x6144xi32, #tpu.memory_space<vmem_shared>> -> memref<1x6144xi32, #tpu.memory_space<vmem_shared>>
      %dma_wait3A_56 = tpu.memref_squeeze %dma_wait3A_55 : memref<1x6144xi32, #tpu.memory_space<vmem_shared>> -> memref<6144xi32, #tpu.memory_space<vmem_shared>>
      tpu.wait_dma2 semaphore(%run_scoped3A : memref<!tpu.dma_semaphore, #tpu.memory_space<semaphore_mem>>) src(%arg5 : memref<6144xi32, #tpu.memory_space<vmem>>) dst(%dma_wait3A_56 : memref<6144xi32, #tpu.memory_space<vmem_shared>>)
      tpu.yield
    }) : () -> ()
    %barrier3A = arith.constant 0 : index
    tpu.barrier barrier_id(%barrier3A)
    %iota3A = tpu.iota {dimensions = array<i32: 0>} : vector<16xi32>
    %while3A_32 = arith.constant 0 : i32
    %while3A_33 = arith.subi %select_n3A, %while3A_32 : i32
    %while3A_34 = arith.addi %while3A_32, %while3A_33 : i32
    %while3A_35 = arith.constant 1 : i32
    %while3A_36 = arith.divsi %while3A_33, %while3A_35 : i32
    %while3A_37 = arith.muli %while3A_36, %while3A_35 : i32
    %while3A_38 = arith.addi %while3A_32, %while3A_37 : i32
    %while3A_39 = arith.constant 1 : i32
    %while3A_40 = scf.for %while3A_47 = %while3A_32 to %while3A_38 step %while3A_39 iter_args(%while3A_48 = %broadcast_in_dim3A_7) -> (vector<16xi32>)  : i32 {
      %mul3A_49 = arith.constant 2048 : i32
      %mul3A_50 = arith.muli %while3A_47, %mul3A_49 : i32
      %mul3A_51 = arith.constant 128 : i32
      %mul3A_52 = arith.muli %arg1, %mul3A_51 : i32
      %add3A = arith.addi %mul3A_50, %mul3A_52 : i32
      "tpu.region"() ({
        %run_scoped3A = tpu.sem_alloc : memref<!tpu.dma_semaphore, #tpu.memory_space<semaphore_mem>>
        %dma_start3A = arith.constant 0 : i32
        %dma_start3A_75 = tpu.memref_slice %arg13[%dma_start3A, %add3A] : memref<16x6144xi32, #tpu.memory_space<vmem_shared>> -> memref<16x128xi32, #tpu.memory_space<vmem_shared>>
        %dma_start3A_76 = arith.constant 0 : i32
        %dma_start3A_77 = tpu.memref_slice %arg13[%dma_start3A_76, %add3A] : memref<16x6144xi32, #tpu.memory_space<vmem_shared>> -> memref<16x128xi32, #tpu.memory_space<vmem_shared>>
        tpu.enqueue_dma source(%dma_start3A_77 : memref<16x128xi32, #tpu.memory_space<vmem_shared>>) target(%arg8 : memref<16x128xi32, #tpu.memory_space<vmem>>) target_semaphore(%run_scoped3A : memref<!tpu.dma_semaphore, #tpu.memory_space<semaphore_mem>>)
        %dma_wait3A = arith.constant 0 : i32
        %dma_wait3A_78 = tpu.memref_slice %arg13[%dma_wait3A, %add3A] : memref<16x6144xi32, #tpu.memory_space<vmem_shared>> -> memref<16x128xi32, #tpu.memory_space<vmem_shared>>
        %dma_wait3A_79 = arith.constant 0 : i32
        %dma_wait3A_80 = tpu.memref_slice %arg13[%dma_wait3A_79, %add3A] : memref<16x6144xi32, #tpu.memory_space<vmem_shared>> -> memref<16x128xi32, #tpu.memory_space<vmem_shared>>
        tpu.wait_dma2 semaphore(%run_scoped3A : memref<!tpu.dma_semaphore, #tpu.memory_space<semaphore_mem>>) src(%dma_wait3A_80 : memref<16x128xi32, #tpu.memory_space<vmem_shared>>) dst(%arg8 : memref<16x128xi32, #tpu.memory_space<vmem>>)
        tpu.yield
      }) : () -> ()
      %scan3A_53 = arith.constant -1 : i32
      %scan3A_54 = arith.constant 0 : i32
      %scan3A_55 = arith.constant 0 : i32
      %scan3A_56 = arith.constant 8 : i32
      %scan3A_57 = arith.addi %scan3A_55, %scan3A_56 : i32
      %scan3A_58 = arith.constant 1 : i32
      %scan3A_59:2 = scf.for %scan3A_75 = %scan3A_55 to %scan3A_57 step %scan3A_58 iter_args(%scan3A_76 = %scan3A_53, %scan3A_77 = %scan3A_54) -> (i32, i32)  : i32 {
        %mul3A_78 = arith.constant 16 : i32
        %mul3A_79 = arith.muli %scan3A_75, %mul3A_78 : i32
        %get3A = arith.constant 0 : i32
        %get3A_80 = arith.index_cast %get3A : i32 to index
        %get3A_81 = arith.index_cast %mul3A_79 : i32 to index
        %get3A_82 = tpu.vector_load %arg8[%get3A_80, %get3A_81] {strides = array<i32>} : memref<16x128xi32, #tpu.memory_space<vmem>>, vector<16xi32>,
        %scan3A_83 = arith.constant 1 : i32
        %scan3A_84 = arith.constant 0 : i32
        %scan3A_85 = arith.addi %scan3A_83, %scan3A_84 : i32
        %scan3A_86 = arith.constant 0 : i32
        %scan3A_87 = arith.addi %scan3A_83, %scan3A_86 : i32
        %mul3A_88 = arith.constant 16 : i32
        %mul3A_89 = arith.muli %scan3A_75, %mul3A_88 : i32
        %get3A_90 = arith.index_cast %scan3A_87 : i32 to index
        %get3A_91 = arith.index_cast %mul3A_89 : i32 to index
        %get3A_92 = tpu.vector_load %arg8[%get3A_90, %get3A_91] {strides = array<i32>} : memref<16x128xi32, #tpu.memory_space<vmem>>, vector<16xi32>,
        %add3A_93 = arith.addi %get3A_82, %get3A_92 : vector<16xi32>
        %scan3A_94 = arith.constant 1 : i32
        %scan3A_95 = arith.addi %scan3A_83, %scan3A_94 : i32
        %mul3A_96 = arith.constant 16 : i32
        %mul3A_97 = arith.muli %scan3A_75, %mul3A_96 : i32
        %get3A_98 = arith.index_cast %scan3A_95 : i32 to index
        %get3A_99 = arith.index_cast %mul3A_97 : i32 to index
        %get3A_100 = tpu.vector_load %arg8[%get3A_98, %get3A_99] {strides = array<i32>} : memref<16x128xi32, #tpu.memory_space<vmem>>, vector<16xi32>,
        %add3A_101 = arith.addi %add3A_93, %get3A_100 : vector<16xi32>
        %scan3A_102 = arith.constant 2 : i32
        %scan3A_103 = arith.addi %scan3A_83, %scan3A_102 : i32
        %mul3A_104 = arith.constant 16 : i32
        %mul3A_105 = arith.muli %scan3A_75, %mul3A_104 : i32
        %get3A_106 = arith.index_cast %scan3A_103 : i32 to index
        %get3A_107 = arith.index_cast %mul3A_105 : i32 to index
        %get3A_108 = tpu.vector_load %arg8[%get3A_106, %get3A_107] {strides = array<i32>} : memref<16x128xi32, #tpu.memory_space<vmem>>, vector<16xi32>,
        %add3A_109 = arith.addi %add3A_101, %get3A_108 : vector<16xi32>
        %scan3A_110 = arith.constant 3 : i32
        %scan3A_111 = arith.addi %scan3A_83, %scan3A_110 : i32
        %mul3A_112 = arith.constant 16 : i32
        %mul3A_113 = arith.muli %scan3A_75, %mul3A_112 : i32
        %get3A_114 = arith.index_cast %scan3A_111 : i32 to index
        %get3A_115 = arith.index_cast %mul3A_113 : i32 to index
        %get3A_116 = tpu.vector_load %arg8[%get3A_114, %get3A_115] {strides = array<i32>} : memref<16x128xi32, #tpu.memory_space<vmem>>, vector<16xi32>,
        %add3A_117 = arith.addi %add3A_109, %get3A_116 : vector<16xi32>
        %scan3A_118 = arith.constant 4 : i32
        %scan3A_119 = arith.addi %scan3A_83, %scan3A_118 : i32
        %mul3A_120 = arith.constant 16 : i32
        %mul3A_121 = arith.muli %scan3A_75, %mul3A_120 : i32
        %get3A_122 = arith.index_cast %scan3A_119 : i32 to index
        %get3A_123 = arith.index_cast %mul3A_121 : i32 to index
        %get3A_124 = tpu.vector_load %arg8[%get3A_122, %get3A_123] {strides = array<i32>} : memref<16x128xi32, #tpu.memory_space<vmem>>, vector<16xi32>,
        %add3A_125 = arith.addi %add3A_117, %get3A_124 : vector<16xi32>
        %scan3A_126 = arith.constant 5 : i32
        %scan3A_127 = arith.addi %scan3A_83, %scan3A_126 : i32
        %mul3A_128 = arith.constant 16 : i32
        %mul3A_129 = arith.muli %scan3A_75, %mul3A_128 : i32
        %get3A_130 = arith.index_cast %scan3A_127 : i32 to index
        %get3A_131 = arith.index_cast %mul3A_129 : i32 to index
        %get3A_132 = tpu.vector_load %arg8[%get3A_130, %get3A_131] {strides = array<i32>} : memref<16x128xi32, #tpu.memory_space<vmem>>, vector<16xi32>,
        %add3A_133 = arith.addi %add3A_125, %get3A_132 : vector<16xi32>
        %scan3A_134 = arith.constant 6 : i32
        %scan3A_135 = arith.addi %scan3A_83, %scan3A_134 : i32
        %mul3A_136 = arith.constant 16 : i32
        %mul3A_137 = arith.muli %scan3A_75, %mul3A_136 : i32
        %get3A_138 = arith.index_cast %scan3A_135 : i32 to index
        %get3A_139 = arith.index_cast %mul3A_137 : i32 to index
        %get3A_140 = tpu.vector_load %arg8[%get3A_138, %get3A_139] {strides = array<i32>} : memref<16x128xi32, #tpu.memory_space<vmem>>, vector<16xi32>,
        %add3A_141 = arith.addi %add3A_133, %get3A_140 : vector<16xi32>
        %scan3A_142 = arith.constant 7 : i32
        %scan3A_143 = arith.addi %scan3A_83, %scan3A_142 : i32
        %mul3A_144 = arith.constant 16 : i32
        %mul3A_145 = arith.muli %scan3A_75, %mul3A_144 : i32
        %get3A_146 = arith.index_cast %scan3A_143 : i32 to index
        %get3A_147 = arith.index_cast %mul3A_145 : i32 to index
        %get3A_148 = tpu.vector_load %arg8[%get3A_146, %get3A_147] {strides = array<i32>} : memref<16x128xi32, #tpu.memory_space<vmem>>, vector<16xi32>,
        %add3A_149 = arith.addi %add3A_141, %get3A_148 : vector<16xi32>
        %scan3A_150 = arith.constant 8 : i32
        %scan3A_151 = arith.addi %scan3A_83, %scan3A_150 : i32
        %mul3A_152 = arith.constant 16 : i32
        %mul3A_153 = arith.muli %scan3A_75, %mul3A_152 : i32
        %get3A_154 = arith.index_cast %scan3A_151 : i32 to index
        %get3A_155 = arith.index_cast %mul3A_153 : i32 to index
        %get3A_156 = tpu.vector_load %arg8[%get3A_154, %get3A_155] {strides = array<i32>} : memref<16x128xi32, #tpu.memory_space<vmem>>, vector<16xi32>,
        %add3A_157 = arith.addi %add3A_149, %get3A_156 : vector<16xi32>
        %scan3A_158 = arith.constant 9 : i32
        %scan3A_159 = arith.addi %scan3A_83, %scan3A_158 : i32
        %mul3A_160 = arith.constant 16 : i32
        %mul3A_161 = arith.muli %scan3A_75, %mul3A_160 : i32
        %get3A_162 = arith.index_cast %scan3A_159 : i32 to index
        %get3A_163 = arith.index_cast %mul3A_161 : i32 to index
        %get3A_164 = tpu.vector_load %arg8[%get3A_162, %get3A_163] {strides = array<i32>} : memref<16x128xi32, #tpu.memory_space<vmem>>, vector<16xi32>,
        %add3A_165 = arith.addi %add3A_157, %get3A_164 : vector<16xi32>
        %scan3A_166 = arith.constant 10 : i32
        %scan3A_167 = arith.addi %scan3A_83, %scan3A_166 : i32
        %mul3A_168 = arith.constant 16 : i32
        %mul3A_169 = arith.muli %scan3A_75, %mul3A_168 : i32
        %get3A_170 = arith.index_cast %scan3A_167 : i32 to index
        %get3A_171 = arith.index_cast %mul3A_169 : i32 to index
        %get3A_172 = tpu.vector_load %arg8[%get3A_170, %get3A_171] {strides = array<i32>} : memref<16x128xi32, #tpu.memory_space<vmem>>, vector<16xi32>,
        %add3A_173 = arith.addi %add3A_165, %get3A_172 : vector<16xi32>
        %scan3A_174 = arith.constant 11 : i32
        %scan3A_175 = arith.addi %scan3A_83, %scan3A_174 : i32
        %mul3A_176 = arith.constant 16 : i32
        %mul3A_177 = arith.muli %scan3A_75, %mul3A_176 : i32
        %get3A_178 = arith.index_cast %scan3A_175 : i32 to index
        %get3A_179 = arith.index_cast %mul3A_177 : i32 to index
        %get3A_180 = tpu.vector_load %arg8[%get3A_178, %get3A_179] {strides = array<i32>} : memref<16x128xi32, #tpu.memory_space<vmem>>, vector<16xi32>,
        %add3A_181 = arith.addi %add3A_173, %get3A_180 : vector<16xi32>
        %scan3A_182 = arith.constant 12 : i32
        %scan3A_183 = arith.addi %scan3A_83, %scan3A_182 : i32
        %mul3A_184 = arith.constant 16 : i32
        %mul3A_185 = arith.muli %scan3A_75, %mul3A_184 : i32
        %get3A_186 = arith.index_cast %scan3A_183 : i32 to index
        %get3A_187 = arith.index_cast %mul3A_185 : i32 to index
        %get3A_188 = tpu.vector_load %arg8[%get3A_186, %get3A_187] {strides = array<i32>} : memref<16x128xi32, #tpu.memory_space<vmem>>, vector<16xi32>,
        %add3A_189 = arith.addi %add3A_181, %get3A_188 : vector<16xi32>
        %scan3A_190 = arith.constant 13 : i32
        %scan3A_191 = arith.addi %scan3A_83, %scan3A_190 : i32
        %mul3A_192 = arith.constant 16 : i32
        %mul3A_193 = arith.muli %scan3A_75, %mul3A_192 : i32
        %get3A_194 = arith.index_cast %scan3A_191 : i32 to index
        %get3A_195 = arith.index_cast %mul3A_193 : i32 to index
        %get3A_196 = tpu.vector_load %arg8[%get3A_194, %get3A_195] {strides = array<i32>} : memref<16x128xi32, #tpu.memory_space<vmem>>, vector<16xi32>,
        %add3A_197 = arith.addi %add3A_189, %get3A_196 : vector<16xi32>
        %scan3A_198 = arith.constant 14 : i32
        %scan3A_199 = arith.addi %scan3A_83, %scan3A_198 : i32
        %mul3A_200 = arith.constant 16 : i32
        %mul3A_201 = arith.muli %scan3A_75, %mul3A_200 : i32
        %get3A_202 = arith.index_cast %scan3A_199 : i32 to index
        %get3A_203 = arith.index_cast %mul3A_201 : i32 to index
        %get3A_204 = tpu.vector_load %arg8[%get3A_202, %get3A_203] {strides = array<i32>} : memref<16x128xi32, #tpu.memory_space<vmem>>, vector<16xi32>,
        %add3A_205 = arith.addi %add3A_197, %get3A_204 : vector<16xi32>
        %scan3A_206 = arith.constant 15 : i32
        %reduce_max3A = arith.constant true
        %reduce_max3A_207 = vector.broadcast %reduce_max3A : i1 to vector<16xi1>
        %reduce_max3A_208 = arith.constant -2147483648 : i32
        %reduce_max3A_209 = vector.broadcast %reduce_max3A_208 : i32 to vector<16xi32>
        %reduce_max3A_210 = arith.xori %add3A_205, %reduce_max3A_209 : vector<16xi32>
        %reduce_max3A_211 = tpu.scan <max>, %reduce_max3A_210 masked %reduce_max3A_207 : vector<16xi32>, vector<16xi1> -> vector<16xi32>
        %reduce_max3A_212 = arith.xori %reduce_max3A_211, %reduce_max3A_209 : vector<16xi32>
        %reduce_max3A_213 = vector.extract %reduce_max3A_212[15] : i32 from vector<16xi32>
        %broadcast_in_dim3A_214 = vector.broadcast %reduce_max3A_213 : i32 to vector<16xi32>
        %eq3A_215 = arith.cmpi eq, %add3A_205, %broadcast_in_dim3A_214 : vector<16xi32>
        %all_reduce_ffs3A = tpu.all_reduce %eq3A_215 {dim = 0 : i64, kind = #tpu.reduction_kind<find_first_set>} : vector<16xi1> -> vector<16xi32>
        %reduce_max3A_216 = arith.constant true
        %reduce_max3A_217 = vector.broadcast %reduce_max3A_216 : i1 to vector<16xi1>
        %reduce_max3A_218 = arith.constant -2147483648 : i32
        %reduce_max3A_219 = vector.broadcast %reduce_max3A_218 : i32 to vector<16xi32>
        %reduce_max3A_220 = arith.xori %all_reduce_ffs3A, %reduce_max3A_219 : vector<16xi32>
        %reduce_max3A_221 = tpu.scan <max>, %reduce_max3A_220 masked %reduce_max3A_217 : vector<16xi32>, vector<16xi1> -> vector<16xi32>
        %reduce_max3A_222 = arith.xori %reduce_max3A_221, %reduce_max3A_219 : vector<16xi32>
        %reduce_max3A_223 = vector.extract %reduce_max3A_222[15] : i32 from vector<16xi32>
        %gt3A = arith.cmpi sgt, %reduce_max3A_213, %scan3A_76 : i32
        %select_n3A_224 = arith.select %gt3A, %reduce_max3A_213, %scan3A_76 : i32
        %mul3A_225 = arith.constant 128 : i32
        %mul3A_226 = arith.muli %arg1, %mul3A_225 : i32
        %mul3A_227 = arith.constant 16 : i32
        %mul3A_228 = arith.muli %scan3A_75, %mul3A_227 : i32
        %add3A_229 = arith.addi %mul3A_226, %mul3A_228 : i32
        %add3A_230 = arith.addi %add3A_229, %reduce_max3A_223 : i32
        %select_n3A_231 = arith.select %gt3A, %add3A_230, %scan3A_77 : i32
        scf.yield %select_n3A_224, %select_n3A_231 : i32, i32
      }
      %scan3A_60 = arith.constant 8 : i32
      %mul3A_61 = arith.constant 2 : i32
      %mul3A_62 = arith.muli %mul3A_61, %while3A_47 : i32
      %eq3A_63 = vector.broadcast %mul3A_62 : i32 to vector<16xi32>
      %eq3A_64 = arith.cmpi eq, %iota3A, %eq3A_63 : vector<16xi32>
      %broadcast_in_dim3A_65 = vector.broadcast %scan3A_59#0 : i32 to vector<16xi32>
      %select_n3A_66 = arith.select %eq3A_64, %broadcast_in_dim3A_65, %while3A_48 : vector<16xi1>, vector<16xi32>
      %mul3A_67 = arith.constant 2 : i32
      %mul3A_68 = arith.muli %mul3A_67, %while3A_47 : i32
      %add3A_69 = arith.constant 1 : i32
      %add3A_70 = arith.addi %mul3A_68, %add3A_69 : i32
      %eq3A_71 = vector.broadcast %add3A_70 : i32 to vector<16xi32>
      %eq3A_72 = arith.cmpi eq, %iota3A, %eq3A_71 : vector<16xi32>
      %broadcast_in_dim3A_73 = vector.broadcast %scan3A_59#1 : i32 to vector<16xi32>
      %select_n3A_74 = arith.select %eq3A_72, %broadcast_in_dim3A_73, %select_n3A_66 : vector<16xi1>, vector<16xi32>
      scf.yield %select_n3A_74 : vector<16xi32>
    }
    %while3A_41 = arith.constant 1 : i32
    %while3A_42 = scf.for %while3A_47 = %while3A_38 to %while3A_34 step %while3A_41 iter_args(%while3A_48 = %while3A_40) -> (vector<16xi32>)  : i32 {
      %mul3A_49 = arith.constant 2048 : i32
      %mul3A_50 = arith.muli %while3A_47, %mul3A_49 : i32
      %mul3A_51 = arith.constant 128 : i32
      %mul3A_52 = arith.muli %arg1, %mul3A_51 : i32
      %add3A = arith.addi %mul3A_50, %mul3A_52 : i32
      "tpu.region"() ({
        %run_scoped3A = tpu.sem_alloc : memref<!tpu.dma_semaphore, #tpu.memory_space<semaphore_mem>>
        %dma_start3A = arith.constant 0 : i32
        %dma_start3A_75 = tpu.memref_slice %arg13[%dma_start3A, %add3A] : memref<16x6144xi32, #tpu.memory_space<vmem_shared>> -> memref<16x128xi32, #tpu.memory_space<vmem_shared>>
        %dma_start3A_76 = arith.constant 0 : i32
        %dma_start3A_77 = tpu.memref_slice %arg13[%dma_start3A_76, %add3A] : memref<16x6144xi32, #tpu.memory_space<vmem_shared>> -> memref<16x128xi32, #tpu.memory_space<vmem_shared>>
        tpu.enqueue_dma source(%dma_start3A_77 : memref<16x128xi32, #tpu.memory_space<vmem_shared>>) target(%arg8 : memref<16x128xi32, #tpu.memory_space<vmem>>) target_semaphore(%run_scoped3A : memref<!tpu.dma_semaphore, #tpu.memory_space<semaphore_mem>>)
        %dma_wait3A = arith.constant 0 : i32
        %dma_wait3A_78 = tpu.memref_slice %arg13[%dma_wait3A, %add3A] : memref<16x6144xi32, #tpu.memory_space<vmem_shared>> -> memref<16x128xi32, #tpu.memory_space<vmem_shared>>
        %dma_wait3A_79 = arith.constant 0 : i32
        %dma_wait3A_80 = tpu.memref_slice %arg13[%dma_wait3A_79, %add3A] : memref<16x6144xi32, #tpu.memory_space<vmem_shared>> -> memref<16x128xi32, #tpu.memory_space<vmem_shared>>
        tpu.wait_dma2 semaphore(%run_scoped3A : memref<!tpu.dma_semaphore, #tpu.memory_space<semaphore_mem>>) src(%dma_wait3A_80 : memref<16x128xi32, #tpu.memory_space<vmem_shared>>) dst(%arg8 : memref<16x128xi32, #tpu.memory_space<vmem>>)
        tpu.yield
      }) : () -> ()
      %scan3A_53 = arith.constant -1 : i32
      %scan3A_54 = arith.constant 0 : i32
      %scan3A_55 = arith.constant 0 : i32
      %scan3A_56 = arith.constant 8 : i32
      %scan3A_57 = arith.addi %scan3A_55, %scan3A_56 : i32
      %scan3A_58 = arith.constant 1 : i32
      %scan3A_59:2 = scf.for %scan3A_75 = %scan3A_55 to %scan3A_57 step %scan3A_58 iter_args(%scan3A_76 = %scan3A_53, %scan3A_77 = %scan3A_54) -> (i32, i32)  : i32 {
        %mul3A_78 = arith.constant 16 : i32
        %mul3A_79 = arith.muli %scan3A_75, %mul3A_78 : i32
        %get3A = arith.constant 0 : i32
        %get3A_80 = arith.index_cast %get3A : i32 to index
        %get3A_81 = arith.index_cast %mul3A_79 : i32 to index
        %get3A_82 = tpu.vector_load %arg8[%get3A_80, %get3A_81] {strides = array<i32>} : memref<16x128xi32, #tpu.memory_space<vmem>>, vector<16xi32>,
        %scan3A_83 = arith.constant 1 : i32
        %scan3A_84 = arith.constant 0 : i32
        %scan3A_85 = arith.addi %scan3A_83, %scan3A_84 : i32
        %scan3A_86 = arith.constant 0 : i32
        %scan3A_87 = arith.addi %scan3A_83, %scan3A_86 : i32
        %mul3A_88 = arith.constant 16 : i32
        %mul3A_89 = arith.muli %scan3A_75, %mul3A_88 : i32
        %get3A_90 = arith.index_cast %scan3A_87 : i32 to index
        %get3A_91 = arith.index_cast %mul3A_89 : i32 to index
        %get3A_92 = tpu.vector_load %arg8[%get3A_90, %get3A_91] {strides = array<i32>} : memref<16x128xi32, #tpu.memory_space<vmem>>, vector<16xi32>,
        %add3A_93 = arith.addi %get3A_82, %get3A_92 : vector<16xi32>
        %scan3A_94 = arith.constant 1 : i32
        %scan3A_95 = arith.addi %scan3A_83, %scan3A_94 : i32
        %mul3A_96 = arith.constant 16 : i32
        %mul3A_97 = arith.muli %scan3A_75, %mul3A_96 : i32
        %get3A_98 = arith.index_cast %scan3A_95 : i32 to index
        %get3A_99 = arith.index_cast %mul3A_97 : i32 to index
        %get3A_100 = tpu.vector_load %arg8[%get3A_98, %get3A_99] {strides = array<i32>} : memref<16x128xi32, #tpu.memory_space<vmem>>, vector<16xi32>,
        %add3A_101 = arith.addi %add3A_93, %get3A_100 : vector<16xi32>
        %scan3A_102 = arith.constant 2 : i32
        %scan3A_103 = arith.addi %scan3A_83, %scan3A_102 : i32
        %mul3A_104 = arith.constant 16 : i32
        %mul3A_105 = arith.muli %scan3A_75, %mul3A_104 : i32
        %get3A_106 = arith.index_cast %scan3A_103 : i32 to index
        %get3A_107 = arith.index_cast %mul3A_105 : i32 to index
        %get3A_108 = tpu.vector_load %arg8[%get3A_106, %get3A_107] {strides = array<i32>} : memref<16x128xi32, #tpu.memory_space<vmem>>, vector<16xi32>,
        %add3A_109 = arith.addi %add3A_101, %get3A_108 : vector<16xi32>
        %scan3A_110 = arith.constant 3 : i32
        %scan3A_111 = arith.addi %scan3A_83, %scan3A_110 : i32
        %mul3A_112 = arith.constant 16 : i32
        %mul3A_113 = arith.muli %scan3A_75, %mul3A_112 : i32
        %get3A_114 = arith.index_cast %scan3A_111 : i32 to index
        %get3A_115 = arith.index_cast %mul3A_113 : i32 to index
        %get3A_116 = tpu.vector_load %arg8[%get3A_114, %get3A_115] {strides = array<i32>} : memref<16x128xi32, #tpu.memory_space<vmem>>, vector<16xi32>,
        %add3A_117 = arith.addi %add3A_109, %get3A_116 : vector<16xi32>
        %scan3A_118 = arith.constant 4 : i32
        %scan3A_119 = arith.addi %scan3A_83, %scan3A_118 : i32
        %mul3A_120 = arith.constant 16 : i32
        %mul3A_121 = arith.muli %scan3A_75, %mul3A_120 : i32
        %get3A_122 = arith.index_cast %scan3A_119 : i32 to index
        %get3A_123 = arith.index_cast %mul3A_121 : i32 to index
        %get3A_124 = tpu.vector_load %arg8[%get3A_122, %get3A_123] {strides = array<i32>} : memref<16x128xi32, #tpu.memory_space<vmem>>, vector<16xi32>,
        %add3A_125 = arith.addi %add3A_117, %get3A_124 : vector<16xi32>
        %scan3A_126 = arith.constant 5 : i32
        %scan3A_127 = arith.addi %scan3A_83, %scan3A_126 : i32
        %mul3A_128 = arith.constant 16 : i32
        %mul3A_129 = arith.muli %scan3A_75, %mul3A_128 : i32
        %get3A_130 = arith.index_cast %scan3A_127 : i32 to index
        %get3A_131 = arith.index_cast %mul3A_129 : i32 to index
        %get3A_132 = tpu.vector_load %arg8[%get3A_130, %get3A_131] {strides = array<i32>} : memref<16x128xi32, #tpu.memory_space<vmem>>, vector<16xi32>,
        %add3A_133 = arith.addi %add3A_125, %get3A_132 : vector<16xi32>
        %scan3A_134 = arith.constant 6 : i32
        %scan3A_135 = arith.addi %scan3A_83, %scan3A_134 : i32
        %mul3A_136 = arith.constant 16 : i32
        %mul3A_137 = arith.muli %scan3A_75, %mul3A_136 : i32
        %get3A_138 = arith.index_cast %scan3A_135 : i32 to index
        %get3A_139 = arith.index_cast %mul3A_137 : i32 to index
        %get3A_140 = tpu.vector_load %arg8[%get3A_138, %get3A_139] {strides = array<i32>} : memref<16x128xi32, #tpu.memory_space<vmem>>, vector<16xi32>,
        %add3A_141 = arith.addi %add3A_133, %get3A_140 : vector<16xi32>
        %scan3A_142 = arith.constant 7 : i32
        %scan3A_143 = arith.addi %scan3A_83, %scan3A_142 : i32
        %mul3A_144 = arith.constant 16 : i32
        %mul3A_145 = arith.muli %scan3A_75, %mul3A_144 : i32
        %get3A_146 = arith.index_cast %scan3A_143 : i32 to index
        %get3A_147 = arith.index_cast %mul3A_145 : i32 to index
        %get3A_148 = tpu.vector_load %arg8[%get3A_146, %get3A_147] {strides = array<i32>} : memref<16x128xi32, #tpu.memory_space<vmem>>, vector<16xi32>,
        %add3A_149 = arith.addi %add3A_141, %get3A_148 : vector<16xi32>
        %scan3A_150 = arith.constant 8 : i32
        %scan3A_151 = arith.addi %scan3A_83, %scan3A_150 : i32
        %mul3A_152 = arith.constant 16 : i32
        %mul3A_153 = arith.muli %scan3A_75, %mul3A_152 : i32
        %get3A_154 = arith.index_cast %scan3A_151 : i32 to index
        %get3A_155 = arith.index_cast %mul3A_153 : i32 to index
        %get3A_156 = tpu.vector_load %arg8[%get3A_154, %get3A_155] {strides = array<i32>} : memref<16x128xi32, #tpu.memory_space<vmem>>, vector<16xi32>,
        %add3A_157 = arith.addi %add3A_149, %get3A_156 : vector<16xi32>
        %scan3A_158 = arith.constant 9 : i32
        %scan3A_159 = arith.addi %scan3A_83, %scan3A_158 : i32
        %mul3A_160 = arith.constant 16 : i32
        %mul3A_161 = arith.muli %scan3A_75, %mul3A_160 : i32
        %get3A_162 = arith.index_cast %scan3A_159 : i32 to index
        %get3A_163 = arith.index_cast %mul3A_161 : i32 to index
        %get3A_164 = tpu.vector_load %arg8[%get3A_162, %get3A_163] {strides = array<i32>} : memref<16x128xi32, #tpu.memory_space<vmem>>, vector<16xi32>,
        %add3A_165 = arith.addi %add3A_157, %get3A_164 : vector<16xi32>
        %scan3A_166 = arith.constant 10 : i32
        %scan3A_167 = arith.addi %scan3A_83, %scan3A_166 : i32
        %mul3A_168 = arith.constant 16 : i32
        %mul3A_169 = arith.muli %scan3A_75, %mul3A_168 : i32
        %get3A_170 = arith.index_cast %scan3A_167 : i32 to index
        %get3A_171 = arith.index_cast %mul3A_169 : i32 to index
        %get3A_172 = tpu.vector_load %arg8[%get3A_170, %get3A_171] {strides = array<i32>} : memref<16x128xi32, #tpu.memory_space<vmem>>, vector<16xi32>,
        %add3A_173 = arith.addi %add3A_165, %get3A_172 : vector<16xi32>
        %scan3A_174 = arith.constant 11 : i32
        %scan3A_175 = arith.addi %scan3A_83, %scan3A_174 : i32
        %mul3A_176 = arith.constant 16 : i32
        %mul3A_177 = arith.muli %scan3A_75, %mul3A_176 : i32
        %get3A_178 = arith.index_cast %scan3A_175 : i32 to index
        %get3A_179 = arith.index_cast %mul3A_177 : i32 to index
        %get3A_180 = tpu.vector_load %arg8[%get3A_178, %get3A_179] {strides = array<i32>} : memref<16x128xi32, #tpu.memory_space<vmem>>, vector<16xi32>,
        %add3A_181 = arith.addi %add3A_173, %get3A_180 : vector<16xi32>
        %scan3A_182 = arith.constant 12 : i32
        %scan3A_183 = arith.addi %scan3A_83, %scan3A_182 : i32
        %mul3A_184 = arith.constant 16 : i32
        %mul3A_185 = arith.muli %scan3A_75, %mul3A_184 : i32
        %get3A_186 = arith.index_cast %scan3A_183 : i32 to index
        %get3A_187 = arith.index_cast %mul3A_185 : i32 to index
        %get3A_188 = tpu.vector_load %arg8[%get3A_186, %get3A_187] {strides = array<i32>} : memref<16x128xi32, #tpu.memory_space<vmem>>, vector<16xi32>,
        %add3A_189 = arith.addi %add3A_181, %get3A_188 : vector<16xi32>
        %scan3A_190 = arith.constant 13 : i32
        %scan3A_191 = arith.addi %scan3A_83, %scan3A_190 : i32
        %mul3A_192 = arith.constant 16 : i32
        %mul3A_193 = arith.muli %scan3A_75, %mul3A_192 : i32
        %get3A_194 = arith.index_cast %scan3A_191 : i32 to index
        %get3A_195 = arith.index_cast %mul3A_193 : i32 to index
        %get3A_196 = tpu.vector_load %arg8[%get3A_194, %get3A_195] {strides = array<i32>} : memref<16x128xi32, #tpu.memory_space<vmem>>, vector<16xi32>,
        %add3A_197 = arith.addi %add3A_189, %get3A_196 : vector<16xi32>
        %scan3A_198 = arith.constant 14 : i32
        %scan3A_199 = arith.addi %scan3A_83, %scan3A_198 : i32
        %mul3A_200 = arith.constant 16 : i32
        %mul3A_201 = arith.muli %scan3A_75, %mul3A_200 : i32
        %get3A_202 = arith.index_cast %scan3A_199 : i32 to index
        %get3A_203 = arith.index_cast %mul3A_201 : i32 to index
        %get3A_204 = tpu.vector_load %arg8[%get3A_202, %get3A_203] {strides = array<i32>} : memref<16x128xi32, #tpu.memory_space<vmem>>, vector<16xi32>,
        %add3A_205 = arith.addi %add3A_197, %get3A_204 : vector<16xi32>
        %scan3A_206 = arith.constant 15 : i32
        %reduce_max3A = arith.constant true
        %reduce_max3A_207 = vector.broadcast %reduce_max3A : i1 to vector<16xi1>
        %reduce_max3A_208 = arith.constant -2147483648 : i32
        %reduce_max3A_209 = vector.broadcast %reduce_max3A_208 : i32 to vector<16xi32>
        %reduce_max3A_210 = arith.xori %add3A_205, %reduce_max3A_209 : vector<16xi32>
        %reduce_max3A_211 = tpu.scan <max>, %reduce_max3A_210 masked %reduce_max3A_207 : vector<16xi32>, vector<16xi1> -> vector<16xi32>
        %reduce_max3A_212 = arith.xori %reduce_max3A_211, %reduce_max3A_209 : vector<16xi32>
        %reduce_max3A_213 = vector.extract %reduce_max3A_212[15] : i32 from vector<16xi32>
        %broadcast_in_dim3A_214 = vector.broadcast %reduce_max3A_213 : i32 to vector<16xi32>
        %eq3A_215 = arith.cmpi eq, %add3A_205, %broadcast_in_dim3A_214 : vector<16xi32>
        %all_reduce_ffs3A = tpu.all_reduce %eq3A_215 {dim = 0 : i64, kind = #tpu.reduction_kind<find_first_set>} : vector<16xi1> -> vector<16xi32>
        %reduce_max3A_216 = arith.constant true
        %reduce_max3A_217 = vector.broadcast %reduce_max3A_216 : i1 to vector<16xi1>
        %reduce_max3A_218 = arith.constant -2147483648 : i32
        %reduce_max3A_219 = vector.broadcast %reduce_max3A_218 : i32 to vector<16xi32>
        %reduce_max3A_220 = arith.xori %all_reduce_ffs3A, %reduce_max3A_219 : vector<16xi32>
        %reduce_max3A_221 = tpu.scan <max>, %reduce_max3A_220 masked %reduce_max3A_217 : vector<16xi32>, vector<16xi1> -> vector<16xi32>
        %reduce_max3A_222 = arith.xori %reduce_max3A_221, %reduce_max3A_219 : vector<16xi32>
        %reduce_max3A_223 = vector.extract %reduce_max3A_222[15] : i32 from vector<16xi32>
        %gt3A = arith.cmpi sgt, %reduce_max3A_213, %scan3A_76 : i32
        %select_n3A_224 = arith.select %gt3A, %reduce_max3A_213, %scan3A_76 : i32
        %mul3A_225 = arith.constant 128 : i32
        %mul3A_226 = arith.muli %arg1, %mul3A_225 : i32
        %mul3A_227 = arith.constant 16 : i32
        %mul3A_228 = arith.muli %scan3A_75, %mul3A_227 : i32
        %add3A_229 = arith.addi %mul3A_226, %mul3A_228 : i32
        %add3A_230 = arith.addi %add3A_229, %reduce_max3A_223 : i32
        %select_n3A_231 = arith.select %gt3A, %add3A_230, %scan3A_77 : i32
        scf.yield %select_n3A_224, %select_n3A_231 : i32, i32
      }
      %scan3A_60 = arith.constant 8 : i32
      %mul3A_61 = arith.constant 2 : i32
      %mul3A_62 = arith.muli %mul3A_61, %while3A_47 : i32
      %eq3A_63 = vector.broadcast %mul3A_62 : i32 to vector<16xi32>
      %eq3A_64 = arith.cmpi eq, %iota3A, %eq3A_63 : vector<16xi32>
      %broadcast_in_dim3A_65 = vector.broadcast %scan3A_59#0 : i32 to vector<16xi32>
      %select_n3A_66 = arith.select %eq3A_64, %broadcast_in_dim3A_65, %while3A_48 : vector<16xi1>, vector<16xi32>
      %mul3A_67 = arith.constant 2 : i32
      %mul3A_68 = arith.muli %mul3A_67, %while3A_47 : i32
      %add3A_69 = arith.constant 1 : i32
      %add3A_70 = arith.addi %mul3A_68, %add3A_69 : i32
      %eq3A_71 = vector.broadcast %add3A_70 : i32 to vector<16xi32>
      %eq3A_72 = arith.cmpi eq, %iota3A, %eq3A_71 : vector<16xi32>
      %broadcast_in_dim3A_73 = vector.broadcast %scan3A_59#1 : i32 to vector<16xi32>
      %select_n3A_74 = arith.select %eq3A_72, %broadcast_in_dim3A_73, %select_n3A_66 : vector<16xi1>, vector<16xi32>
      scf.yield %select_n3A_74 : vector<16xi32>
    }
    %swap3A = arith.constant 0 : index
    %swap3A_43 = tpu.vector_load %arg9[%swap3A] {strides = array<i32>} : memref<16xi32, #tpu.memory_space<vmem>>, vector<16xi32>,
    tpu.vector_store %arg9[%swap3A], %while3A_42 {strides = array<i32>} : memref<16xi32, #tpu.memory_space<vmem>>, vector<16xi32>,
    %mul3A = arith.constant 16 : i32
    %mul3A_44 = arith.muli %arg1, %mul3A : i32
    "tpu.region"() ({
      %run_scoped3A = tpu.sem_alloc : memref<!tpu.dma_semaphore, #tpu.memory_space<semaphore_mem>>
      %dma_start3A = tpu.memref_slice %arg14[%mul3A_44] : memref<256xi32, #tpu.memory_space<vmem_shared>> -> memref<16xi32, #tpu.memory_space<vmem_shared>>
      %dma_start3A_47 = tpu.memref_slice %arg14[%mul3A_44] : memref<256xi32, #tpu.memory_space<vmem_shared>> -> memref<16xi32, #tpu.memory_space<vmem_shared>>
      tpu.enqueue_dma source(%arg9 : memref<16xi32, #tpu.memory_space<vmem>>) target(%dma_start3A_47 : memref<16xi32, #tpu.memory_space<vmem_shared>>) target_semaphore(%run_scoped3A : memref<!tpu.dma_semaphore, #tpu.memory_space<semaphore_mem>>)
      %dma_wait3A = tpu.memref_slice %arg14[%mul3A_44] : memref<256xi32, #tpu.memory_space<vmem_shared>> -> memref<16xi32, #tpu.memory_space<vmem_shared>>
      %dma_wait3A_48 = tpu.memref_slice %arg14[%mul3A_44] : memref<256xi32, #tpu.memory_space<vmem_shared>> -> memref<16xi32, #tpu.memory_space<vmem_shared>>
      tpu.wait_dma2 semaphore(%run_scoped3A : memref<!tpu.dma_semaphore, #tpu.memory_space<semaphore_mem>>) src(%arg9 : memref<16xi32, #tpu.memory_space<vmem>>) dst(%dma_wait3A_48 : memref<16xi32, #tpu.memory_space<vmem_shared>>)
      tpu.yield
    }) : () -> ()
    %barrier3A_45 = arith.constant 0 : index
    tpu.barrier barrier_id(%barrier3A_45)
    %lt3A = arith.cmpi slt, %arg1, %select_n3A : i32
    %convert_element_type3A = arith.extui %lt3A : i1 to i32
    %cond3A = arith.constant 0 : i32
    %cond3A_46 = arith.cmpi ne, %convert_element_type3A, %cond3A : i32
    scf.if %cond3A_46 {
      %add3A = arith.addi %select_n3A_6, %arg1 : i32
      "tpu.region"() ({
        %run_scoped3A = tpu.sem_alloc : memref<!tpu.dma_semaphore, #tpu.memory_space<semaphore_mem>>
        tpu.enqueue_dma source(%arg14 : memref<256xi32, #tpu.memory_space<vmem_shared>>) target(%arg10 : memref<256xi32, #tpu.memory_space<vmem>>) target_semaphore(%run_scoped3A : memref<!tpu.dma_semaphore, #tpu.memory_space<semaphore_mem>>)
        tpu.wait_dma2 semaphore(%run_scoped3A : memref<!tpu.dma_semaphore, #tpu.memory_space<semaphore_mem>>) src(%arg14 : memref<256xi32, #tpu.memory_space<vmem_shared>>) dst(%arg10 : memref<256xi32, #tpu.memory_space<vmem>>)
        tpu.yield
      }) : () -> ()
      %broadcast_in_dim3A_47 = arith.constant -2147483647 : i32
      %broadcast_in_dim3A_48 = vector.broadcast %broadcast_in_dim3A_47 : i32 to vector<16xi32>
      %scan3A_49 = arith.constant -1 : i32
      %scan3A_50 = arith.constant 0 : i32
      %scan3A_51 = arith.constant 0 : i32
      %mul3A_52 = arith.constant 16 : i32
      %mul3A_53 = arith.muli %scan3A_51, %mul3A_52 : i32
      %get3A = arith.index_cast %mul3A_53 : i32 to index
      %get3A_54 = tpu.vector_load %arg10[%get3A] {strides = array<i32>} : memref<256xi32, #tpu.memory_space<vmem>>, vector<16xi32>,
      %mul3A_55 = arith.constant 2 : i32
      %mul3A_56 = arith.muli %mul3A_55, %arg1 : i32
      %eq3A_57 = vector.broadcast %mul3A_56 : i32 to vector<16xi32>
      %eq3A_58 = arith.cmpi eq, %iota3A, %eq3A_57 : vector<16xi32>
      %select_n3A_59 = arith.select %eq3A_58, %get3A_54, %broadcast_in_dim3A_48 : vector<16xi1>, vector<16xi32>
      %reduce_max3A = arith.constant true
      %reduce_max3A_60 = vector.broadcast %reduce_max3A : i1 to vector<16xi1>
      %reduce_max3A_61 = arith.constant -2147483648 : i32
      %reduce_max3A_62 = vector.broadcast %reduce_max3A_61 : i32 to vector<16xi32>
      %reduce_max3A_63 = arith.xori %select_n3A_59, %reduce_max3A_62 : vector<16xi32>
      %reduce_max3A_64 = tpu.scan <max>, %reduce_max3A_63 masked %reduce_max3A_60 : vector<16xi32>, vector<16xi1> -> vector<16xi32>
      %reduce_max3A_65 = arith.xori %reduce_max3A_64, %reduce_max3A_62 : vector<16xi32>
      %reduce_max3A_66 = vector.extract %reduce_max3A_65[15] : i32 from vector<16xi32>
      %mul3A_67 = arith.constant 2 : i32
      %mul3A_68 = arith.muli %mul3A_67, %arg1 : i32
      %add3A_69 = arith.constant 1 : i32
      %add3A_70 = arith.addi %mul3A_68, %add3A_69 : i32
      %eq3A_71 = vector.broadcast %add3A_70 : i32 to vector<16xi32>
      %eq3A_72 = arith.cmpi eq, %iota3A, %eq3A_71 : vector<16xi32>
      %select_n3A_73 = arith.select %eq3A_72, %get3A_54, %broadcast_in_dim3A_48 : vector<16xi1>, vector<16xi32>
      %reduce_max3A_74 = arith.constant true
      %reduce_max3A_75 = vector.broadcast %reduce_max3A_74 : i1 to vector<16xi1>
      %reduce_max3A_76 = arith.constant -2147483648 : i32
      %reduce_max3A_77 = vector.broadcast %reduce_max3A_76 : i32 to vector<16xi32>
      %reduce_max3A_78 = arith.xori %select_n3A_73, %reduce_max3A_77 : vector<16xi32>
      %reduce_max3A_79 = tpu.scan <max>, %reduce_max3A_78 masked %reduce_max3A_75 : vector<16xi32>, vector<16xi1> -> vector<16xi32>
      %reduce_max3A_80 = arith.xori %reduce_max3A_79, %reduce_max3A_77 : vector<16xi32>
      %reduce_max3A_81 = vector.extract %reduce_max3A_80[15] : i32 from vector<16xi32>
      %gt3A = arith.cmpi sgt, %reduce_max3A_66, %scan3A_49 : i32
      %select_n3A_82 = arith.select %gt3A, %reduce_max3A_66, %scan3A_49 : i32
      %select_n3A_83 = arith.select %gt3A, %reduce_max3A_81, %scan3A_50 : i32
      %scan3A_84 = arith.constant 1 : i32
      %mul3A_85 = arith.constant 16 : i32
      %mul3A_86 = arith.muli %scan3A_84, %mul3A_85 : i32
      %get3A_87 = arith.index_cast %mul3A_86 : i32 to index
      %get3A_88 = tpu.vector_load %arg10[%get3A_87] {strides = array<i32>} : memref<256xi32, #tpu.memory_space<vmem>>, vector<16xi32>,
      %mul3A_89 = arith.constant 2 : i32
      %mul3A_90 = arith.muli %mul3A_89, %arg1 : i32
      %eq3A_91 = vector.broadcast %mul3A_90 : i32 to vector<16xi32>
      %eq3A_92 = arith.cmpi eq, %iota3A, %eq3A_91 : vector<16xi32>
      %select_n3A_93 = arith.select %eq3A_92, %get3A_88, %broadcast_in_dim3A_48 : vector<16xi1>, vector<16xi32>
      %reduce_max3A_94 = arith.constant true
      %reduce_max3A_95 = vector.broadcast %reduce_max3A_94 : i1 to vector<16xi1>
      %reduce_max3A_96 = arith.constant -2147483648 : i32
      %reduce_max3A_97 = vector.broadcast %reduce_max3A_96 : i32 to vector<16xi32>
      %reduce_max3A_98 = arith.xori %select_n3A_93, %reduce_max3A_97 : vector<16xi32>
      %reduce_max3A_99 = tpu.scan <max>, %reduce_max3A_98 masked %reduce_max3A_95 : vector<16xi32>, vector<16xi1> -> vector<16xi32>
      %reduce_max3A_100 = arith.xori %reduce_max3A_99, %reduce_max3A_97 : vector<16xi32>
      %reduce_max3A_101 = vector.extract %reduce_max3A_100[15] : i32 from vector<16xi32>
      %mul3A_102 = arith.constant 2 : i32
      %mul3A_103 = arith.muli %mul3A_102, %arg1 : i32
      %add3A_104 = arith.constant 1 : i32
      %add3A_105 = arith.addi %mul3A_103, %add3A_104 : i32
      %eq3A_106 = vector.broadcast %add3A_105 : i32 to vector<16xi32>
      %eq3A_107 = arith.cmpi eq, %iota3A, %eq3A_106 : vector<16xi32>
      %select_n3A_108 = arith.select %eq3A_107, %get3A_88, %broadcast_in_dim3A_48 : vector<16xi1>, vector<16xi32>
      %reduce_max3A_109 = arith.constant true
      %reduce_max3A_110 = vector.broadcast %reduce_max3A_109 : i1 to vector<16xi1>
      %reduce_max3A_111 = arith.constant -2147483648 : i32
      %reduce_max3A_112 = vector.broadcast %reduce_max3A_111 : i32 to vector<16xi32>
      %reduce_max3A_113 = arith.xori %select_n3A_108, %reduce_max3A_112 : vector<16xi32>
      %reduce_max3A_114 = tpu.scan <max>, %reduce_max3A_113 masked %reduce_max3A_110 : vector<16xi32>, vector<16xi1> -> vector<16xi32>
      %reduce_max3A_115 = arith.xori %reduce_max3A_114, %reduce_max3A_112 : vector<16xi32>
      %reduce_max3A_116 = vector.extract %reduce_max3A_115[15] : i32 from vector<16xi32>
      %gt3A_117 = arith.cmpi sgt, %reduce_max3A_101, %select_n3A_82 : i32
      %select_n3A_118 = arith.select %gt3A_117, %reduce_max3A_101, %select_n3A_82 : i32
      %select_n3A_119 = arith.select %gt3A_117, %reduce_max3A_116, %select_n3A_83 : i32
      %scan3A_120 = arith.constant 2 : i32
      %mul3A_121 = arith.constant 16 : i32
      %mul3A_122 = arith.muli %scan3A_120, %mul3A_121 : i32
      %get3A_123 = arith.index_cast %mul3A_122 : i32 to index
      %get3A_124 = tpu.vector_load %arg10[%get3A_123] {strides = array<i32>} : memref<256xi32, #tpu.memory_space<vmem>>, vector<16xi32>,
      %mul3A_125 = arith.constant 2 : i32
      %mul3A_126 = arith.muli %mul3A_125, %arg1 : i32
      %eq3A_127 = vector.broadcast %mul3A_126 : i32 to vector<16xi32>
      %eq3A_128 = arith.cmpi eq, %iota3A, %eq3A_127 : vector<16xi32>
      %select_n3A_129 = arith.select %eq3A_128, %get3A_124, %broadcast_in_dim3A_48 : vector<16xi1>, vector<16xi32>
      %reduce_max3A_130 = arith.constant true
      %reduce_max3A_131 = vector.broadcast %reduce_max3A_130 : i1 to vector<16xi1>
      %reduce_max3A_132 = arith.constant -2147483648 : i32
      %reduce_max3A_133 = vector.broadcast %reduce_max3A_132 : i32 to vector<16xi32>
      %reduce_max3A_134 = arith.xori %select_n3A_129, %reduce_max3A_133 : vector<16xi32>
      %reduce_max3A_135 = tpu.scan <max>, %reduce_max3A_134 masked %reduce_max3A_131 : vector<16xi32>, vector<16xi1> -> vector<16xi32>
      %reduce_max3A_136 = arith.xori %reduce_max3A_135, %reduce_max3A_133 : vector<16xi32>
      %reduce_max3A_137 = vector.extract %reduce_max3A_136[15] : i32 from vector<16xi32>
      %mul3A_138 = arith.constant 2 : i32
      %mul3A_139 = arith.muli %mul3A_138, %arg1 : i32
      %add3A_140 = arith.constant 1 : i32
      %add3A_141 = arith.addi %mul3A_139, %add3A_140 : i32
      %eq3A_142 = vector.broadcast %add3A_141 : i32 to vector<16xi32>
      %eq3A_143 = arith.cmpi eq, %iota3A, %eq3A_142 : vector<16xi32>
      %select_n3A_144 = arith.select %eq3A_143, %get3A_124, %broadcast_in_dim3A_48 : vector<16xi1>, vector<16xi32>
      %reduce_max3A_145 = arith.constant true
      %reduce_max3A_146 = vector.broadcast %reduce_max3A_145 : i1 to vector<16xi1>
      %reduce_max3A_147 = arith.constant -2147483648 : i32
      %reduce_max3A_148 = vector.broadcast %reduce_max3A_147 : i32 to vector<16xi32>
      %reduce_max3A_149 = arith.xori %select_n3A_144, %reduce_max3A_148 : vector<16xi32>
      %reduce_max3A_150 = tpu.scan <max>, %reduce_max3A_149 masked %reduce_max3A_146 : vector<16xi32>, vector<16xi1> -> vector<16xi32>
      %reduce_max3A_151 = arith.xori %reduce_max3A_150, %reduce_max3A_148 : vector<16xi32>
      %reduce_max3A_152 = vector.extract %reduce_max3A_151[15] : i32 from vector<16xi32>
      %gt3A_153 = arith.cmpi sgt, %reduce_max3A_137, %select_n3A_118 : i32
      %select_n3A_154 = arith.select %gt3A_153, %reduce_max3A_137, %select_n3A_118 : i32
      %select_n3A_155 = arith.select %gt3A_153, %reduce_max3A_152, %select_n3A_119 : i32
      %scan3A_156 = arith.constant 3 : i32
      %mul3A_157 = arith.constant 16 : i32
      %mul3A_158 = arith.muli %scan3A_156, %mul3A_157 : i32
      %get3A_159 = arith.index_cast %mul3A_158 : i32 to index
      %get3A_160 = tpu.vector_load %arg10[%get3A_159] {strides = array<i32>} : memref<256xi32, #tpu.memory_space<vmem>>, vector<16xi32>,
      %mul3A_161 = arith.constant 2 : i32
      %mul3A_162 = arith.muli %mul3A_161, %arg1 : i32
      %eq3A_163 = vector.broadcast %mul3A_162 : i32 to vector<16xi32>
      %eq3A_164 = arith.cmpi eq, %iota3A, %eq3A_163 : vector<16xi32>
      %select_n3A_165 = arith.select %eq3A_164, %get3A_160, %broadcast_in_dim3A_48 : vector<16xi1>, vector<16xi32>
      %reduce_max3A_166 = arith.constant true
      %reduce_max3A_167 = vector.broadcast %reduce_max3A_166 : i1 to vector<16xi1>
      %reduce_max3A_168 = arith.constant -2147483648 : i32
      %reduce_max3A_169 = vector.broadcast %reduce_max3A_168 : i32 to vector<16xi32>
      %reduce_max3A_170 = arith.xori %select_n3A_165, %reduce_max3A_169 : vector<16xi32>
      %reduce_max3A_171 = tpu.scan <max>, %reduce_max3A_170 masked %reduce_max3A_167 : vector<16xi32>, vector<16xi1> -> vector<16xi32>
      %reduce_max3A_172 = arith.xori %reduce_max3A_171, %reduce_max3A_169 : vector<16xi32>
      %reduce_max3A_173 = vector.extract %reduce_max3A_172[15] : i32 from vector<16xi32>
      %mul3A_174 = arith.constant 2 : i32
      %mul3A_175 = arith.muli %mul3A_174, %arg1 : i32
      %add3A_176 = arith.constant 1 : i32
      %add3A_177 = arith.addi %mul3A_175, %add3A_176 : i32
      %eq3A_178 = vector.broadcast %add3A_177 : i32 to vector<16xi32>
      %eq3A_179 = arith.cmpi eq, %iota3A, %eq3A_178 : vector<16xi32>
      %select_n3A_180 = arith.select %eq3A_179, %get3A_160, %broadcast_in_dim3A_48 : vector<16xi1>, vector<16xi32>
      %reduce_max3A_181 = arith.constant true
      %reduce_max3A_182 = vector.broadcast %reduce_max3A_181 : i1 to vector<16xi1>
      %reduce_max3A_183 = arith.constant -2147483648 : i32
      %reduce_max3A_184 = vector.broadcast %reduce_max3A_183 : i32 to vector<16xi32>
      %reduce_max3A_185 = arith.xori %select_n3A_180, %reduce_max3A_184 : vector<16xi32>
      %reduce_max3A_186 = tpu.scan <max>, %reduce_max3A_185 masked %reduce_max3A_182 : vector<16xi32>, vector<16xi1> -> vector<16xi32>
      %reduce_max3A_187 = arith.xori %reduce_max3A_186, %reduce_max3A_184 : vector<16xi32>
      %reduce_max3A_188 = vector.extract %reduce_max3A_187[15] : i32 from vector<16xi32>
      %gt3A_189 = arith.cmpi sgt, %reduce_max3A_173, %select_n3A_154 : i32
      %select_n3A_190 = arith.select %gt3A_189, %reduce_max3A_173, %select_n3A_154 : i32
      %select_n3A_191 = arith.select %gt3A_189, %reduce_max3A_188, %select_n3A_155 : i32
      %scan3A_192 = arith.constant 4 : i32
      %mul3A_193 = arith.constant 16 : i32
      %mul3A_194 = arith.muli %scan3A_192, %mul3A_193 : i32
      %get3A_195 = arith.index_cast %mul3A_194 : i32 to index
      %get3A_196 = tpu.vector_load %arg10[%get3A_195] {strides = array<i32>} : memref<256xi32, #tpu.memory_space<vmem>>, vector<16xi32>,
      %mul3A_197 = arith.constant 2 : i32
      %mul3A_198 = arith.muli %mul3A_197, %arg1 : i32
      %eq3A_199 = vector.broadcast %mul3A_198 : i32 to vector<16xi32>
      %eq3A_200 = arith.cmpi eq, %iota3A, %eq3A_199 : vector<16xi32>
      %select_n3A_201 = arith.select %eq3A_200, %get3A_196, %broadcast_in_dim3A_48 : vector<16xi1>, vector<16xi32>
      %reduce_max3A_202 = arith.constant true
      %reduce_max3A_203 = vector.broadcast %reduce_max3A_202 : i1 to vector<16xi1>
      %reduce_max3A_204 = arith.constant -2147483648 : i32
      %reduce_max3A_205 = vector.broadcast %reduce_max3A_204 : i32 to vector<16xi32>
      %reduce_max3A_206 = arith.xori %select_n3A_201, %reduce_max3A_205 : vector<16xi32>
      %reduce_max3A_207 = tpu.scan <max>, %reduce_max3A_206 masked %reduce_max3A_203 : vector<16xi32>, vector<16xi1> -> vector<16xi32>
      %reduce_max3A_208 = arith.xori %reduce_max3A_207, %reduce_max3A_205 : vector<16xi32>
      %reduce_max3A_209 = vector.extract %reduce_max3A_208[15] : i32 from vector<16xi32>
      %mul3A_210 = arith.constant 2 : i32
      %mul3A_211 = arith.muli %mul3A_210, %arg1 : i32
      %add3A_212 = arith.constant 1 : i32
      %add3A_213 = arith.addi %mul3A_211, %add3A_212 : i32
      %eq3A_214 = vector.broadcast %add3A_213 : i32 to vector<16xi32>
      %eq3A_215 = arith.cmpi eq, %iota3A, %eq3A_214 : vector<16xi32>
      %select_n3A_216 = arith.select %eq3A_215, %get3A_196, %broadcast_in_dim3A_48 : vector<16xi1>, vector<16xi32>
      %reduce_max3A_217 = arith.constant true
      %reduce_max3A_218 = vector.broadcast %reduce_max3A_217 : i1 to vector<16xi1>
      %reduce_max3A_219 = arith.constant -2147483648 : i32
      %reduce_max3A_220 = vector.broadcast %reduce_max3A_219 : i32 to vector<16xi32>
      %reduce_max3A_221 = arith.xori %select_n3A_216, %reduce_max3A_220 : vector<16xi32>
      %reduce_max3A_222 = tpu.scan <max>, %reduce_max3A_221 masked %reduce_max3A_218 : vector<16xi32>, vector<16xi1> -> vector<16xi32>
      %reduce_max3A_223 = arith.xori %reduce_max3A_222, %reduce_max3A_220 : vector<16xi32>
      %reduce_max3A_224 = vector.extract %reduce_max3A_223[15] : i32 from vector<16xi32>
      %gt3A_225 = arith.cmpi sgt, %reduce_max3A_209, %select_n3A_190 : i32
      %select_n3A_226 = arith.select %gt3A_225, %reduce_max3A_209, %select_n3A_190 : i32
      %select_n3A_227 = arith.select %gt3A_225, %reduce_max3A_224, %select_n3A_191 : i32
      %scan3A_228 = arith.constant 5 : i32
      %mul3A_229 = arith.constant 16 : i32
      %mul3A_230 = arith.muli %scan3A_228, %mul3A_229 : i32
      %get3A_231 = arith.index_cast %mul3A_230 : i32 to index
      %get3A_232 = tpu.vector_load %arg10[%get3A_231] {strides = array<i32>} : memref<256xi32, #tpu.memory_space<vmem>>, vector<16xi32>,
      %mul3A_233 = arith.constant 2 : i32
      %mul3A_234 = arith.muli %mul3A_233, %arg1 : i32
      %eq3A_235 = vector.broadcast %mul3A_234 : i32 to vector<16xi32>
      %eq3A_236 = arith.cmpi eq, %iota3A, %eq3A_235 : vector<16xi32>
      %select_n3A_237 = arith.select %eq3A_236, %get3A_232, %broadcast_in_dim3A_48 : vector<16xi1>, vector<16xi32>
      %reduce_max3A_238 = arith.constant true
      %reduce_max3A_239 = vector.broadcast %reduce_max3A_238 : i1 to vector<16xi1>
      %reduce_max3A_240 = arith.constant -2147483648 : i32
      %reduce_max3A_241 = vector.broadcast %reduce_max3A_240 : i32 to vector<16xi32>
      %reduce_max3A_242 = arith.xori %select_n3A_237, %reduce_max3A_241 : vector<16xi32>
      %reduce_max3A_243 = tpu.scan <max>, %reduce_max3A_242 masked %reduce_max3A_239 : vector<16xi32>, vector<16xi1> -> vector<16xi32>
      %reduce_max3A_244 = arith.xori %reduce_max3A_243, %reduce_max3A_241 : vector<16xi32>
      %reduce_max3A_245 = vector.extract %reduce_max3A_244[15] : i32 from vector<16xi32>
      %mul3A_246 = arith.constant 2 : i32
      %mul3A_247 = arith.muli %mul3A_246, %arg1 : i32
      %add3A_248 = arith.constant 1 : i32
      %add3A_249 = arith.addi %mul3A_247, %add3A_248 : i32
      %eq3A_250 = vector.broadcast %add3A_249 : i32 to vector<16xi32>
      %eq3A_251 = arith.cmpi eq, %iota3A, %eq3A_250 : vector<16xi32>
      %select_n3A_252 = arith.select %eq3A_251, %get3A_232, %broadcast_in_dim3A_48 : vector<16xi1>, vector<16xi32>
      %reduce_max3A_253 = arith.constant true
      %reduce_max3A_254 = vector.broadcast %reduce_max3A_253 : i1 to vector<16xi1>
      %reduce_max3A_255 = arith.constant -2147483648 : i32
      %reduce_max3A_256 = vector.broadcast %reduce_max3A_255 : i32 to vector<16xi32>
      %reduce_max3A_257 = arith.xori %select_n3A_252, %reduce_max3A_256 : vector<16xi32>
      %reduce_max3A_258 = tpu.scan <max>, %reduce_max3A_257 masked %reduce_max3A_254 : vector<16xi32>, vector<16xi1> -> vector<16xi32>
      %reduce_max3A_259 = arith.xori %reduce_max3A_258, %reduce_max3A_256 : vector<16xi32>
      %reduce_max3A_260 = vector.extract %reduce_max3A_259[15] : i32 from vector<16xi32>
      %gt3A_261 = arith.cmpi sgt, %reduce_max3A_245, %select_n3A_226 : i32
      %select_n3A_262 = arith.select %gt3A_261, %reduce_max3A_245, %select_n3A_226 : i32
      %select_n3A_263 = arith.select %gt3A_261, %reduce_max3A_260, %select_n3A_227 : i32
      %scan3A_264 = arith.constant 6 : i32
      %mul3A_265 = arith.constant 16 : i32
      %mul3A_266 = arith.muli %scan3A_264, %mul3A_265 : i32
      %get3A_267 = arith.index_cast %mul3A_266 : i32 to index
      %get3A_268 = tpu.vector_load %arg10[%get3A_267] {strides = array<i32>} : memref<256xi32, #tpu.memory_space<vmem>>, vector<16xi32>,
      %mul3A_269 = arith.constant 2 : i32
      %mul3A_270 = arith.muli %mul3A_269, %arg1 : i32
      %eq3A_271 = vector.broadcast %mul3A_270 : i32 to vector<16xi32>
      %eq3A_272 = arith.cmpi eq, %iota3A, %eq3A_271 : vector<16xi32>
      %select_n3A_273 = arith.select %eq3A_272, %get3A_268, %broadcast_in_dim3A_48 : vector<16xi1>, vector<16xi32>
      %reduce_max3A_274 = arith.constant true
      %reduce_max3A_275 = vector.broadcast %reduce_max3A_274 : i1 to vector<16xi1>
      %reduce_max3A_276 = arith.constant -2147483648 : i32
      %reduce_max3A_277 = vector.broadcast %reduce_max3A_276 : i32 to vector<16xi32>
      %reduce_max3A_278 = arith.xori %select_n3A_273, %reduce_max3A_277 : vector<16xi32>
      %reduce_max3A_279 = tpu.scan <max>, %reduce_max3A_278 masked %reduce_max3A_275 : vector<16xi32>, vector<16xi1> -> vector<16xi32>
      %reduce_max3A_280 = arith.xori %reduce_max3A_279, %reduce_max3A_277 : vector<16xi32>
      %reduce_max3A_281 = vector.extract %reduce_max3A_280[15] : i32 from vector<16xi32>
      %mul3A_282 = arith.constant 2 : i32
      %mul3A_283 = arith.muli %mul3A_282, %arg1 : i32
      %add3A_284 = arith.constant 1 : i32
      %add3A_285 = arith.addi %mul3A_283, %add3A_284 : i32
      %eq3A_286 = vector.broadcast %add3A_285 : i32 to vector<16xi32>
      %eq3A_287 = arith.cmpi eq, %iota3A, %eq3A_286 : vector<16xi32>
      %select_n3A_288 = arith.select %eq3A_287, %get3A_268, %broadcast_in_dim3A_48 : vector<16xi1>, vector<16xi32>
      %reduce_max3A_289 = arith.constant true
      %reduce_max3A_290 = vector.broadcast %reduce_max3A_289 : i1 to vector<16xi1>
      %reduce_max3A_291 = arith.constant -2147483648 : i32
      %reduce_max3A_292 = vector.broadcast %reduce_max3A_291 : i32 to vector<16xi32>
      %reduce_max3A_293 = arith.xori %select_n3A_288, %reduce_max3A_292 : vector<16xi32>
      %reduce_max3A_294 = tpu.scan <max>, %reduce_max3A_293 masked %reduce_max3A_290 : vector<16xi32>, vector<16xi1> -> vector<16xi32>
      %reduce_max3A_295 = arith.xori %reduce_max3A_294, %reduce_max3A_292 : vector<16xi32>
      %reduce_max3A_296 = vector.extract %reduce_max3A_295[15] : i32 from vector<16xi32>
      %gt3A_297 = arith.cmpi sgt, %reduce_max3A_281, %select_n3A_262 : i32
      %select_n3A_298 = arith.select %gt3A_297, %reduce_max3A_281, %select_n3A_262 : i32
      %select_n3A_299 = arith.select %gt3A_297, %reduce_max3A_296, %select_n3A_263 : i32
      %scan3A_300 = arith.constant 7 : i32
      %mul3A_301 = arith.constant 16 : i32
      %mul3A_302 = arith.muli %scan3A_300, %mul3A_301 : i32
      %get3A_303 = arith.index_cast %mul3A_302 : i32 to index
      %get3A_304 = tpu.vector_load %arg10[%get3A_303] {strides = array<i32>} : memref<256xi32, #tpu.memory_space<vmem>>, vector<16xi32>,
      %mul3A_305 = arith.constant 2 : i32
      %mul3A_306 = arith.muli %mul3A_305, %arg1 : i32
      %eq3A_307 = vector.broadcast %mul3A_306 : i32 to vector<16xi32>
      %eq3A_308 = arith.cmpi eq, %iota3A, %eq3A_307 : vector<16xi32>
      %select_n3A_309 = arith.select %eq3A_308, %get3A_304, %broadcast_in_dim3A_48 : vector<16xi1>, vector<16xi32>
      %reduce_max3A_310 = arith.constant true
      %reduce_max3A_311 = vector.broadcast %reduce_max3A_310 : i1 to vector<16xi1>
      %reduce_max3A_312 = arith.constant -2147483648 : i32
      %reduce_max3A_313 = vector.broadcast %reduce_max3A_312 : i32 to vector<16xi32>
      %reduce_max3A_314 = arith.xori %select_n3A_309, %reduce_max3A_313 : vector<16xi32>
      %reduce_max3A_315 = tpu.scan <max>, %reduce_max3A_314 masked %reduce_max3A_311 : vector<16xi32>, vector<16xi1> -> vector<16xi32>
      %reduce_max3A_316 = arith.xori %reduce_max3A_315, %reduce_max3A_313 : vector<16xi32>
      %reduce_max3A_317 = vector.extract %reduce_max3A_316[15] : i32 from vector<16xi32>
      %mul3A_318 = arith.constant 2 : i32
      %mul3A_319 = arith.muli %mul3A_318, %arg1 : i32
      %add3A_320 = arith.constant 1 : i32
      %add3A_321 = arith.addi %mul3A_319, %add3A_320 : i32
      %eq3A_322 = vector.broadcast %add3A_321 : i32 to vector<16xi32>
      %eq3A_323 = arith.cmpi eq, %iota3A, %eq3A_322 : vector<16xi32>
      %select_n3A_324 = arith.select %eq3A_323, %get3A_304, %broadcast_in_dim3A_48 : vector<16xi1>, vector<16xi32>
      %reduce_max3A_325 = arith.constant true
      %reduce_max3A_326 = vector.broadcast %reduce_max3A_325 : i1 to vector<16xi1>
      %reduce_max3A_327 = arith.constant -2147483648 : i32
      %reduce_max3A_328 = vector.broadcast %reduce_max3A_327 : i32 to vector<16xi32>
      %reduce_max3A_329 = arith.xori %select_n3A_324, %reduce_max3A_328 : vector<16xi32>
      %reduce_max3A_330 = tpu.scan <max>, %reduce_max3A_329 masked %reduce_max3A_326 : vector<16xi32>, vector<16xi1> -> vector<16xi32>
      %reduce_max3A_331 = arith.xori %reduce_max3A_330, %reduce_max3A_328 : vector<16xi32>
      %reduce_max3A_332 = vector.extract %reduce_max3A_331[15] : i32 from vector<16xi32>
      %gt3A_333 = arith.cmpi sgt, %reduce_max3A_317, %select_n3A_298 : i32
      %select_n3A_334 = arith.select %gt3A_333, %reduce_max3A_317, %select_n3A_298 : i32
      %select_n3A_335 = arith.select %gt3A_333, %reduce_max3A_332, %select_n3A_299 : i32
      %scan3A_336 = arith.constant 8 : i32
      %mul3A_337 = arith.constant 16 : i32
      %mul3A_338 = arith.muli %scan3A_336, %mul3A_337 : i32
      %get3A_339 = arith.index_cast %mul3A_338 : i32 to index
      %get3A_340 = tpu.vector_load %arg10[%get3A_339] {strides = array<i32>} : memref<256xi32, #tpu.memory_space<vmem>>, vector<16xi32>,
      %mul3A_341 = arith.constant 2 : i32
      %mul3A_342 = arith.muli %mul3A_341, %arg1 : i32
      %eq3A_343 = vector.broadcast %mul3A_342 : i32 to vector<16xi32>
      %eq3A_344 = arith.cmpi eq, %iota3A, %eq3A_343 : vector<16xi32>
      %select_n3A_345 = arith.select %eq3A_344, %get3A_340, %broadcast_in_dim3A_48 : vector<16xi1>, vector<16xi32>
      %reduce_max3A_346 = arith.constant true
      %reduce_max3A_347 = vector.broadcast %reduce_max3A_346 : i1 to vector<16xi1>
      %reduce_max3A_348 = arith.constant -2147483648 : i32
      %reduce_max3A_349 = vector.broadcast %reduce_max3A_348 : i32 to vector<16xi32>
      %reduce_max3A_350 = arith.xori %select_n3A_345, %reduce_max3A_349 : vector<16xi32>
      %reduce_max3A_351 = tpu.scan <max>, %reduce_max3A_350 masked %reduce_max3A_347 : vector<16xi32>, vector<16xi1> -> vector<16xi32>
      %reduce_max3A_352 = arith.xori %reduce_max3A_351, %reduce_max3A_349 : vector<16xi32>
      %reduce_max3A_353 = vector.extract %reduce_max3A_352[15] : i32 from vector<16xi32>
      %mul3A_354 = arith.constant 2 : i32
      %mul3A_355 = arith.muli %mul3A_354, %arg1 : i32
      %add3A_356 = arith.constant 1 : i32
      %add3A_357 = arith.addi %mul3A_355, %add3A_356 : i32
      %eq3A_358 = vector.broadcast %add3A_357 : i32 to vector<16xi32>
      %eq3A_359 = arith.cmpi eq, %iota3A, %eq3A_358 : vector<16xi32>
      %select_n3A_360 = arith.select %eq3A_359, %get3A_340, %broadcast_in_dim3A_48 : vector<16xi1>, vector<16xi32>
      %reduce_max3A_361 = arith.constant true
      %reduce_max3A_362 = vector.broadcast %reduce_max3A_361 : i1 to vector<16xi1>
      %reduce_max3A_363 = arith.constant -2147483648 : i32
      %reduce_max3A_364 = vector.broadcast %reduce_max3A_363 : i32 to vector<16xi32>
      %reduce_max3A_365 = arith.xori %select_n3A_360, %reduce_max3A_364 : vector<16xi32>
      %reduce_max3A_366 = tpu.scan <max>, %reduce_max3A_365 masked %reduce_max3A_362 : vector<16xi32>, vector<16xi1> -> vector<16xi32>
      %reduce_max3A_367 = arith.xori %reduce_max3A_366, %reduce_max3A_364 : vector<16xi32>
      %reduce_max3A_368 = vector.extract %reduce_max3A_367[15] : i32 from vector<16xi32>
      %gt3A_369 = arith.cmpi sgt, %reduce_max3A_353, %select_n3A_334 : i32
      %select_n3A_370 = arith.select %gt3A_369, %reduce_max3A_353, %select_n3A_334 : i32
      %select_n3A_371 = arith.select %gt3A_369, %reduce_max3A_368, %select_n3A_335 : i32
      %scan3A_372 = arith.constant 9 : i32
      %mul3A_373 = arith.constant 16 : i32
      %mul3A_374 = arith.muli %scan3A_372, %mul3A_373 : i32
      %get3A_375 = arith.index_cast %mul3A_374 : i32 to index
      %get3A_376 = tpu.vector_load %arg10[%get3A_375] {strides = array<i32>} : memref<256xi32, #tpu.memory_space<vmem>>, vector<16xi32>,
      %mul3A_377 = arith.constant 2 : i32
      %mul3A_378 = arith.muli %mul3A_377, %arg1 : i32
      %eq3A_379 = vector.broadcast %mul3A_378 : i32 to vector<16xi32>
      %eq3A_380 = arith.cmpi eq, %iota3A, %eq3A_379 : vector<16xi32>
      %select_n3A_381 = arith.select %eq3A_380, %get3A_376, %broadcast_in_dim3A_48 : vector<16xi1>, vector<16xi32>
      %reduce_max3A_382 = arith.constant true
      %reduce_max3A_383 = vector.broadcast %reduce_max3A_382 : i1 to vector<16xi1>
      %reduce_max3A_384 = arith.constant -2147483648 : i32
      %reduce_max3A_385 = vector.broadcast %reduce_max3A_384 : i32 to vector<16xi32>
      %reduce_max3A_386 = arith.xori %select_n3A_381, %reduce_max3A_385 : vector<16xi32>
      %reduce_max3A_387 = tpu.scan <max>, %reduce_max3A_386 masked %reduce_max3A_383 : vector<16xi32>, vector<16xi1> -> vector<16xi32>
      %reduce_max3A_388 = arith.xori %reduce_max3A_387, %reduce_max3A_385 : vector<16xi32>
      %reduce_max3A_389 = vector.extract %reduce_max3A_388[15] : i32 from vector<16xi32>
      %mul3A_390 = arith.constant 2 : i32
      %mul3A_391 = arith.muli %mul3A_390, %arg1 : i32
      %add3A_392 = arith.constant 1 : i32
      %add3A_393 = arith.addi %mul3A_391, %add3A_392 : i32
      %eq3A_394 = vector.broadcast %add3A_393 : i32 to vector<16xi32>
      %eq3A_395 = arith.cmpi eq, %iota3A, %eq3A_394 : vector<16xi32>
      %select_n3A_396 = arith.select %eq3A_395, %get3A_376, %broadcast_in_dim3A_48 : vector<16xi1>, vector<16xi32>
      %reduce_max3A_397 = arith.constant true
      %reduce_max3A_398 = vector.broadcast %reduce_max3A_397 : i1 to vector<16xi1>
      %reduce_max3A_399 = arith.constant -2147483648 : i32
      %reduce_max3A_400 = vector.broadcast %reduce_max3A_399 : i32 to vector<16xi32>
      %reduce_max3A_401 = arith.xori %select_n3A_396, %reduce_max3A_400 : vector<16xi32>
      %reduce_max3A_402 = tpu.scan <max>, %reduce_max3A_401 masked %reduce_max3A_398 : vector<16xi32>, vector<16xi1> -> vector<16xi32>
      %reduce_max3A_403 = arith.xori %reduce_max3A_402, %reduce_max3A_400 : vector<16xi32>
      %reduce_max3A_404 = vector.extract %reduce_max3A_403[15] : i32 from vector<16xi32>
      %gt3A_405 = arith.cmpi sgt, %reduce_max3A_389, %select_n3A_370 : i32
      %select_n3A_406 = arith.select %gt3A_405, %reduce_max3A_389, %select_n3A_370 : i32
      %select_n3A_407 = arith.select %gt3A_405, %reduce_max3A_404, %select_n3A_371 : i32
      %scan3A_408 = arith.constant 10 : i32
      %mul3A_409 = arith.constant 16 : i32
      %mul3A_410 = arith.muli %scan3A_408, %mul3A_409 : i32
      %get3A_411 = arith.index_cast %mul3A_410 : i32 to index
      %get3A_412 = tpu.vector_load %arg10[%get3A_411] {strides = array<i32>} : memref<256xi32, #tpu.memory_space<vmem>>, vector<16xi32>,
      %mul3A_413 = arith.constant 2 : i32
      %mul3A_414 = arith.muli %mul3A_413, %arg1 : i32
      %eq3A_415 = vector.broadcast %mul3A_414 : i32 to vector<16xi32>
      %eq3A_416 = arith.cmpi eq, %iota3A, %eq3A_415 : vector<16xi32>
      %select_n3A_417 = arith.select %eq3A_416, %get3A_412, %broadcast_in_dim3A_48 : vector<16xi1>, vector<16xi32>
      %reduce_max3A_418 = arith.constant true
      %reduce_max3A_419 = vector.broadcast %reduce_max3A_418 : i1 to vector<16xi1>
      %reduce_max3A_420 = arith.constant -2147483648 : i32
      %reduce_max3A_421 = vector.broadcast %reduce_max3A_420 : i32 to vector<16xi32>
      %reduce_max3A_422 = arith.xori %select_n3A_417, %reduce_max3A_421 : vector<16xi32>
      %reduce_max3A_423 = tpu.scan <max>, %reduce_max3A_422 masked %reduce_max3A_419 : vector<16xi32>, vector<16xi1> -> vector<16xi32>
      %reduce_max3A_424 = arith.xori %reduce_max3A_423, %reduce_max3A_421 : vector<16xi32>
      %reduce_max3A_425 = vector.extract %reduce_max3A_424[15] : i32 from vector<16xi32>
      %mul3A_426 = arith.constant 2 : i32
      %mul3A_427 = arith.muli %mul3A_426, %arg1 : i32
      %add3A_428 = arith.constant 1 : i32
      %add3A_429 = arith.addi %mul3A_427, %add3A_428 : i32
      %eq3A_430 = vector.broadcast %add3A_429 : i32 to vector<16xi32>
      %eq3A_431 = arith.cmpi eq, %iota3A, %eq3A_430 : vector<16xi32>
      %select_n3A_432 = arith.select %eq3A_431, %get3A_412, %broadcast_in_dim3A_48 : vector<16xi1>, vector<16xi32>
      %reduce_max3A_433 = arith.constant true
      %reduce_max3A_434 = vector.broadcast %reduce_max3A_433 : i1 to vector<16xi1>
      %reduce_max3A_435 = arith.constant -2147483648 : i32
      %reduce_max3A_436 = vector.broadcast %reduce_max3A_435 : i32 to vector<16xi32>
      %reduce_max3A_437 = arith.xori %select_n3A_432, %reduce_max3A_436 : vector<16xi32>
      %reduce_max3A_438 = tpu.scan <max>, %reduce_max3A_437 masked %reduce_max3A_434 : vector<16xi32>, vector<16xi1> -> vector<16xi32>
      %reduce_max3A_439 = arith.xori %reduce_max3A_438, %reduce_max3A_436 : vector<16xi32>
      %reduce_max3A_440 = vector.extract %reduce_max3A_439[15] : i32 from vector<16xi32>
      %gt3A_441 = arith.cmpi sgt, %reduce_max3A_425, %select_n3A_406 : i32
      %select_n3A_442 = arith.select %gt3A_441, %reduce_max3A_425, %select_n3A_406 : i32
      %select_n3A_443 = arith.select %gt3A_441, %reduce_max3A_440, %select_n3A_407 : i32
      %scan3A_444 = arith.constant 11 : i32
      %mul3A_445 = arith.constant 16 : i32
      %mul3A_446 = arith.muli %scan3A_444, %mul3A_445 : i32
      %get3A_447 = arith.index_cast %mul3A_446 : i32 to index
      %get3A_448 = tpu.vector_load %arg10[%get3A_447] {strides = array<i32>} : memref<256xi32, #tpu.memory_space<vmem>>, vector<16xi32>,
      %mul3A_449 = arith.constant 2 : i32
      %mul3A_450 = arith.muli %mul3A_449, %arg1 : i32
      %eq3A_451 = vector.broadcast %mul3A_450 : i32 to vector<16xi32>
      %eq3A_452 = arith.cmpi eq, %iota3A, %eq3A_451 : vector<16xi32>
      %select_n3A_453 = arith.select %eq3A_452, %get3A_448, %broadcast_in_dim3A_48 : vector<16xi1>, vector<16xi32>
      %reduce_max3A_454 = arith.constant true
      %reduce_max3A_455 = vector.broadcast %reduce_max3A_454 : i1 to vector<16xi1>
      %reduce_max3A_456 = arith.constant -2147483648 : i32
      %reduce_max3A_457 = vector.broadcast %reduce_max3A_456 : i32 to vector<16xi32>
      %reduce_max3A_458 = arith.xori %select_n3A_453, %reduce_max3A_457 : vector<16xi32>
      %reduce_max3A_459 = tpu.scan <max>, %reduce_max3A_458 masked %reduce_max3A_455 : vector<16xi32>, vector<16xi1> -> vector<16xi32>
      %reduce_max3A_460 = arith.xori %reduce_max3A_459, %reduce_max3A_457 : vector<16xi32>
      %reduce_max3A_461 = vector.extract %reduce_max3A_460[15] : i32 from vector<16xi32>
      %mul3A_462 = arith.constant 2 : i32
      %mul3A_463 = arith.muli %mul3A_462, %arg1 : i32
      %add3A_464 = arith.constant 1 : i32
      %add3A_465 = arith.addi %mul3A_463, %add3A_464 : i32
      %eq3A_466 = vector.broadcast %add3A_465 : i32 to vector<16xi32>
      %eq3A_467 = arith.cmpi eq, %iota3A, %eq3A_466 : vector<16xi32>
      %select_n3A_468 = arith.select %eq3A_467, %get3A_448, %broadcast_in_dim3A_48 : vector<16xi1>, vector<16xi32>
      %reduce_max3A_469 = arith.constant true
      %reduce_max3A_470 = vector.broadcast %reduce_max3A_469 : i1 to vector<16xi1>
      %reduce_max3A_471 = arith.constant -2147483648 : i32
      %reduce_max3A_472 = vector.broadcast %reduce_max3A_471 : i32 to vector<16xi32>
      %reduce_max3A_473 = arith.xori %select_n3A_468, %reduce_max3A_472 : vector<16xi32>
      %reduce_max3A_474 = tpu.scan <max>, %reduce_max3A_473 masked %reduce_max3A_470 : vector<16xi32>, vector<16xi1> -> vector<16xi32>
      %reduce_max3A_475 = arith.xori %reduce_max3A_474, %reduce_max3A_472 : vector<16xi32>
      %reduce_max3A_476 = vector.extract %reduce_max3A_475[15] : i32 from vector<16xi32>
      %gt3A_477 = arith.cmpi sgt, %reduce_max3A_461, %select_n3A_442 : i32
      %select_n3A_478 = arith.select %gt3A_477, %reduce_max3A_461, %select_n3A_442 : i32
      %select_n3A_479 = arith.select %gt3A_477, %reduce_max3A_476, %select_n3A_443 : i32
      %scan3A_480 = arith.constant 12 : i32
      %mul3A_481 = arith.constant 16 : i32
      %mul3A_482 = arith.muli %scan3A_480, %mul3A_481 : i32
      %get3A_483 = arith.index_cast %mul3A_482 : i32 to index
      %get3A_484 = tpu.vector_load %arg10[%get3A_483] {strides = array<i32>} : memref<256xi32, #tpu.memory_space<vmem>>, vector<16xi32>,
      %mul3A_485 = arith.constant 2 : i32
      %mul3A_486 = arith.muli %mul3A_485, %arg1 : i32
      %eq3A_487 = vector.broadcast %mul3A_486 : i32 to vector<16xi32>
      %eq3A_488 = arith.cmpi eq, %iota3A, %eq3A_487 : vector<16xi32>
      %select_n3A_489 = arith.select %eq3A_488, %get3A_484, %broadcast_in_dim3A_48 : vector<16xi1>, vector<16xi32>
      %reduce_max3A_490 = arith.constant true
      %reduce_max3A_491 = vector.broadcast %reduce_max3A_490 : i1 to vector<16xi1>
      %reduce_max3A_492 = arith.constant -2147483648 : i32
      %reduce_max3A_493 = vector.broadcast %reduce_max3A_492 : i32 to vector<16xi32>
      %reduce_max3A_494 = arith.xori %select_n3A_489, %reduce_max3A_493 : vector<16xi32>
      %reduce_max3A_495 = tpu.scan <max>, %reduce_max3A_494 masked %reduce_max3A_491 : vector<16xi32>, vector<16xi1> -> vector<16xi32>
      %reduce_max3A_496 = arith.xori %reduce_max3A_495, %reduce_max3A_493 : vector<16xi32>
      %reduce_max3A_497 = vector.extract %reduce_max3A_496[15] : i32 from vector<16xi32>
      %mul3A_498 = arith.constant 2 : i32
      %mul3A_499 = arith.muli %mul3A_498, %arg1 : i32
      %add3A_500 = arith.constant 1 : i32
      %add3A_501 = arith.addi %mul3A_499, %add3A_500 : i32
      %eq3A_502 = vector.broadcast %add3A_501 : i32 to vector<16xi32>
      %eq3A_503 = arith.cmpi eq, %iota3A, %eq3A_502 : vector<16xi32>
      %select_n3A_504 = arith.select %eq3A_503, %get3A_484, %broadcast_in_dim3A_48 : vector<16xi1>, vector<16xi32>
      %reduce_max3A_505 = arith.constant true
      %reduce_max3A_506 = vector.broadcast %reduce_max3A_505 : i1 to vector<16xi1>
      %reduce_max3A_507 = arith.constant -2147483648 : i32
      %reduce_max3A_508 = vector.broadcast %reduce_max3A_507 : i32 to vector<16xi32>
      %reduce_max3A_509 = arith.xori %select_n3A_504, %reduce_max3A_508 : vector<16xi32>
      %reduce_max3A_510 = tpu.scan <max>, %reduce_max3A_509 masked %reduce_max3A_506 : vector<16xi32>, vector<16xi1> -> vector<16xi32>
      %reduce_max3A_511 = arith.xori %reduce_max3A_510, %reduce_max3A_508 : vector<16xi32>
      %reduce_max3A_512 = vector.extract %reduce_max3A_511[15] : i32 from vector<16xi32>
      %gt3A_513 = arith.cmpi sgt, %reduce_max3A_497, %select_n3A_478 : i32
      %select_n3A_514 = arith.select %gt3A_513, %reduce_max3A_497, %select_n3A_478 : i32
      %select_n3A_515 = arith.select %gt3A_513, %reduce_max3A_512, %select_n3A_479 : i32
      %scan3A_516 = arith.constant 13 : i32
      %mul3A_517 = arith.constant 16 : i32
      %mul3A_518 = arith.muli %scan3A_516, %mul3A_517 : i32
      %get3A_519 = arith.index_cast %mul3A_518 : i32 to index
      %get3A_520 = tpu.vector_load %arg10[%get3A_519] {strides = array<i32>} : memref<256xi32, #tpu.memory_space<vmem>>, vector<16xi32>,
      %mul3A_521 = arith.constant 2 : i32
      %mul3A_522 = arith.muli %mul3A_521, %arg1 : i32
      %eq3A_523 = vector.broadcast %mul3A_522 : i32 to vector<16xi32>
      %eq3A_524 = arith.cmpi eq, %iota3A, %eq3A_523 : vector<16xi32>
      %select_n3A_525 = arith.select %eq3A_524, %get3A_520, %broadcast_in_dim3A_48 : vector<16xi1>, vector<16xi32>
      %reduce_max3A_526 = arith.constant true
      %reduce_max3A_527 = vector.broadcast %reduce_max3A_526 : i1 to vector<16xi1>
      %reduce_max3A_528 = arith.constant -2147483648 : i32
      %reduce_max3A_529 = vector.broadcast %reduce_max3A_528 : i32 to vector<16xi32>
      %reduce_max3A_530 = arith.xori %select_n3A_525, %reduce_max3A_529 : vector<16xi32>
      %reduce_max3A_531 = tpu.scan <max>, %reduce_max3A_530 masked %reduce_max3A_527 : vector<16xi32>, vector<16xi1> -> vector<16xi32>
      %reduce_max3A_532 = arith.xori %reduce_max3A_531, %reduce_max3A_529 : vector<16xi32>
      %reduce_max3A_533 = vector.extract %reduce_max3A_532[15] : i32 from vector<16xi32>
      %mul3A_534 = arith.constant 2 : i32
      %mul3A_535 = arith.muli %mul3A_534, %arg1 : i32
      %add3A_536 = arith.constant 1 : i32
      %add3A_537 = arith.addi %mul3A_535, %add3A_536 : i32
      %eq3A_538 = vector.broadcast %add3A_537 : i32 to vector<16xi32>
      %eq3A_539 = arith.cmpi eq, %iota3A, %eq3A_538 : vector<16xi32>
      %select_n3A_540 = arith.select %eq3A_539, %get3A_520, %broadcast_in_dim3A_48 : vector<16xi1>, vector<16xi32>
      %reduce_max3A_541 = arith.constant true
      %reduce_max3A_542 = vector.broadcast %reduce_max3A_541 : i1 to vector<16xi1>
      %reduce_max3A_543 = arith.constant -2147483648 : i32
      %reduce_max3A_544 = vector.broadcast %reduce_max3A_543 : i32 to vector<16xi32>
      %reduce_max3A_545 = arith.xori %select_n3A_540, %reduce_max3A_544 : vector<16xi32>
      %reduce_max3A_546 = tpu.scan <max>, %reduce_max3A_545 masked %reduce_max3A_542 : vector<16xi32>, vector<16xi1> -> vector<16xi32>
      %reduce_max3A_547 = arith.xori %reduce_max3A_546, %reduce_max3A_544 : vector<16xi32>
      %reduce_max3A_548 = vector.extract %reduce_max3A_547[15] : i32 from vector<16xi32>
      %gt3A_549 = arith.cmpi sgt, %reduce_max3A_533, %select_n3A_514 : i32
      %select_n3A_550 = arith.select %gt3A_549, %reduce_max3A_533, %select_n3A_514 : i32
      %select_n3A_551 = arith.select %gt3A_549, %reduce_max3A_548, %select_n3A_515 : i32
      %scan3A_552 = arith.constant 14 : i32
      %mul3A_553 = arith.constant 16 : i32
      %mul3A_554 = arith.muli %scan3A_552, %mul3A_553 : i32
      %get3A_555 = arith.index_cast %mul3A_554 : i32 to index
      %get3A_556 = tpu.vector_load %arg10[%get3A_555] {strides = array<i32>} : memref<256xi32, #tpu.memory_space<vmem>>, vector<16xi32>,
      %mul3A_557 = arith.constant 2 : i32
      %mul3A_558 = arith.muli %mul3A_557, %arg1 : i32
      %eq3A_559 = vector.broadcast %mul3A_558 : i32 to vector<16xi32>
      %eq3A_560 = arith.cmpi eq, %iota3A, %eq3A_559 : vector<16xi32>
      %select_n3A_561 = arith.select %eq3A_560, %get3A_556, %broadcast_in_dim3A_48 : vector<16xi1>, vector<16xi32>
      %reduce_max3A_562 = arith.constant true
      %reduce_max3A_563 = vector.broadcast %reduce_max3A_562 : i1 to vector<16xi1>
      %reduce_max3A_564 = arith.constant -2147483648 : i32
      %reduce_max3A_565 = vector.broadcast %reduce_max3A_564 : i32 to vector<16xi32>
      %reduce_max3A_566 = arith.xori %select_n3A_561, %reduce_max3A_565 : vector<16xi32>
      %reduce_max3A_567 = tpu.scan <max>, %reduce_max3A_566 masked %reduce_max3A_563 : vector<16xi32>, vector<16xi1> -> vector<16xi32>
      %reduce_max3A_568 = arith.xori %reduce_max3A_567, %reduce_max3A_565 : vector<16xi32>
      %reduce_max3A_569 = vector.extract %reduce_max3A_568[15] : i32 from vector<16xi32>
      %mul3A_570 = arith.constant 2 : i32
      %mul3A_571 = arith.muli %mul3A_570, %arg1 : i32
      %add3A_572 = arith.constant 1 : i32
      %add3A_573 = arith.addi %mul3A_571, %add3A_572 : i32
      %eq3A_574 = vector.broadcast %add3A_573 : i32 to vector<16xi32>
      %eq3A_575 = arith.cmpi eq, %iota3A, %eq3A_574 : vector<16xi32>
      %select_n3A_576 = arith.select %eq3A_575, %get3A_556, %broadcast_in_dim3A_48 : vector<16xi1>, vector<16xi32>
      %reduce_max3A_577 = arith.constant true
      %reduce_max3A_578 = vector.broadcast %reduce_max3A_577 : i1 to vector<16xi1>
      %reduce_max3A_579 = arith.constant -2147483648 : i32
      %reduce_max3A_580 = vector.broadcast %reduce_max3A_579 : i32 to vector<16xi32>
      %reduce_max3A_581 = arith.xori %select_n3A_576, %reduce_max3A_580 : vector<16xi32>
      %reduce_max3A_582 = tpu.scan <max>, %reduce_max3A_581 masked %reduce_max3A_578 : vector<16xi32>, vector<16xi1> -> vector<16xi32>
      %reduce_max3A_583 = arith.xori %reduce_max3A_582, %reduce_max3A_580 : vector<16xi32>
      %reduce_max3A_584 = vector.extract %reduce_max3A_583[15] : i32 from vector<16xi32>
      %gt3A_585 = arith.cmpi sgt, %reduce_max3A_569, %select_n3A_550 : i32
      %select_n3A_586 = arith.select %gt3A_585, %reduce_max3A_569, %select_n3A_550 : i32
      %select_n3A_587 = arith.select %gt3A_585, %reduce_max3A_584, %select_n3A_551 : i32
      %scan3A_588 = arith.constant 15 : i32
      %mul3A_589 = arith.constant 16 : i32
      %mul3A_590 = arith.muli %scan3A_588, %mul3A_589 : i32
      %get3A_591 = arith.index_cast %mul3A_590 : i32 to index
      %get3A_592 = tpu.vector_load %arg10[%get3A_591] {strides = array<i32>} : memref<256xi32, #tpu.memory_space<vmem>>, vector<16xi32>,
      %mul3A_593 = arith.constant 2 : i32
      %mul3A_594 = arith.muli %mul3A_593, %arg1 : i32
      %eq3A_595 = vector.broadcast %mul3A_594 : i32 to vector<16xi32>
      %eq3A_596 = arith.cmpi eq, %iota3A, %eq3A_595 : vector<16xi32>
      %select_n3A_597 = arith.select %eq3A_596, %get3A_592, %broadcast_in_dim3A_48 : vector<16xi1>, vector<16xi32>
      %reduce_max3A_598 = arith.constant true
      %reduce_max3A_599 = vector.broadcast %reduce_max3A_598 : i1 to vector<16xi1>
      %reduce_max3A_600 = arith.constant -2147483648 : i32
      %reduce_max3A_601 = vector.broadcast %reduce_max3A_600 : i32 to vector<16xi32>
      %reduce_max3A_602 = arith.xori %select_n3A_597, %reduce_max3A_601 : vector<16xi32>
      %reduce_max3A_603 = tpu.scan <max>, %reduce_max3A_602 masked %reduce_max3A_599 : vector<16xi32>, vector<16xi1> -> vector<16xi32>
      %reduce_max3A_604 = arith.xori %reduce_max3A_603, %reduce_max3A_601 : vector<16xi32>
      %reduce_max3A_605 = vector.extract %reduce_max3A_604[15] : i32 from vector<16xi32>
      %mul3A_606 = arith.constant 2 : i32
      %mul3A_607 = arith.muli %mul3A_606, %arg1 : i32
      %add3A_608 = arith.constant 1 : i32
      %add3A_609 = arith.addi %mul3A_607, %add3A_608 : i32
      %eq3A_610 = vector.broadcast %add3A_609 : i32 to vector<16xi32>
      %eq3A_611 = arith.cmpi eq, %iota3A, %eq3A_610 : vector<16xi32>
      %select_n3A_612 = arith.select %eq3A_611, %get3A_592, %broadcast_in_dim3A_48 : vector<16xi1>, vector<16xi32>
      %reduce_max3A_613 = arith.constant true
      %reduce_max3A_614 = vector.broadcast %reduce_max3A_613 : i1 to vector<16xi1>
      %reduce_max3A_615 = arith.constant -2147483648 : i32
      %reduce_max3A_616 = vector.broadcast %reduce_max3A_615 : i32 to vector<16xi32>
      %reduce_max3A_617 = arith.xori %select_n3A_612, %reduce_max3A_616 : vector<16xi32>
      %reduce_max3A_618 = tpu.scan <max>, %reduce_max3A_617 masked %reduce_max3A_614 : vector<16xi32>, vector<16xi1> -> vector<16xi32>
      %reduce_max3A_619 = arith.xori %reduce_max3A_618, %reduce_max3A_616 : vector<16xi32>
      %reduce_max3A_620 = vector.extract %reduce_max3A_619[15] : i32 from vector<16xi32>
      %gt3A_621 = arith.cmpi sgt, %reduce_max3A_605, %select_n3A_586 : i32
      %select_n3A_622 = arith.select %gt3A_621, %reduce_max3A_605, %select_n3A_586 : i32
      %select_n3A_623 = arith.select %gt3A_621, %reduce_max3A_620, %select_n3A_587 : i32
      %scan3A_624 = arith.constant 16 : i32
      "tpu.region"() ({
        %run_scoped3A = tpu.sem_alloc : memref<!tpu.dma_semaphore, #tpu.memory_space<semaphore_mem>>
        %dma_start3A_651 = arith.constant 8192 : i32
        %dma_start3A_652 = tpu.memref_slice %arg2[%add3A, %dma_start3A_651] : memref<8x12288xf32, #tpu.memory_space<hbm>> -> memref<1x4096xf32, #tpu.memory_space<hbm>>
        %dma_start3A_653 = tpu.memref_squeeze %dma_start3A_652 : memref<1x4096xf32, #tpu.memory_space<hbm>> -> memref<4096xf32, #tpu.memory_space<hbm>>
        %dma_start3A_654 = arith.constant 8192 : i32
        %dma_start3A_655 = tpu.memref_slice %arg2[%add3A, %dma_start3A_654] : memref<8x12288xf32, #tpu.memory_space<hbm>> -> memref<1x4096xf32, #tpu.memory_space<hbm>>
        %dma_start3A_656 = tpu.memref_squeeze %dma_start3A_655 : memref<1x4096xf32, #tpu.memory_space<hbm>> -> memref<4096xf32, #tpu.memory_space<hbm>>
        tpu.enqueue_dma source(%dma_start3A_656 : memref<4096xf32, #tpu.memory_space<hbm>>) target(%arg7 : memref<4096xf32, #tpu.memory_space<vmem>>) target_semaphore(%run_scoped3A : memref<!tpu.dma_semaphore, #tpu.memory_space<semaphore_mem>>)
        %dma_wait3A_657 = arith.constant 8192 : i32
        %dma_wait3A_658 = tpu.memref_slice %arg2[%add3A, %dma_wait3A_657] : memref<8x12288xf32, #tpu.memory_space<hbm>> -> memref<1x4096xf32, #tpu.memory_space<hbm>>
        %dma_wait3A_659 = tpu.memref_squeeze %dma_wait3A_658 : memref<1x4096xf32, #tpu.memory_space<hbm>> -> memref<4096xf32, #tpu.memory_space<hbm>>
        %dma_wait3A_660 = arith.constant 8192 : i32
        %dma_wait3A_661 = tpu.memref_slice %arg2[%add3A, %dma_wait3A_660] : memref<8x12288xf32, #tpu.memory_space<hbm>> -> memref<1x4096xf32, #tpu.memory_space<hbm>>
        %dma_wait3A_662 = tpu.memref_squeeze %dma_wait3A_661 : memref<1x4096xf32, #tpu.memory_space<hbm>> -> memref<4096xf32, #tpu.memory_space<hbm>>
        tpu.wait_dma2 semaphore(%run_scoped3A : memref<!tpu.dma_semaphore, #tpu.memory_space<semaphore_mem>>) src(%dma_wait3A_662 : memref<4096xf32, #tpu.memory_space<hbm>>) dst(%arg7 : memref<4096xf32, #tpu.memory_space<vmem>>)
        tpu.yield
      }) : () -> ()
      %scan3A_625 = arith.constant 0 : i32
      %scan3A_626 = arith.constant 0 : i32
      %scan3A_627 = arith.constant 4 : i32
      %scan3A_628 = arith.addi %scan3A_626, %scan3A_627 : i32
      %scan3A_629 = arith.constant 1 : i32
      scf.for %scan3A_651 = %scan3A_626 to %scan3A_628 step %scan3A_629  : i32 {
        %mul3A_652 = arith.constant 16 : i32
        %mul3A_653 = arith.muli %scan3A_651, %mul3A_652 : i32
        %swap3A_654 = arith.index_cast %mul3A_653 : i32 to index
        %swap3A_655 = tpu.vector_load %arg11[%swap3A_654] {strides = array<i32>} : memref<64xi32, #tpu.memory_space<vmem>>, vector<16xi32>,
        tpu.vector_store %arg11[%swap3A_654], %broadcast_in_dim3A_7 {strides = array<i32>} : memref<64xi32, #tpu.memory_space<vmem>>, vector<16xi32>,
      }
      %scan3A_630 = arith.constant 4 : i32
      %broadcast_in_dim3A_631 = vector.broadcast %select_n3A_623 : i32 to vector<16xi32>
      %scan3A_632 = arith.constant 0 : i32
      %scan3A_633 = arith.constant 0 : i32
      %scan3A_634 = arith.constant 256 : i32
      %scan3A_635 = arith.addi %scan3A_633, %scan3A_634 : i32
      %scan3A_636 = arith.constant 2 : i32
      %scan3A_637 = scf.for %scan3A_651 = %scan3A_633 to %scan3A_635 step %scan3A_636 iter_args(%scan3A_652 = %scan3A_632) -> (i32)  : i32 {
        %mul3A_653 = arith.constant 16 : i32
        %mul3A_654 = arith.muli %scan3A_651, %mul3A_653 : i32
        %get3A_655 = arith.index_cast %mul3A_654 : i32 to index
        %get3A_656 = tpu.vector_load %arg7[%get3A_655] {strides = array<i32>} : memref<4096xf32, #tpu.memory_space<vmem>>, vector<16xf32>,
        %convert_element_type3A_657 = arith.fptosi %get3A_656 : vector<16xf32> to vector<16xi32>
        %eq3A_658 = arith.cmpi eq, %convert_element_type3A_657, %broadcast_in_dim3A_631 : vector<16xi32>
        %all_reduce_population_count3A = tpu.all_reduce %eq3A_658 {dim = 0 : i64, kind = #tpu.reduction_kind<sum>} : vector<16xi1> -> vector<16xi32>
        %reduce_max3A_659 = arith.constant true
        %reduce_max3A_660 = vector.broadcast %reduce_max3A_659 : i1 to vector<16xi1>
        %reduce_max3A_661 = arith.constant -2147483648 : i32
        %reduce_max3A_662 = vector.broadcast %reduce_max3A_661 : i32 to vector<16xi32>
        %reduce_max3A_663 = arith.xori %all_reduce_population_count3A, %reduce_max3A_662 : vector<16xi32>
        %reduce_max3A_664 = tpu.scan <max>, %reduce_max3A_663 masked %reduce_max3A_660 : vector<16xi32>, vector<16xi1> -> vector<16xi32>
        %reduce_max3A_665 = arith.xori %reduce_max3A_664, %reduce_max3A_662 : vector<16xi32>
        %reduce_max3A_666 = vector.extract %reduce_max3A_665[15] : i32 from vector<16xi32>
        %gt3A_667 = arith.constant 0 : i32
        %gt3A_668 = arith.cmpi sgt, %reduce_max3A_666, %gt3A_667 : i32
        %convert_element_type3A_669 = arith.extui %gt3A_668 : i1 to i32
        %cond3A_670 = arith.constant 0 : i32
        %cond3A_671 = arith.cmpi ne, %convert_element_type3A_669, %cond3A_670 : i32
        scf.if %cond3A_671 {
          %convert_element_type3A_696 = arith.extui %eq3A_658 : vector<16xi1> to vector<16xi32>
          %broadcast_in_dim3A_697 = arith.constant true
          %broadcast_in_dim3A_698 = vector.broadcast %broadcast_in_dim3A_697 : i1 to vector<16xi1>
          %masked_cumsum3A = tpu.scan <sum>, %convert_element_type3A_696 masked %broadcast_in_dim3A_698 : vector<16xi32>, vector<16xi1> -> vector<16xi32>
          %sub3A = arith.constant 1 : i32
          %sub3A_699 = arith.subi %scan3A_652, %sub3A : i32
          %add3A_700 = vector.broadcast %sub3A_699 : i32 to vector<16xi32>
          %add3A_701 = arith.addi %masked_cumsum3A, %add3A_700 : vector<16xi32>
          %lt3A_702 = arith.constant 64 : i32
          %lt3A_703 = vector.broadcast %lt3A_702 : i32 to vector<16xi32>
          %lt3A_704 = arith.cmpi slt, %add3A_701, %lt3A_703 : vector<16xi32>
          %and3A = arith.andi %eq3A_658, %lt3A_704 : vector<16xi1>
          %jit3A_705 = arith.constant 0 : i32
          %jit3A_706 = arith.constant 63 : i32
          %max3A = vector.broadcast %jit3A_705 : i32 to vector<16xi32>
          %max3A_707 = arith.maxsi %max3A, %add3A_701 : vector<16xi32>
          %min3A = vector.broadcast %jit3A_706 : i32 to vector<16xi32>
          %min3A_708 = arith.minsi %min3A, %max3A_707 : vector<16xi32>
          %iota3A_709 = tpu.iota {dimensions = array<i32: 0>} : vector<16xi32>
          %mul3A_710 = arith.constant 16 : i32
          %mul3A_711 = arith.muli %scan3A_651, %mul3A_710 : i32
          %add3A_712 = vector.broadcast %mul3A_711 : i32 to vector<16xi32>
          %add3A_713 = arith.addi %iota3A_709, %add3A_712 : vector<16xi32>
          tpu.vector_store_idx %arg11[%min3A_708], %add3A_713 masked %and3A : memref<64xi32, #tpu.memory_space<vmem>>[vector<16xi32>], vector<16xi32>, vector<16xi1>
        } else {
        }
        %add3A_672 = arith.addi %scan3A_652, %reduce_max3A_666 : i32
        %scan3A_673 = arith.constant 1 : i32
        %scan3A_674 = arith.addi %scan3A_651, %scan3A_673 : i32
        %mul3A_675 = arith.constant 16 : i32
        %mul3A_676 = arith.muli %scan3A_674, %mul3A_675 : i32
        %get3A_677 = arith.index_cast %mul3A_676 : i32 to index
        %get3A_678 = tpu.vector_load %arg7[%get3A_677] {strides = array<i32>} : memref<4096xf32, #tpu.memory_space<vmem>>, vector<16xf32>,
        %convert_element_type3A_679 = arith.fptosi %get3A_678 : vector<16xf32> to vector<16xi32>
        %eq3A_680 = arith.cmpi eq, %convert_element_type3A_679, %broadcast_in_dim3A_631 : vector<16xi32>
        %all_reduce_population_count3A_681 = tpu.all_reduce %eq3A_680 {dim = 0 : i64, kind = #tpu.reduction_kind<sum>} : vector<16xi1> -> vector<16xi32>
        %reduce_max3A_682 = arith.constant true
        %reduce_max3A_683 = vector.broadcast %reduce_max3A_682 : i1 to vector<16xi1>
        %reduce_max3A_684 = arith.constant -2147483648 : i32
        %reduce_max3A_685 = vector.broadcast %reduce_max3A_684 : i32 to vector<16xi32>
        %reduce_max3A_686 = arith.xori %all_reduce_population_count3A_681, %reduce_max3A_685 : vector<16xi32>
        %reduce_max3A_687 = tpu.scan <max>, %reduce_max3A_686 masked %reduce_max3A_683 : vector<16xi32>, vector<16xi1> -> vector<16xi32>
        %reduce_max3A_688 = arith.xori %reduce_max3A_687, %reduce_max3A_685 : vector<16xi32>
        %reduce_max3A_689 = vector.extract %reduce_max3A_688[15] : i32 from vector<16xi32>
        %gt3A_690 = arith.constant 0 : i32
        %gt3A_691 = arith.cmpi sgt, %reduce_max3A_689, %gt3A_690 : i32
        %convert_element_type3A_692 = arith.extui %gt3A_691 : i1 to i32
        %cond3A_693 = arith.constant 0 : i32
        %cond3A_694 = arith.cmpi ne, %convert_element_type3A_692, %cond3A_693 : i32
        scf.if %cond3A_694 {
          %convert_element_type3A_696 = arith.extui %eq3A_680 : vector<16xi1> to vector<16xi32>
          %broadcast_in_dim3A_697 = arith.constant true
          %broadcast_in_dim3A_698 = vector.broadcast %broadcast_in_dim3A_697 : i1 to vector<16xi1>
          %masked_cumsum3A = tpu.scan <sum>, %convert_element_type3A_696 masked %broadcast_in_dim3A_698 : vector<16xi32>, vector<16xi1> -> vector<16xi32>
          %sub3A = arith.constant 1 : i32
          %sub3A_699 = arith.subi %add3A_672, %sub3A : i32
          %add3A_700 = vector.broadcast %sub3A_699 : i32 to vector<16xi32>
          %add3A_701 = arith.addi %masked_cumsum3A, %add3A_700 : vector<16xi32>
          %lt3A_702 = arith.constant 64 : i32
          %lt3A_703 = vector.broadcast %lt3A_702 : i32 to vector<16xi32>
          %lt3A_704 = arith.cmpi slt, %add3A_701, %lt3A_703 : vector<16xi32>
          %and3A = arith.andi %eq3A_680, %lt3A_704 : vector<16xi1>
          %jit3A_705 = arith.constant 0 : i32
          %jit3A_706 = arith.constant 63 : i32
          %max3A = vector.broadcast %jit3A_705 : i32 to vector<16xi32>
          %max3A_707 = arith.maxsi %max3A, %add3A_701 : vector<16xi32>
          %min3A = vector.broadcast %jit3A_706 : i32 to vector<16xi32>
          %min3A_708 = arith.minsi %min3A, %max3A_707 : vector<16xi32>
          %iota3A_709 = tpu.iota {dimensions = array<i32: 0>} : vector<16xi32>
          %mul3A_710 = arith.constant 16 : i32
          %mul3A_711 = arith.muli %scan3A_674, %mul3A_710 : i32
          %add3A_712 = vector.broadcast %mul3A_711 : i32 to vector<16xi32>
          %add3A_713 = arith.addi %iota3A_709, %add3A_712 : vector<16xi32>
          tpu.vector_store_idx %arg11[%min3A_708], %add3A_713 masked %and3A : memref<64xi32, #tpu.memory_space<vmem>>[vector<16xi32>], vector<16xi32>, vector<16xi1>
        } else {
        }
        %add3A_695 = arith.addi %add3A_672, %reduce_max3A_689 : i32
        scf.yield %add3A_695 : i32
      }
      %scan3A_638 = arith.constant 256 : i32
      %dma_start3A = arith.constant 0 : i32
      %dma_start3A_639 = arith.constant 0 : i32
      %dma_start3A_640 = tpu.memref_slice %arg3[%dma_start3A, %dma_start3A_639] : memref<4096x512xf32, #tpu.memory_space<hbm>> -> memref<4096x512xf32, #tpu.memory_space<hbm>>
      tpu.enqueue_indirect_dma source(%dma_start3A_640 : memref<4096x512xf32, #tpu.memory_space<hbm>>) target(%arg12 : memref<64x512xf32, #tpu.memory_space<vmem>>) offsets(%arg11 : memref<64xi32, #tpu.memory_space<vmem>>) semaphore(%arg15 : memref<!tpu.dma_semaphore, #tpu.memory_space<semaphore_mem>>)
      %dma_wait3A = arith.constant 0 : i32
      %dma_wait3A_641 = arith.constant 0 : i32
      %dma_wait3A_642 = tpu.memref_slice %arg3[%dma_wait3A, %dma_wait3A_641] : memref<4096x512xf32, #tpu.memory_space<hbm>> -> memref<4096x512xf32, #tpu.memory_space<hbm>>
      tpu.wait_indirect_dma semaphore(%arg15 : memref<!tpu.dma_semaphore, #tpu.memory_space<semaphore_mem>>) src(%dma_wait3A_642 : memref<4096x512xf32, #tpu.memory_space<hbm>>) dst(%arg12 : memref<64x512xf32, #tpu.memory_space<vmem>>)
      %scan3A_643 = arith.constant 0 : i32
      %scan3A_644 = arith.constant 0 : i32
      %scan3A_645 = arith.constant 64 : i32
      %scan3A_646 = arith.addi %scan3A_644, %scan3A_645 : i32
      %scan3A_647 = arith.constant 1 : i32
      scf.for %scan3A_651 = %scan3A_644 to %scan3A_646 step %scan3A_647  : i32 {
        %ge3A = arith.cmpi sge, %scan3A_651, %scan3A_637 : i32
        %convert_element_type3A_652 = arith.extui %ge3A : i1 to i32
        %cond3A_653 = arith.constant 0 : i32
        %cond3A_654 = arith.cmpi ne, %convert_element_type3A_652, %cond3A_653 : i32
        scf.if %cond3A_654 {
          %scan3A_655 = arith.constant 0 : i32
          %scan3A_656 = arith.constant 0 : i32
          %scan3A_657 = arith.constant 32 : i32
          %scan3A_658 = arith.addi %scan3A_656, %scan3A_657 : i32
          %scan3A_659 = arith.constant 8 : i32
          scf.for %scan3A_661 = %scan3A_656 to %scan3A_658 step %scan3A_659  : i32 {
            %mul3A_662 = arith.constant 16 : i32
            %mul3A_663 = arith.muli %scan3A_661, %mul3A_662 : i32
            %swap3A_664 = arith.index_cast %scan3A_651 : i32 to index
            %swap3A_665 = arith.index_cast %mul3A_663 : i32 to index
            %swap3A_666 = tpu.vector_load %arg12[%swap3A_664, %swap3A_665] {strides = array<i32>} : memref<64x512xf32, #tpu.memory_space<vmem>>, vector<16xf32>,
            tpu.vector_store %arg12[%swap3A_664, %swap3A_665], %broadcast_in_dim3A_9 {strides = array<i32>} : memref<64x512xf32, #tpu.memory_space<vmem>>, vector<16xf32>,
            %scan3A_667 = arith.constant 1 : i32
            %scan3A_668 = arith.addi %scan3A_661, %scan3A_667 : i32
            %mul3A_669 = arith.constant 16 : i32
            %mul3A_670 = arith.muli %scan3A_668, %mul3A_669 : i32
            %swap3A_671 = arith.index_cast %scan3A_651 : i32 to index
            %swap3A_672 = arith.index_cast %mul3A_670 : i32 to index
            %swap3A_673 = tpu.vector_load %arg12[%swap3A_671, %swap3A_672] {strides = array<i32>} : memref<64x512xf32, #tpu.memory_space<vmem>>, vector<16xf32>,
            tpu.vector_store %arg12[%swap3A_671, %swap3A_672], %broadcast_in_dim3A_9 {strides = array<i32>} : memref<64x512xf32, #tpu.memory_space<vmem>>, vector<16xf32>,
            %scan3A_674 = arith.constant 2 : i32
            %scan3A_675 = arith.addi %scan3A_661, %scan3A_674 : i32
            %mul3A_676 = arith.constant 16 : i32
            %mul3A_677 = arith.muli %scan3A_675, %mul3A_676 : i32
            %swap3A_678 = arith.index_cast %scan3A_651 : i32 to index
            %swap3A_679 = arith.index_cast %mul3A_677 : i32 to index
            %swap3A_680 = tpu.vector_load %arg12[%swap3A_678, %swap3A_679] {strides = array<i32>} : memref<64x512xf32, #tpu.memory_space<vmem>>, vector<16xf32>,
            tpu.vector_store %arg12[%swap3A_678, %swap3A_679], %broadcast_in_dim3A_9 {strides = array<i32>} : memref<64x512xf32, #tpu.memory_space<vmem>>, vector<16xf32>,
            %scan3A_681 = arith.constant 3 : i32
            %scan3A_682 = arith.addi %scan3A_661, %scan3A_681 : i32
            %mul3A_683 = arith.constant 16 : i32
            %mul3A_684 = arith.muli %scan3A_682, %mul3A_683 : i32
            %swap3A_685 = arith.index_cast %scan3A_651 : i32 to index
            %swap3A_686 = arith.index_cast %mul3A_684 : i32 to index
            %swap3A_687 = tpu.vector_load %arg12[%swap3A_685, %swap3A_686] {strides = array<i32>} : memref<64x512xf32, #tpu.memory_space<vmem>>, vector<16xf32>,
            tpu.vector_store %arg12[%swap3A_685, %swap3A_686], %broadcast_in_dim3A_9 {strides = array<i32>} : memref<64x512xf32, #tpu.memory_space<vmem>>, vector<16xf32>,
            %scan3A_688 = arith.constant 4 : i32
            %scan3A_689 = arith.addi %scan3A_661, %scan3A_688 : i32
            %mul3A_690 = arith.constant 16 : i32
            %mul3A_691 = arith.muli %scan3A_689, %mul3A_690 : i32
            %swap3A_692 = arith.index_cast %scan3A_651 : i32 to index
            %swap3A_693 = arith.index_cast %mul3A_691 : i32 to index
            %swap3A_694 = tpu.vector_load %arg12[%swap3A_692, %swap3A_693] {strides = array<i32>} : memref<64x512xf32, #tpu.memory_space<vmem>>, vector<16xf32>,
            tpu.vector_store %arg12[%swap3A_692, %swap3A_693], %broadcast_in_dim3A_9 {strides = array<i32>} : memref<64x512xf32, #tpu.memory_space<vmem>>, vector<16xf32>,
            %scan3A_695 = arith.constant 5 : i32
            %scan3A_696 = arith.addi %scan3A_661, %scan3A_695 : i32
            %mul3A_697 = arith.constant 16 : i32
            %mul3A_698 = arith.muli %scan3A_696, %mul3A_697 : i32
            %swap3A_699 = arith.index_cast %scan3A_651 : i32 to index
            %swap3A_700 = arith.index_cast %mul3A_698 : i32 to index
            %swap3A_701 = tpu.vector_load %arg12[%swap3A_699, %swap3A_700] {strides = array<i32>} : memref<64x512xf32, #tpu.memory_space<vmem>>, vector<16xf32>,
            tpu.vector_store %arg12[%swap3A_699, %swap3A_700], %broadcast_in_dim3A_9 {strides = array<i32>} : memref<64x512xf32, #tpu.memory_space<vmem>>, vector<16xf32>,
            %scan3A_702 = arith.constant 6 : i32
            %scan3A_703 = arith.addi %scan3A_661, %scan3A_702 : i32
            %mul3A_704 = arith.constant 16 : i32
            %mul3A_705 = arith.muli %scan3A_703, %mul3A_704 : i32
            %swap3A_706 = arith.index_cast %scan3A_651 : i32 to index
            %swap3A_707 = arith.index_cast %mul3A_705 : i32 to index
            %swap3A_708 = tpu.vector_load %arg12[%swap3A_706, %swap3A_707] {strides = array<i32>} : memref<64x512xf32, #tpu.memory_space<vmem>>, vector<16xf32>,
            tpu.vector_store %arg12[%swap3A_706, %swap3A_707], %broadcast_in_dim3A_9 {strides = array<i32>} : memref<64x512xf32, #tpu.memory_space<vmem>>, vector<16xf32>,
            %scan3A_709 = arith.constant 7 : i32
            %scan3A_710 = arith.addi %scan3A_661, %scan3A_709 : i32
            %mul3A_711 = arith.constant 16 : i32
            %mul3A_712 = arith.muli %scan3A_710, %mul3A_711 : i32
            %swap3A_713 = arith.index_cast %scan3A_651 : i32 to index
            %swap3A_714 = arith.index_cast %mul3A_712 : i32 to index
            %swap3A_715 = tpu.vector_load %arg12[%swap3A_713, %swap3A_714] {strides = array<i32>} : memref<64x512xf32, #tpu.memory_space<vmem>>, vector<16xf32>,
            tpu.vector_store %arg12[%swap3A_713, %swap3A_714], %broadcast_in_dim3A_9 {strides = array<i32>} : memref<64x512xf32, #tpu.memory_space<vmem>>, vector<16xf32>,
          }
          %scan3A_660 = arith.constant 32 : i32
        } else {
        }
      }
      %scan3A_648 = arith.constant 64 : i32
      %mul3A_649 = arith.constant 64 : i32
      %mul3A_650 = arith.muli %add3A, %mul3A_649 : i32
      "tpu.region"() ({
        %run_scoped3A = tpu.sem_alloc : memref<!tpu.dma_semaphore, #tpu.memory_space<semaphore_mem>>
        %dma_start3A_651 = arith.constant 0 : i32
        %dma_start3A_652 = tpu.memref_slice %arg4[%mul3A_650, %dma_start3A_651] : memref<320x512xf32, #tpu.memory_space<hbm>> -> memref<64x512xf32, #tpu.memory_space<hbm>>
        %dma_start3A_653 = arith.constant 0 : i32
        %dma_start3A_654 = tpu.memref_slice %arg4[%mul3A_650, %dma_start3A_653] : memref<320x512xf32, #tpu.memory_space<hbm>> -> memref<64x512xf32, #tpu.memory_space<hbm>>
        tpu.enqueue_dma source(%arg12 : memref<64x512xf32, #tpu.memory_space<vmem>>) target(%dma_start3A_654 : memref<64x512xf32, #tpu.memory_space<hbm>>) target_semaphore(%run_scoped3A : memref<!tpu.dma_semaphore, #tpu.memory_space<semaphore_mem>>)
        %dma_wait3A_655 = arith.constant 0 : i32
        %dma_wait3A_656 = tpu.memref_slice %arg4[%mul3A_650, %dma_wait3A_655] : memref<320x512xf32, #tpu.memory_space<hbm>> -> memref<64x512xf32, #tpu.memory_space<hbm>>
        %dma_wait3A_657 = arith.constant 0 : i32
        %dma_wait3A_658 = tpu.memref_slice %arg4[%mul3A_650, %dma_wait3A_657] : memref<320x512xf32, #tpu.memory_space<hbm>> -> memref<64x512xf32, #tpu.memory_space<hbm>>
        tpu.wait_dma2 semaphore(%run_scoped3A : memref<!tpu.dma_semaphore, #tpu.memory_space<semaphore_mem>>) src(%arg12 : memref<64x512xf32, #tpu.memory_space<vmem>>) dst(%dma_wait3A_658 : memref<64x512xf32, #tpu.memory_space<hbm>>)
        tpu.yield
      }) : () -> ()
    } else {
    }
    return
  }
}

module attributes {stable_mosaic.version = 14 : i64} {
  func.func @_score_body(%arg0: i32, %arg1: memref<1024x512xf32, #tpu.memory_space<vmem>>, %arg2: memref<320x512xf32, #tpu.memory_space<vmem>>, %arg3: memref<1024x320xf32, #tpu.memory_space<vmem>>, %arg4: memref<512x320xf32, #tpu.memory_space<vmem>>) attributes {dimension_semantics = [#tpu.dimension_semantics<arbitrary>], iteration_bounds = array<i64: 8>, scalar_prefetch = 0 : i64, scratch_operands = 1 : i64, tpu.core_type = #tpu.core_type<tc>, window_params = [{transform_indices = @transform_0, window_bounds = array<i64: 1024, 512>}, {pipeline_mode = #tpu.pipeline_mode<synchronous>, transform_indices = @transform_1, window_bounds = array<i64: 320, 512>}, {transform_indices = @transform_2, window_bounds = array<i64: 1024, 320>}]} {
    %eq3A = arith.constant 0 : i32
    %eq3A_0 = arith.cmpi eq, %arg0, %eq3A : i32
    %convert_element_type3A = arith.extui %eq3A_0 : i1 to i32
    %cond3A = arith.constant 0 : i32
    %cond3A_1 = arith.cmpi ne, %convert_element_type3A, %cond3A : i32
    scf.if %cond3A_1 {
      %get3A_10 = arith.constant 0 : index
      %get3A_11 = arith.constant 0 : index
      %get3A_12 = vector.load %arg2[%get3A_10, %get3A_11] : memref<320x512xf32, #tpu.memory_space<vmem>>, vector<320x512xf32>
      %transpose3A = tpu.transpose %get3A_12, [1, 0] : vector<320x512xf32> -> vector<512x320xf32>
      %swap3A_13 = arith.constant 0 : index
      %swap3A_14 = arith.constant 0 : index
      %swap3A_15 = vector.load %arg4[%swap3A_13, %swap3A_14] : memref<512x320xf32, #tpu.memory_space<vmem>>, vector<512x320xf32>
      tpu.vector_store %arg4[%swap3A_13, %swap3A_14], %transpose3A {strides = array<i32>} : memref<512x320xf32, #tpu.memory_space<vmem>>, vector<512x320xf32>,
    } else {
    }
    %get3A = arith.constant 0 : index
    %get3A_2 = arith.constant 0 : index
    %get3A_3 = vector.load %arg1[%get3A, %get3A_2] : memref<1024x512xf32, #tpu.memory_space<vmem>>, vector<1024x512xf32>
    %get3A_4 = arith.constant 0 : index
    %get3A_5 = arith.constant 0 : index
    %get3A_6 = vector.load %arg4[%get3A_4, %get3A_5] : memref<512x320xf32, #tpu.memory_space<vmem>>, vector<512x320xf32>
    %dot_general3A = arith.constant dense<0.000000e+00> : vector<1024x320xf32>
    %dot_general3A_7 = tpu.matmul %get3A_3, %get3A_6, %dot_general3A {dimension_numbers = #tpu.dot_dimension_numbers<[1], [0], [0], [1], [0, 0, 1, 1], [], []>, transpose_lhs_hint = false} : vector<1024x512xf32>, vector<512x320xf32>, vector<1024x320xf32> -> vector<1024x320xf32>
    %swap3A = arith.constant 0 : index
    %swap3A_8 = arith.constant 0 : index
    %swap3A_9 = vector.load %arg3[%swap3A, %swap3A_8] : memref<1024x320xf32, #tpu.memory_space<vmem>>, vector<1024x320xf32>
    tpu.vector_store %arg3[%swap3A, %swap3A_8], %dot_general3A_7 {strides = array<i32>} : memref<1024x320xf32, #tpu.memory_space<vmem>>, vector<1024x320xf32>,
    return
  }
  func.func @transform_0(%arg0: i32) -> (i32, i32) {
    %c0_i32 = arith.constant 0 : i32
    %c0_i32_0 = arith.constant 0 : i32
    return %arg0, %c0_i32 : i32, i32
  }
  func.func @transform_1(%arg0: i32) -> (i32, i32) {
    %c0_i32 = arith.constant 0 : i32
    %c0_i32_0 = arith.constant 0 : i32
    %c0_i32_1 = arith.constant 0 : i32
    return %c0_i32, %c0_i32_0 : i32, i32
  }
  func.func @transform_2(%arg0: i32) -> (i32, i32) {
    %c0_i32 = arith.constant 0 : i32
    %c0_i32_0 = arith.constant 0 : i32
    return %arg0, %c0_i32 : i32, i32
  }
}

module attributes {stable_mosaic.version = 14 : i64} {
  func.func @_codes_body(%arg0: i32, %arg1: memref<512x512xf32, #tpu.memory_space<vmem>>, %arg2: memref<512x512xf32, #tpu.memory_space<vmem>>, %arg3: memref<515x64xf32, #tpu.memory_space<vmem>>, %arg4: memref<64x8xf32, #tpu.memory_space<vmem>>, %arg5: memref<8x512xf32, #tpu.memory_space<vmem>>, %arg6: memref<1xf32, #tpu.memory_space<smem>>) attributes {dimension_semantics = [#tpu.dimension_semantics<arbitrary>], iteration_bounds = array<i64: 32>, scalar_prefetch = 0 : i64, scratch_operands = 1 : i64, tpu.core_type = #tpu.core_type<tc>, window_params = [{transform_indices = @transform_0, window_bounds = array<i64: 512, 512>}, {transform_indices = @transform_1, window_bounds = array<i64: 512, 512>}, {pipeline_mode = #tpu.pipeline_mode<synchronous>, transform_indices = @transform_2, window_bounds = array<i64: 515, 64>}, {pipeline_mode = #tpu.pipeline_mode<synchronous>, transform_indices = @transform_3, window_bounds = array<i64: 64, 8>}, {transform_indices = @transform_4, window_bounds = array<i64: 8, 512>}]} {
    %lt3A = arith.constant 8 : i32
    %lt3A_0 = arith.cmpi slt, %arg0, %lt3A : i32
    %convert_element_type3A = arith.extui %lt3A_0 : i1 to i32
    %cond3A = arith.constant 0 : i32
    %cond3A_1 = arith.cmpi ne, %convert_element_type3A, %cond3A : i32
    scf.if %cond3A_1 {
      %get3A = arith.constant 0 : index
      %get3A_13 = arith.constant 0 : index
      %get3A_14 = vector.load %arg2[%get3A, %get3A_13] : memref<512x512xf32, #tpu.memory_space<vmem>>, vector<512x512xf32>
      %mul3A = arith.mulf %get3A_14, %get3A_14 : vector<512x512xf32>
      %reduce_sum3A = arith.constant dense<0.000000e+00> : vector<512xf32>
      %reduce_sum3A_15 = vector.multi_reduction <add>, %mul3A, %reduce_sum3A [1] : vector<512x512xf32> to vector<512xf32>
      %reduce_max3A = vector.shape_cast %reduce_sum3A_15 : vector<512xf32> to vector<1x512xf32>
      %reduce_max3A_16 = arith.constant dense<0xFF800000> : vector<1xf32>
      %reduce_max3A_17 = vector.multi_reduction <maximumf>, %reduce_max3A, %reduce_max3A_16 [1] : vector<1x512xf32> to vector<1xf32>
      %reduce_max3A_18 = vector.shape_cast %reduce_max3A_17 : vector<1xf32> to vector<1x1xf32>
      %reduce_max3A_19 = vector.extract %reduce_max3A_18[0, 0] : f32 from vector<1x1xf32>
      %eq3A = arith.constant 0 : i32
      %eq3A_20 = arith.cmpi eq, %arg0, %eq3A : i32
      %convert_element_type3A_21 = arith.extui %eq3A_20 : i1 to i32
      %cond3A_22 = arith.constant 0 : i32
      %cond3A_23 = arith.cmpi ne, %convert_element_type3A_21, %cond3A_22 : i32
      scf.if %cond3A_23 {
        %swap3A = arith.constant 0 : index
        %swap3A_28 = memref.load %arg6[%swap3A] : memref<1xf32, #tpu.memory_space<smem>>
        memref.store %reduce_max3A_19, %arg6[%swap3A] : memref<1xf32, #tpu.memory_space<smem>>
      } else {
      }
      %gt3A = arith.constant 0 : i32
      %gt3A_24 = arith.cmpi sgt, %arg0, %gt3A : i32
      %convert_element_type3A_25 = arith.extui %gt3A_24 : i1 to i32
      %cond3A_26 = arith.constant 0 : i32
      %cond3A_27 = arith.cmpi ne, %convert_element_type3A_25, %cond3A_26 : i32
      scf.if %cond3A_27 {
        %get3A_28 = arith.constant 0 : index
        %get3A_29 = memref.load %arg6[%get3A_28] : memref<1xf32, #tpu.memory_space<smem>>
        %max3A = arith.maximumf %get3A_29, %reduce_max3A_19 : f32
        %swap3A = arith.constant 0 : index
        %swap3A_30 = memref.load %arg6[%swap3A] : memref<1xf32, #tpu.memory_space<smem>>
        memref.store %max3A, %arg6[%swap3A] : memref<1xf32, #tpu.memory_space<smem>>
      } else {
      }
    } else {
    }
    %ge3A = arith.constant 8 : i32
    %ge3A_2 = arith.cmpi sge, %arg0, %ge3A : i32
    %lt3A_3 = arith.constant 16 : i32
    %lt3A_4 = arith.cmpi slt, %arg0, %lt3A_3 : i32
    %and3A = arith.andi %ge3A_2, %lt3A_4 : i1
    %convert_element_type3A_5 = arith.extui %and3A : i1 to i32
    %cond3A_6 = arith.constant 0 : i32
    %cond3A_7 = arith.cmpi ne, %convert_element_type3A_5, %cond3A_6 : i32
    scf.if %cond3A_7 {
      %get3A = arith.constant 0 : index
      %get3A_13 = memref.load %arg6[%get3A] : memref<1xf32, #tpu.memory_space<smem>>
      %sqrt3A = math.sqrt %get3A_13 : f32
      %div3A = arith.constant 0.829999983 : f32
      %div3A_14 = arith.divf %div3A, %sqrt3A : f32
      %get3A_15 = arith.constant 0 : index
      %get3A_16 = arith.constant 0 : index
      %get3A_17 = vector.load %arg2[%get3A_15, %get3A_16] : memref<512x512xf32, #tpu.memory_space<vmem>>, vector<512x512xf32>
      %mul3A = vector.broadcast %div3A_14 : f32 to vector<512x512xf32>
      %mul3A_18 = arith.mulf %get3A_17, %mul3A : vector<512x512xf32>
      %mul3A_19 = arith.mulf %mul3A_18, %mul3A_18 : vector<512x512xf32>
      %reduce_sum3A = arith.constant dense<0.000000e+00> : vector<512xf32>
      %reduce_sum3A_20 = vector.multi_reduction <add>, %mul3A_19, %reduce_sum3A [1] : vector<512x512xf32> to vector<512xf32>
      %broadcast_in_dim3A = vector.shape_cast %reduce_sum3A_20 : vector<512xf32> to vector<512x1xf32>
      %mul3A_21 = arith.mulf %broadcast_in_dim3A, %broadcast_in_dim3A : vector<512x1xf32>
      %mul3A_22 = arith.mulf %mul3A_21, %mul3A_21 : vector<512x1xf32>
      %concatenate3A = tpu.concatenate %mul3A_18, %broadcast_in_dim3A, %mul3A_21, %mul3A_22 in 1 : vector<512x512xf32>, vector<512x1xf32>, vector<512x1xf32>, vector<512x1xf32> -> vector<512x515xf32>
      %get3A_23 = arith.constant 0 : index
      %get3A_24 = arith.constant 0 : index
      %get3A_25 = vector.load %arg3[%get3A_23, %get3A_24] : memref<515x64xf32, #tpu.memory_space<vmem>>, vector<515x64xf32>
      %dot_general3A = arith.constant dense<0.000000e+00> : vector<512x64xf32>
      %dot_general3A_26 = tpu.matmul %concatenate3A, %get3A_25, %dot_general3A {dimension_numbers = #tpu.dot_dimension_numbers<[1], [0], [0], [1], [0, 0, 1, 1], [], []>, transpose_lhs_hint = false} : vector<512x515xf32>, vector<515x64xf32>, vector<512x64xf32> -> vector<512x64xf32>
      %gt3A = arith.constant 0.000000e+00 : f32
      %gt3A_27 = vector.broadcast %gt3A : f32 to vector<512x64xf32>
      %gt3A_28 = arith.cmpf ogt, %dot_general3A_26, %gt3A_27 : vector<512x64xf32>
      %convert_element_type3A_29 = arith.extui %gt3A_28 : vector<512x64xi1> to vector<512x64xi32>
      %convert_element_type3A_30 = arith.sitofp %convert_element_type3A_29 : vector<512x64xi32> to vector<512x64xf32>
      %get3A_31 = arith.constant 0 : index
      %get3A_32 = arith.constant 0 : index
      %get3A_33 = vector.load %arg4[%get3A_31, %get3A_32] : memref<64x8xf32, #tpu.memory_space<vmem>>, vector<64x8xf32>
      %dot_general3A_34 = arith.constant dense<0.000000e+00> : vector<512x8xf32>
      %dot_general3A_35 = tpu.matmul %convert_element_type3A_30, %get3A_33, %dot_general3A_34 {dimension_numbers = #tpu.dot_dimension_numbers<[1], [0], [0], [1], [0, 0, 1, 1], [], []>, transpose_lhs_hint = false} : vector<512x64xf32>, vector<64x8xf32>, vector<512x8xf32> -> vector<512x8xf32>
      %transpose3A = tpu.transpose %dot_general3A_35, [1, 0] : vector<512x8xf32> -> vector<8x512xf32>
      %swap3A = arith.constant 0 : index
      %swap3A_36 = arith.constant 0 : index
      %swap3A_37 = vector.load %arg5[%swap3A, %swap3A_36] : memref<8x512xf32, #tpu.memory_space<vmem>>, vector<8x512xf32>
      tpu.vector_store %arg5[%swap3A, %swap3A_36], %transpose3A {strides = array<i32>} : memref<8x512xf32, #tpu.memory_space<vmem>>, vector<8x512xf32>,
    } else {
    }
    %ge3A_8 = arith.constant 16 : i32
    %ge3A_9 = arith.cmpi sge, %arg0, %ge3A_8 : i32
    %convert_element_type3A_10 = arith.extui %ge3A_9 : i1 to i32
    %cond3A_11 = arith.constant 0 : i32
    %cond3A_12 = arith.cmpi ne, %convert_element_type3A_10, %cond3A_11 : i32
    scf.if %cond3A_12 {
      %get3A = arith.constant 0 : index
      %get3A_13 = arith.constant 0 : index
      %get3A_14 = vector.load %arg1[%get3A, %get3A_13] : memref<512x512xf32, #tpu.memory_space<vmem>>, vector<512x512xf32>
      %mul3A = arith.mulf %get3A_14, %get3A_14 : vector<512x512xf32>
      %reduce_sum3A = arith.constant dense<0.000000e+00> : vector<512xf32>
      %reduce_sum3A_15 = vector.multi_reduction <add>, %mul3A, %reduce_sum3A [1] : vector<512x512xf32> to vector<512xf32>
      %broadcast_in_dim3A = vector.shape_cast %reduce_sum3A_15 : vector<512xf32> to vector<512x1xf32>
      %sqrt3A = math.sqrt %broadcast_in_dim3A : vector<512x1xf32>
      %add3A = arith.constant 9.99999993E-9 : f32
      %add3A_16 = vector.broadcast %add3A : f32 to vector<512x1xf32>
      %add3A_17 = arith.addf %sqrt3A, %add3A_16 : vector<512x1xf32>
      %div3A = vector.broadcast %add3A_17 : vector<512x1xf32> to vector<512x512xf32>
      %div3A_18 = arith.divf %get3A_14, %div3A : vector<512x512xf32>
      %broadcast_in_dim3A_19 = arith.constant 5.000000e-01 : f32
      %broadcast_in_dim3A_20 = vector.broadcast %broadcast_in_dim3A_19 : f32 to vector<512x3xf32>
      %concatenate3A = tpu.concatenate %div3A_18, %broadcast_in_dim3A_20 in 1 : vector<512x512xf32>, vector<512x3xf32> -> vector<512x515xf32>
      %get3A_21 = arith.constant 0 : index
      %get3A_22 = arith.constant 0 : index
      %get3A_23 = vector.load %arg3[%get3A_21, %get3A_22] : memref<515x64xf32, #tpu.memory_space<vmem>>, vector<515x64xf32>
      %dot_general3A = arith.constant dense<0.000000e+00> : vector<512x64xf32>
      %dot_general3A_24 = tpu.matmul %concatenate3A, %get3A_23, %dot_general3A {dimension_numbers = #tpu.dot_dimension_numbers<[1], [0], [0], [1], [0, 0, 1, 1], [], []>, transpose_lhs_hint = false} : vector<512x515xf32>, vector<515x64xf32>, vector<512x64xf32> -> vector<512x64xf32>
      %gt3A = arith.constant 0.000000e+00 : f32
      %gt3A_25 = vector.broadcast %gt3A : f32 to vector<512x64xf32>
      %gt3A_26 = arith.cmpf ogt, %dot_general3A_24, %gt3A_25 : vector<512x64xf32>
      %convert_element_type3A_27 = arith.extui %gt3A_26 : vector<512x64xi1> to vector<512x64xi32>
      %convert_element_type3A_28 = arith.sitofp %convert_element_type3A_27 : vector<512x64xi32> to vector<512x64xf32>
      %get3A_29 = arith.constant 0 : index
      %get3A_30 = arith.constant 0 : index
      %get3A_31 = vector.load %arg4[%get3A_29, %get3A_30] : memref<64x8xf32, #tpu.memory_space<vmem>>, vector<64x8xf32>
      %dot_general3A_32 = arith.constant dense<0.000000e+00> : vector<512x8xf32>
      %dot_general3A_33 = tpu.matmul %convert_element_type3A_28, %get3A_31, %dot_general3A_32 {dimension_numbers = #tpu.dot_dimension_numbers<[1], [0], [0], [1], [0, 0, 1, 1], [], []>, transpose_lhs_hint = false} : vector<512x64xf32>, vector<64x8xf32>, vector<512x8xf32> -> vector<512x8xf32>
      %transpose3A = tpu.transpose %dot_general3A_33, [1, 0] : vector<512x8xf32> -> vector<8x512xf32>
      %swap3A = arith.constant 0 : index
      %swap3A_34 = arith.constant 0 : index
      %swap3A_35 = vector.load %arg5[%swap3A, %swap3A_34] : memref<8x512xf32, #tpu.memory_space<vmem>>, vector<8x512xf32>
      tpu.vector_store %arg5[%swap3A, %swap3A_34], %transpose3A {strides = array<i32>} : memref<8x512xf32, #tpu.memory_space<vmem>>, vector<8x512xf32>,
    } else {
    }
    return
  }
  func.func @transform_0(%arg0: i32) -> (i32, i32) {
    %sub3A = arith.constant 16 : i32
    %sub3A_0 = arith.subi %arg0, %sub3A : i32
    %max3A = arith.constant 0 : i32
    %max3A_1 = arith.maxsi %sub3A_0, %max3A : i32
    %c0_i32 = arith.constant 0 : i32
    %c0_i32_2 = arith.constant 0 : i32
    return %max3A_1, %c0_i32 : i32, i32
  }
  func.func @transform_1(%arg0: i32) -> (i32, i32) {
    %lt3A = arith.constant 8 : i32
    %lt3A_0 = arith.cmpi slt, %arg0, %lt3A : i32
    %sub3A = arith.constant 8 : i32
    %sub3A_1 = arith.subi %arg0, %sub3A : i32
    %select_n3A = arith.select %lt3A_0, %arg0, %sub3A_1 : i32
    %jit3A = arith.constant 0 : i32
    %jit3A_2 = arith.constant 7 : i32
    %max3A = arith.maxsi %jit3A, %select_n3A : i32
    %min3A = arith.minsi %jit3A_2, %max3A : i32
    %c0_i32 = arith.constant 0 : i32
    %c0_i32_3 = arith.constant 0 : i32
    return %min3A, %c0_i32 : i32, i32
  }
  func.func @transform_2(%arg0: i32) -> (i32, i32) {
    %c0_i32 = arith.constant 0 : i32
    %c0_i32_0 = arith.constant 0 : i32
    %c0_i32_1 = arith.constant 0 : i32
    return %c0_i32, %c0_i32_0 : i32, i32
  }
  func.func @transform_3(%arg0: i32) -> (i32, i32) {
    %c0_i32 = arith.constant 0 : i32
    %c0_i32_0 = arith.constant 0 : i32
    %c0_i32_1 = arith.constant 0 : i32
    return %c0_i32, %c0_i32_0 : i32, i32
  }
  func.func @transform_4(%arg0: i32) -> (i32, i32) {
    %lt3A = arith.constant 8 : i32
    %lt3A_0 = arith.cmpi slt, %arg0, %lt3A : i32
    %lt3A_1 = arith.constant 16 : i32
    %lt3A_2 = arith.cmpi slt, %arg0, %lt3A_1 : i32
    %sub3A = arith.constant 8 : i32
    %sub3A_3 = arith.subi %arg0, %sub3A : i32
    %add3A = arith.constant 16 : i32
    %add3A_4 = arith.addi %add3A, %sub3A_3 : i32
    %sub3A_5 = arith.constant 16 : i32
    %sub3A_6 = arith.subi %arg0, %sub3A_5 : i32
    %select_n3A = arith.select %lt3A_2, %add3A_4, %sub3A_6 : i32
    %jit3A = arith.constant 16 : i32
    %select_n3A_7 = arith.select %lt3A_0, %jit3A, %select_n3A : i32
    %c0_i32 = arith.constant 0 : i32
    %c0_i32_8 = arith.constant 0 : i32
    return %c0_i32, %select_n3A_7 : i32, i32
  }
}

</mosaic_0001>

<sc_bundles>
// kernel: kernel.5.cloned.1.call-start
scs
__scs_entry_jumppad:
0x0: {  	(pc) =	sbr.rel $0x88, $3  }
0x1: {  	(tag) =	ssettag $0x0;
	lr =	simm.s32 $0x1  }
0x2: {  	[smem:$0x3F9E] =	sst lr;
	_ =	strace $0xD0000000  }
0x3: {  	_ = 	snop  }
0x4: {  	_ = 	snop  }
0x5: {  	_ = 	snop  }
0x6: {  	_ = 	snop  }
0x7: {  	_ = 	snop  }
__scs_overlays_trampoline_lowered:
0x8: {  	[smem:$0x3FAD] =	sst s0  }
0x9: {  	[smem:$0x3FAE] =	sst s1  }
0xa: {  	[smem:$0x3FAF] =	sst s2  }
0xb: {  	[smem:$0x3FB0] =	sst s3  }
0xc: {  	[smem:$0x3FB1] =	sst s4  }
0xd: {  	[smem:$0x3FB2] =	sst s5  }
0xe: {  	[smem:$0x3FB3] =	sst s6  }
0xf: {  	[smem:$0x3FB4] =	sst s7  }
0x10: {  	[smem:$0x3FB5] =	sst s8  }
0x11: {  	[smem:$0x3FB6] =	sst s9;
	s0 =	simm.s32 @!p0 $0x0  }
0x12: {  	s1 =	sld [smem:$0x3F9C];
	s0 =	simm.s32 @p0 $0x1  }
0x13: {  	[smem:$0x3FB7] =	sst s0;
	s0 =	simm.s32 @!p1 $0x0  }
0x14: {  	s2 =	sld [smem:$0x3F9B];
	s0 =	simm.s32 @p1 $0x1  }
0x15: {  	[smem:$0x3FB8] =	sst s0;
	s0 =	simm.s32 @!p2 $0x0  }
0x16: {  	s3 =	sld [smem:$0x3FDB];
	s0 =	simm.s32 @p2 $0x1  }
0x17: {  	s4 =	simm.s32 $0x1BF5;
	[smem:$0x3FBA] =	sst s0  }
0x18: {  	s0 =	sld [smem:$0x3F9D];
	_ =	swait.ge [sflag:s4], $0x0  }
0x19: {  	s7 =	sld [smem:$0x3F9E]  }
0x1a: {  	s8 =	sadd.s32 $0xFFFFE003, lr  }
0x1b: {  	s9 =	sadd.s32 $0xFFFFFEF7, lr;
	s5 =	simm.s32 $0xFFFFFFFF;
	p2 =	slt.u32 s8, $0xFFFFF086  }
0x1c: {  	p1 =	slt.u32 s9, $0xF7A;
	s5 =	simm.s32 @!p2 $0x0  }
0x1d: {  	s5 =	simm.s32 @p1 $0x1;
	p0 =	seq.s32 s7, s2  }
0x1e: {  	s7 =	smul.u32 @!p0 $0xF7A, s2;
	p2 =	seq.s32 @!p0 s5, $0x0  }
0x1f: {  	s9 =	smul.u32 $0xF7A, s1;
	s8 =	simm.s32 @!p0 $0x1BF5;
	p2 =	por !p2, p0  }
0x20: {  	[sflag:s8] =	ssyncset.s32 @!p0 $0xFFFFF086;
	s6 =	sadd.s32 @!p0 s3, s7;
	s7 =	simm.s32 @!p0 $0x108  }
0x21: {  	s3 =	sadd.s32 s3, s9;
	s6 =	sadd.s32 @!p0 $0x88, s6;
	s7 =	simm.s32 @p2 $0x1082  }
0x22: {  	[simem:s7], [sflag:s8] =	dma.local @!p0 [hbm:s6], $0xF7A  }
0x23: {  	s9 =	sor.u32 $0xD0000000, s2;
	s6 =	simm.s32 $0x108;
	_ =	swait.ge @!p0 [sflag:s8], $0x0  }
0x24: {  	s3 =	sadd.s32 $0x88, s3;
	s6 =	simm.s32 @!p1 $0x1082;
	[sflag:s4] =	ssyncset.s32 $0xFFFFF086  }
0x25: {  	[simem:s6], [sflag:s4] =	dma.local [hbm:s3], $0xF7A  }
0x26: {  	[smem:$0x3F9E] =	sst s1;
	(tag) =	ssettag s2;
	_ =	strace s9  }
0x27: {  	s1 =	sld [smem:$0x3FAE]  }
0x28: {  	s2 =	sld [smem:$0x3FAF]  }
0x29: {  	s4 =	sld [smem:$0x3FB1]  }
0x2a: {  	p0 =	seq.s32 s5, $0x0;
	s5 =	sld [smem:$0x3FB2]  }
0x2b: {  	s6 =	sld [smem:$0x3FB3]  }
0x2c: {  	s7 =	sld [smem:$0x3FB4]  }
0x2d: {  	s3 =	simm.s32 $0x108;
	s8 =	sld [smem:$0x3FB5]  }
0x2e: {  	s3 =	simm.s32 @!p0 $0x1082;
	s9 =	sld [smem:$0x3FB6]  }
0x2f: {  	lr =	sadd.s32 s0, s3;
	s0 =	sld [smem:$0x3FAD]  }
0x30: {  	s3 =	sld [smem:$0x3FB0]  }
0x31: {  	[smem:$0x3FB9] =	sst s10  }
0x32: {  	s10 =	sld [smem:$0x3FB7];
	_ =	sdelay $0x3  }
0x33: {  	p0 =	seq.s32 s10, $0x1;
	s10 =	sld [smem:$0x3FB9];
	_ =	sdelay $0x3  }
0x34: {  	[smem:$0x3FB9] =	sst s10  }
0x35: {  	s10 =	sld [smem:$0x3FB8];
	_ =	sdelay $0x3  }
0x36: {  	p1 =	seq.s32 s10, $0x1;
	s10 =	sld [smem:$0x3FB9];
	_ =	sdelay $0x3  }
0x37: {  	[smem:$0x3FB9] =	sst s10  }
0x38: {  	s10 =	sld [smem:$0x3FBA]  }
0x39: {  	_ = 	snop;
	(pc) =	sbr.ind lr, $3  }
0x3a: {  	_ = 	snop  }
0x3b: {  	_ = 	snop  }
0x3c: {  	p2 =	seq.s32 s10, $0x1;
	s10 =	sld [smem:$0x3FB9]  }
0x3d: {  	_ =	shalt  }
0x3e: {  	_ =	shalt  }
0x3f: {  	_ =	shalt  }
0x40: {  	_ =	shalt  }
0x41: {  	_ =	shalt  }
0x42: {  	_ =	shalt  }
0x43: {  	_ =	shalt  }
0x44: {  	_ =	shalt  }
0x45: {  	_ =	shalt  }
0x46: {  	_ =	shalt  }
0x47: {  	_ =	shalt  }
0x48: {  	_ =	shalt  }
0x49: {  	_ =	shalt  }
0x4a: {  	_ =	shalt  }
0x4b: {  	_ =	shalt  }
0x4c: {  	_ =	shalt  }
0x4d: {  	_ =	shalt  }
0x4e: {  	_ =	shalt  }
0x4f: {  	_ =	shalt  }
0x50: {  	_ =	shalt  }
0x51: {  	_ =	shalt  }
0x52: {  	_ =	shalt  }
0x53: {  	_ =	shalt  }
0x54: {  	_ =	shalt  }
0x55: {  	_ =	shalt  }
0x56: {  	_ =	shalt  }
0x57: {  	_ =	shalt  }
0x58: {  	_ =	shalt  }
0x59: {  	_ =	shalt  }
0x5a: {  	_ =	shalt  }
0x5b: {  	_ =	shalt  }
0x5c: {  	_ =	shalt  }
0x5d: {  	_ =	shalt  }
0x5e: {  	_ =	shalt  }
0x5f: {  	_ =	shalt  }
0x60: {  	_ =	shalt  }
0x61: {  	_ =	shalt  }
0x62: {  	_ =	shalt  }
0x63: {  	_ =	shalt  }
0x64: {  	_ =	shalt  }
0x65: {  	_ =	shalt  }
0x66: {  	_ =	shalt  }
0x67: {  	_ =	shalt  }
0x68: {  	_ =	shalt  }
0x69: {  	_ =	shalt  }
0x6a: {  	_ =	shalt  }
0x6b: {  	_ =	shalt  }
0x6c: {  	_ =	shalt  }
0x6d: {  	_ =	shalt  }
0x6e: {  	_ =	shalt  }
0x6f: {  	_ =	shalt  }
0x70: {  	_ =	shalt  }
0x71: {  	_ =	shalt  }
0x72: {  	_ =	shalt  }
0x73: {  	_ =	shalt  }
0x74: {  	_ =	shalt  }
0x75: {  	_ =	shalt  }
0x76: {  	_ =	shalt  }
0x77: {  	_ =	shalt  }
0x78: {  	_ =	shalt  }
0x79: {  	_ =	shalt  }
0x7a: {  	_ =	shalt  }
0x7b: {  	_ =	shalt  }
0x7c: {  	_ =	shalt  }
0x7d: {  	_ =	shalt  }
0x7e: {  	_ =	shalt  }
0x7f: {  	_ =	shalt  }
0x80: {  	_ =	shalt  }
0x81: {  	_ =	shalt  }
0x82: {  	_ =	shalt  }
0x83: {  	_ =	shalt  }
0x84: {  	_ =	shalt  }
0x85: {  	_ =	shalt  }
0x86: {  	_ =	shalt  }
0x87: {  	_ =	shalt  }
.Lfunc_end0:
.L_simem_size_0:
called_computation_lowered:
.L_overlay_start_0:
0x88: {  	s2 =	sld [smem:$0x3FD9]  }
0x89: {  	s3 =	sld [smem:$0x3FFE];
	_ =	sdelay $0x1  }
0x8a: {  	s1 =	srdreg.scid  }
0x8b: {  	s0 =	sand.u32 $0x1, s1  }
0x8c: {  	s17 =	sshll.u32 s0, $0xA;
	s2 =	sadd.s32 s3, s2  }
0x8d: {  	s2 =	sadd.s32 s2, s17  }
0x8e: {  	[smem:$0x3FC5] =	sst s2  }
0x8f: {  	_ = 	snop  }
0x90: {  	s2 =	sld [smem:$0x3FC8]  }
0x91: {  	s18 =	sld [smem:$0x3FD0];
	(tm) =	ssettm $0x1  }
0x92: {  	s4 =	sld [smem:$0x3FFB];
	_ =	sdelay $0x3  }
0x93: {  	_ =	strace s4  }
0x94: {  	s4 =	sld [smem:$0x3FFC];
	_ =	sdelay $0x3  }
0x95: {  	_ =	strace s4  }
0x96: {  	s4 =	sld [smem:$0x3FFD];
	_ =	sdelay $0x3  }
0x97: {  	_ =	strace s4  }
0x98: {  	_ =	strace $0x8FFFFFFF  }
0x99: {  	s19 =	sld [smem:$0x3FDB];
	_ =	sdelay $0x1  }
0x9a: {  	s5 =	simm.s32 $_scs_section_size  }
0x9b: {  	s6 =	simm.s32 $_size__tile_overlayer_lowered;
	s7 =	simm.s32 $_tile_overlayer_lowered  }
0x9c: {  	s22 =	simm.s32 $0x1BFF;
	s21 =	sshll.u32 s7, $0x1;
	s4 =	sadd.s32 s5, s19  }
0x9d: {  	s8 =	simm.s32 $0x0;
	s20 =	sshll.u32 s6, $0x1;
	s6 =	sadd.s32 s21, s4  }
0x9e: {  	[timem:s8], [sflag:s22] =	dma.local [hbm:s6], s20  }
0x9f: {  	_ =	swait.ge [sflag:s22], s20  }
0xa0: {  	s5 =	ssub.s32 $0x0, s20;
	[sflag:s22] =	ssyncset.done $0x0  }
0xa1: {  	[sflag:s22] =	ssyncadd.s32 s5;
	_ =	sdelay $0x1  }
0xa2: {  	s23 =	simm.s32 $0x1B8B  }
0xa3: {  	_ =	swait.ge [sflag:s23], $0x1  }
0xa4: {  	[sflag:s23] =	ssyncset.done $0x0  }
0xa5: {  	s25 =	simm.s32 $0x1B8E;
	s24 =	sld [smem:$0x3FFE];
	[sflag:s23] =	ssyncadd.s32 $0xFFFFFFFF  }
0xa6: {  	s26 =	simm.s32 $execute0_lowered;
	[smem:$0x3FD2] =	sst s25  }
0xa7: {  	s6 =	sshll.u32 s26, $0x1;
	_ =	strace $0x80000046;
	[dreg:$0x1] =	wrdreg $0xFFFFFFFF  }
0xa8: {  	s28 =	simm.s32 $_size_execute0_lowered;
	s4 =	sadd.s32 s4, s6;
	[dreg:$0x0] =	wrdreg $0x0  }
0xa9: {  	s6 =	sshll.u32 s28, $0x1;
	[dreg:$0x2] =	wrdreg s4  }
0xaa: {  	[dreg:$0x3] =	wrdreg s6  }
0xab: {  	[dreg:$0x4] =	wrdreg $0xC0  }
0xac: {  	_ =	task [dreg:s8], $0x5FFFF  }
0xad: {  	[dreg:$0x1] =	wrdreg $0xFFFFFFFF  }
0xae: {  	[dreg:$0x0] =	wrdreg $0x60  }
0xaf: {  	[dreg:$0x2] =	wrdreg s24  }
0xb0: {  	[dreg:$0x3] =	wrdreg s2  }
0xb1: {  	[dreg:$0x4] =	wrdreg s18  }
0xb2: {  	[dreg:$0x5] =	wrdreg $0xB8000  }
0xb3: {  	[dreg:$0x6] =	wrdreg $0xD0000  }
0xb4: {  	[dreg:$0x7] =	wrdreg $0x9  }
0xb5: {  	_ =	task.clear_ibuf [dreg:s8], $0x8FFFF;
	_ =	strace $0x90000046  }
0xb6: {  	s29 =	simm.s32 $0x9;
	_ =	strace $0x80000048  }
0xb7: {  	_ =	swait.ge [sflag:s29], $0x1  }
0xb8: {  	[sflag:s29] =	ssyncadd.s32 $0xFFFFFFFF  }
0xb9: {  	_ =	strace $0x90000048  }
0xba: {  	_ =	sfence  }
0xbb: {  	s30 =	sld [smem:$0x0];
	_ =	sdelay $0x2  }
0xbc: {  	s31 =	sshll.u32 s1, $0xD;
	s1 =	sshrl.u32 s1, $0x2  }
0xbd: {  	s3 =	sand.u32 $0x4000, s31;
	s1 =	sadd.s32 s1, s30  }
0xbe: {  	s0 =	sor.u32 s3, s0;
	s1 =	sshll.u32 s1, $0x11  }
0xbf: {  	s0 =	sor.u32 s1, s0  }
0xc0: {  	s0 =	sadd.s32 $0x8F2B, s0  }
0xc1: {  	[sflag:s0] =	ssyncadd.remote.s32 $0x1  }
0xc2: {  	_ =	sfence.sel $0xFFFF  }
0xc3: {  	[dreg:$0x0] =	wrdreg $0xFFFFFFFF;
	(pc) =	sbr.abs _section_cstart, $3  }
0xc4: {  	[dreg:$0x1] =	wrdreg $0xFFFFFFFF  }
0xc5: {  	_ =	task.clear_ibuf [dreg:s8], $0x2FFFF;
	_ =	strace $0x9FFFFFFF  }
0xc6: {  	(tm) =	ssettm $0x7FFFFFFF  }
0xc7: {  	_ =	shalt  }
tec
execute0_lowered:
.L_overlay_start_1:
0x0: {  	(tag) =	ssettag $0x1  }
0x1: {  	s0 =	rddreg [dreg:$0x0]  }
0x2: {  	s1 =	rddreg [dreg:$0x1]  }
0x3: {  	s2 =	rddreg [dreg:$0x2]  }
0x4: {  	s3 =	rddreg [dreg:$0x3]  }
0x5: {  	s15 =	rddreg [dreg:$0x4]  }
0x6: {  	s5 =	simm.s32 $0x0;
	s4 =	srdreg.scid;
	s16 =	stileid.u32  }
0x7: {  	s18 =	simm.s32 $0x80;
	s19 =	simm.s32 $0x400;
	s28 =	simm.s32 $0x0  }
0x8: {  	[smem:$0x7FF] =	sst s5;
	s4 =	sand.u32 $0x1, s4;
	s5 =	sadd.s32 $0xC00, s0  }
0x9: {  	s7 =	sshrl.u32 s16, $0x3;
	s22 =	sshll.u32 s16, $0xC;
	s12 =	sshll.u32 s16, $0x7  }
0xa: {  	s24 =	sshll.u32 s16, $0x4;
	s25 =	sshll.u32 s16, $0x1;
	_ =	strace $0x80000047  }
0xb: {  	s6 =	ssub.s32 $0x2, s4;
	s8 =	ssub.s32 $0x0, s4;
	s9 =	smul.u32 $0x30000, s7  }
0xc: {  	s10 =	sand.u32 $0x380, s12;
	s23 =	sshrl.u32 s22, $0x2;
	s20 =	sshrl.u32 s6, $0x1  }
0xd: {  	s17 =	sor.u32 $0x80000000, s12;
	s21 =	sand.u32 $0x3, s8;
	s0 =	ssub.s32 s6, s20  }
0xe: {  	s6 =	sxor.u32 $0x3, s4;
	s9 =	sshrl.u32 s9, $0x2;
	s13 =	sadd.s32 s16, s21  }
0xf: {  	[dreg:$0xb] =	wrdreg s21;
	s31 =	sshll.u32 s21, $0x7;
	s20 =	simm.s32 $0x2  }
0x10: {  	s21 =	simm.s32 $0xC000;
	s8 =	sshll.u32 s6, $0x5;
	s9 =	sadd.s32 s9, s3  }
0x11: {  	s11 =	sshll.u32 s13, $0x4;
	s29 =	sshll.u32 s13, $0xC;
	s13 =	sadd.s32 $0x100, s1  }
0x12: {  	s0 =	smax.u32 s0, $0x1;
	s9 =	sadd.s32 s10, s9;
	s10 =	sadd.s32 s23, s3  }
.Ltmp0:
0x13: {  	s14 =	sand.u32 $0x70, s11;
	[dreg:$0xa] =	wrdreg s0;
	(pc) =	sbr.rel .LBB2_1-.Ltmp0, $4  }
0x14: {  	s3 =	sadd.s32 s24, s15;
	s23 =	sshllo.u32 s16, $0x1;
	[dreg:$0x6] =	wrdreg s9  }
0x15: {  	s30 =	sadd.s32 s2, s29;
	[dreg:$0x7] =	wrdreg s3;
	s14 =	sadd.s32 s14, s5  }
0x16: {  	v0 =	vlaneseq.u32;
	v2 =	vmov s25;
	s7 =	sor.u32 s31, s22;
	[dreg:$0x9] =	wrdreg s30;
	v3 =	vmov s23;
	s26 =	sadd.s32 $0x2000, s14  }
0x17: {  	v1 =	vimm.s32 $0x0;
	vm1 =	veq.s32 v2, v0;
	s22 =	simm.s32 $0x2E00;
	p0 =	sge.u32 s16, s6;
	vm0 =	veq.s32 v3, v0;
	[dreg:$0x8] =	wrdreg s26  }
.LBB2_18:
0x18: {  	s28 =	sadd.s32 $0x1, s28;
	s0 =	rddreg [dreg:$0xa]  }
0x19: {  	p1 =	sne.s32 s28, s0  }
.Ltmp1:
0x1a: {  	_ = 	snop;
	(pc) =	sbr.rel @!p1 .LBB2_19-.Ltmp1, $1  }
0x1b: {  	_ =	sdelay $0x3  }
.LBB2_1:
0x1c: {  	s2 =	simm.s32 $0x40  }
0x1d: {  	[tilespmem:s2+$0xFFFFFFC0] =	vst v1  }
0x1e: {  	[tilespmem:s2+$0x30] =	vst v1  }
0x1f: {  	[tilespmem:s2+$0x20] =	vst v1  }
0x20: {  	[tilespmem:s2+$0x10] =	vst v1  }
0x21: {  	[tilespmem:s2+$0x0] =	vst v1  }
0x22: {  	[tilespmem:s2+$0xFFFFFFF0] =	vst v1  }
0x23: {  	s3 =	simm.s32 $0x0;
	[tilespmem:s2+$0xFFFFFFE0] =	vst v1  }
.LBB2_2:
0x24: {  	s3 =	sadd.s32 $0x8, s3;
	[tilespmem:s2+$0xFFFFFFD0] =	vst v1;
	s2 =	sadd.s32 $0x80, s2;
	s0 =	simm.s32 $0x1800  }
0x25: {  	[tilespmem:s2+$0xFFFFFFC0] =	vst v1;
	p1 =	slt.u32 s3, $0x178  }
0x26: {  	[tilespmem:s2+$0x30] =	vst v1  }
.Ltmp2:
0x27: {  	[tilespmem:s2+$0x20] =	vst v1;
	(pc) =	sbr.rel @p1 .LBB2_2-.Ltmp2, $4  }
0x28: {  	[tilespmem:s2+$0x10] =	vst v1  }
0x29: {  	[tilespmem:s2+$0x0] =	vst v1  }
0x2a: {  	[tilespmem:s2+$0xFFFFFFF0] =	vst v1  }
0x2b: {  	[tilespmem:s2+$0xFFFFFFE0] =	vst v1  }
0x2c: {  	p2 =	sne.s32 s6, $0x1  }
.Ltmp3:
0x2d: {  	s1 =	rddreg [dreg:$0xb];
	(pc) =	sbr.rel @!p2 .LBB2_6-.Ltmp3, $4  }
0x2e: {  	s3 =	sshrl.u32 s1, $0x3  }
0x2f: {  	s3 =	smul.u32 $0x18000, s3  }
0x30: {  	s12 =	sadd.s32 $0xFFFFFFFF, s6  }
0x31: {  	[tilespmem:s2+$0xFFFFFFD0] =	vst v1;
	p1 =	por $0x0, $0x0;
	s4 =	sadd.s32 $0x1, s1;
	s3 =	sadd.s32 s3, s7  }
0x32: {  	p2 =	sne.s32 s12, $0x1  }
.Ltmp4:
0x33: {  	s2 =	sshrl.u32 s4, $0x3;
	s3 =	sshrl.u32 s3, $0x3;
	(pc) =	sbr.rel @!p2 .LBB2_6-.Ltmp4, $4  }
0x34: {  	s4 =	sadd.s32 $0x1, s4;
	s12 =	sadd.s32 $0xFFFFFFFF, s12;
	p1 =	por $0x1, $0x1  }
0x35: {  	s14 =	smul.u32 $0x18000, s2;
	s31 =	sadd.s32 s5, s3;
	s2 =	sadd.s32 $0x80, s7  }
0x36: {  	[tilespmem:s0], [sflag:$0x2] =	stream.strided.gather [hbm4b:s31+s18], $0x200, s19, s18, $0x38;
	[tilespmem:$0xD010] =	vst v63  }
0x37: {  	s0 =	simm.s32 $0x1A00;
	s3 =	sadd.s32 s14, s2;
	_ =	swait.ge [sflag:s20], $0x200  }
.LBB2_5:
0x38: {  	s14 =	sshrl.u32 s4, $0x3;
	s3 =	sshrl.u32 s3, $0x3  }
0x39: {  	[sflag:s20] =	ssyncset.done $0x0;
	p2 =	sne.s32 s12, $0x1;
	s14 =	smul.u32 $0x18000, s14  }
.Ltmp5:
0x3a: {  	s3 =	sadd.s32 s5, s3;
	[sflag:s20] =	ssyncadd.s32 $0xFFFFFE00;
	(pc) =	sbr.rel @p2 .LBB2_5-.Ltmp5, $4  }
0x3b: {  	[tilespmem:s0], [sflag:$0x2] =	stream.strided.gather [hbm4b:s3+s18], $0x200, s19, s18, $0x38;
	[tilespmem:$0xD010] =	vst v63  }
0x3c: {  	s2 =	sadd.s32 $0x80, s2  }
0x3d: {  	s4 =	sadd.s32 $0x1, s4;
	s0 =	sadd.s32 $0x200, s0;
	s3 =	sadd.s32 s14, s2  }
0x3e: {  	s12 =	sadd.s32 $0xFFFFFFFF, s12;
	_ =	swait.ge [sflag:s20], $0x200  }
.LBB2_6:
0x3f: {  	s2 =	sshrl.u32 s3, $0x3;
	[sflag:s20] =	ssyncset.done @p1 $0x0  }
0x40: {  	s2 =	sadd.s32 s5, s2;
	[sflag:s20] =	ssyncadd.s32 @p1 $0xFFFFFE00  }
0x41: {  	[tilespmem:s0], [sflag:$0x2] =	stream.strided.gather [hbm4b:s2+s18], $0x200, s19, s18, $0x38;
	[tilespmem:$0xD010] =	vst v63  }
0x42: {  	_ =	swait.ge [sflag:s20], $0x200  }
0x43: {  	[sflag:s20] =	ssyncset.done $0x0  }
0x44: {  	s0 =	simm.s32 $0x0;
	s2 =	simm.s32 $0x0;
	[sflag:s20] =	ssyncadd.s32 $0xFFFFFE00  }
.LBB2_7:
0x45: {  	p1 =	sge.u32 s2, s8  }
0x46: {  	s3 =	sshra.s32 @!p1 s0, $0x2  }
0x47: {  	v2 =	vld @!p1 [tilespmem:s3+$0x1800];
	_ =	sdelay $0x4  }
0x48: {  	v2 =	vtrunc.f32 @!p1 v2  }
0x49: {  	v2 =	vcvt.f32.s32 @!p1 v2  }
0x4a: {  	s3 =	sand.u32 @!p1 $0x1800, s0  }
0x4b: {  	v2 =	vadd.s32 @!p1 s3, v2;
	_ =	sdelay $0x2  }
0x4c: {  	s31 =	sadd.s32 $0x1, s2  }
0x4d: {  	v3 =	vimm.s32 @!p1 $0x1;
	s4 =	simm.s32 @!p1 $0x0;
	p2 =	sge.u32 s31, s8  }
0x4e: {  	[tilespmem:v2+s4+$0x0] =	vst.idx.add.s32.msk @!p1 $0xffff, v3;
	s4 =	sshra.s32 @!p2 s0, $0x2  }
0x4f: {  	v2 =	vld @!p2 [tilespmem:s4+$0x1810];
	_ =	sdelay $0x4  }
0x50: {  	v2 =	vtrunc.f32 @!p2 v2  }
0x51: {  	v2 =	vcvt.f32.s32 @!p2 v2  }
0x52: {  	s4 =	sand.u32 @!p2 $0x1800, s0  }
0x53: {  	v2 =	vadd.s32 @!p2 s4, v2;
	_ =	sdelay $0x2  }
0x54: {  	s3 =	sadd.s32 $0x1, s31  }
0x55: {  	v3 =	vimm.s32 @!p2 $0x1;
	p1 =	sge.u32 s3, s8;
	s4 =	simm.s32 @!p2 $0x0  }
0x56: {  	[tilespmem:v2+s4+$0x0] =	vst.idx.add.s32.msk @!p2 $0xffff, v3;
	s4 =	sshra.s32 @!p1 s0, $0x2  }
0x57: {  	v2 =	vld @!p1 [tilespmem:s4+$0x1820];
	_ =	sdelay $0x4  }
0x58: {  	v2 =	vtrunc.f32 @!p1 v2  }
0x59: {  	v2 =	vcvt.f32.s32 @!p1 v2  }
0x5a: {  	s4 =	sand.u32 @!p1 $0x1800, s0  }
0x5b: {  	v2 =	vadd.s32 @!p1 s4, v2;
	_ =	sdelay $0x2  }
0x5c: {  	s3 =	sadd.s32 $0x1, s3  }
0x5d: {  	v3 =	vimm.s32 @!p1 $0x1;
	p2 =	sge.u32 s3, s8;
	s4 =	simm.s32 @!p1 $0x0  }
0x5e: {  	s3 =	sshra.s32 @!p2 s0, $0x2;
	[tilespmem:v2+s4+$0x0] =	vst.idx.add.s32.msk @!p1 $0xffff, v3  }
0x5f: {  	v2 =	vld @!p2 [tilespmem:s3+$0x1830];
	_ =	sdelay $0x4  }
0x60: {  	v2 =	vtrunc.f32 @!p2 v2  }
0x61: {  	v2 =	vcvt.f32.s32 @!p2 v2  }
0x62: {  	s3 =	sand.u32 @!p2 $0x1800, s0  }
0x63: {  	p1 =	slt.u32 s2, $0x5C;
	v2 =	vadd.s32 @!p2 s3, v2  }
.Ltmp6:
0x64: {  	_ = 	snop;
	(pc) =	sbr.rel @p1 .LBB2_7-.Ltmp6, $3  }
0x65: {  	_ =	sdelay $0x1  }
0x66: {  	v3 =	vimm.s32 @!p2 $0x1;
	s3 =	simm.s32 @!p2 $0x0  }
0x67: {  	s2 =	sadd.s32 $0x4, s2;
	s0 =	sadd.s32 $0x100, s0;
	[tilespmem:v2+s3+$0x0] =	vst.idx.add.s32.msk @!p2 $0xffff, v3  }
0x68: {  	s29 =	simm.s32 $0x0;
	s0 =	rddreg [dreg:$0x6]  }
0x69: {  	[spmem:s0] =	stream.strided.scatter [tilespmem:s29], [sflag:$0x2], $0x1800, s19, s18, $0x38;
	[tilespmem:$0xD010] =	vst v63  }
0x6a: {  	_ =	swait.ge [sflag:s20], $0x1800  }
0x6b: {  	[sflag:s20] =	ssyncset.done $0x0  }
0x6c: {  	[sflag:s20] =	ssyncadd.s32 $0xFFFFE800  }
0x6d: {  	v2 =	vimm.s32 $0x0;
	[bflag:$0x0] =	sbarrier.arrive $0xFFFF  }
.LBB2_9:
0x6e: {  	s0 =	sshll.u32 s29, $0x10  }
0x6f: {  	s0 =	sshra.s32 s0, $0x2  }
0x70: {  	s0 =	sadd.s32 s0, s10  }
0x71: {  	[tilespmem:s22], [sflag:$0x2] =	stream.strided.gather [spmem:s0], $0x800, s21, s19, $0x38;
	[tilespmem:$0xD010] =	vst v63  }
0x72: {  	_ =	swait.ge [sflag:s20], $0x800  }
0x73: {  	[sflag:s20] =	ssyncset.done $0x0  }
0x74: {  	s24 =	simm.s32 $0x3200;
	[sflag:s20] =	ssyncadd.s32 $0xFFFFF800  }
0x75: {  	v3 =	vld [tilespmem:s24+$0xFFFFFC00]  }
0x76: {  	v4 =	vld [tilespmem:s24+$0xFFFFFC80]  }
0x77: {  	v5 =	vld [tilespmem:s24+$0xFFFFFD00]  }
0x78: {  	v6 =	vld [tilespmem:s24+$0xFFFFFD80]  }
0x79: {  	v7 =	vld [tilespmem:s24+$0xFFFFFE00]  }
0x7a: {  	v8 =	vld [tilespmem:s24+$0xFFFFFE80]  }
0x7b: {  	v3 =	vadd.s32 v3, v4;
	v4 =	vld [tilespmem:s24+$0xFFFFFF00]  }
0x7c: {  	v3 =	vadd.s32 v5, v3;
	v5 =	vld [tilespmem:s24+$0xFFFFFF80]  }
0x7d: {  	v3 =	vadd.s32 v6, v3;
	v6 =	vld [tilespmem:s24+$0x0]  }
0x7e: {  	v3 =	vadd.s32 v7, v3;
	v7 =	vld [tilespmem:s24+$0x80]  }
0x7f: {  	v3 =	vadd.s32 v8, v3;
	v8 =	vld [tilespmem:s24+$0x100]  }
0x80: {  	v3 =	vadd.s32 v4, v3;
	v4 =	vld [tilespmem:s24+$0x180]  }
0x81: {  	v3 =	vadd.s32 v5, v3;
	v5 =	vld [tilespmem:s24+$0x200]  }
0x82: {  	v3 =	vadd.s32 v6, v3;
	v6 =	vld [tilespmem:s24+$0x280]  }
0x83: {  	v3 =	vadd.s32 v7, v3;
	v7 =	vld [tilespmem:s24+$0x300]  }
0x84: {  	v3 =	vadd.s32 v8, v3;
	v8 =	vld [tilespmem:s24+$0x380]  }
0x85: {  	v3 =	vadd.s32 v4, v3  }
0x86: {  	s25 =	simm.s32 $0x3210;
	v3 =	vadd.s32 v5, v3  }
0x87: {  	v9 =	vld [tilespmem:s25+$0xFFFFFE00];
	v3 =	vadd.s32 v6, v3  }
0x88: {  	v10 =	vld [tilespmem:s25+$0xFFFFFF00];
	v3 =	vadd.s32 v7, v3  }
0x89: {  	v11 =	vld [tilespmem:s25+$0xFFFFFF80];
	v3 =	vadd.s32 v8, v3  }
0x8a: {  	v12 =	vld [tilespmem:s25+$0x0];
	v8 =	vxor.u32 $0x80000000, v3  }
0x8b: {  	v13 =	vld [tilespmem:s25+$0x80];
	(xrf0) =	vmax.scan.msk.u32 $0xffff, v8  }
0x8c: {  	v14 =	vld [tilespmem:s25+$0x100]  }
0x8d: {  	v16 =	vld [tilespmem:s25+$0x180]  }
0x8e: {  	v4 =	vld [tilespmem:s25+$0xFFFFFC00]  }
0x8f: {  	v5 =	vld [tilespmem:s25+$0xFFFFFC80]  }
0x90: {  	v6 =	vld [tilespmem:s25+$0xFFFFFD00]  }
0x91: {  	v7 =	vld [tilespmem:s25+$0xFFFFFD80];
	v15, _, _ =	vpop (xrf0)  }
0x92: {  	v60 =	vld [tilespmem:s25+$0x200];
	(v2sf) =	vpush v15, $0xF  }
0x93: {  	v8 =	vld [tilespmem:s25+$0xFFFFFE80]  }
0x94: {  	v17 =	vld [tilespmem:s25+$0x280];
	v4 =	vadd.s32 v4, v5  }
0x95: {  	s26 =	simm.s32 $0x3220;
	v18 =	vld [tilespmem:s25+$0x300];
	v4 =	vadd.s32 v6, v4  }
0x96: {  	v61 =	vld [tilespmem:s26+$0xFFFFFF00];
	v4 =	vadd.s32 v7, v4  }
0x97: {  	v6 =	vld [tilespmem:s26+$0xFFFFFC00];
	v4 =	vadd.s32 v9, v4  }
0x98: {  	v7 =	vld [tilespmem:s26+$0xFFFFFC80];
	v4 =	vadd.s32 v8, v4  }
0x99: {  	v9 =	vld [tilespmem:s26+$0xFFFFFD00];
	v4 =	vadd.s32 v10, v4  }
0x9a: {  	v8 =	vld [tilespmem:s26+$0xFFFFFD80];
	v4 =	vadd.s32 v11, v4  }
0x9b: {  	v10 =	vld [tilespmem:s26+$0xFFFFFE00];
	v4 =	vadd.s32 v12, v4  }
0x9c: {  	v11 =	vld [tilespmem:s26+$0xFFFFFE80];
	v4 =	vadd.s32 v13, v4  }
0x9d: {  	v5 =	vld [tilespmem:s25+$0x380];
	v6 =	vadd.s32 v6, v7;
	v4 =	vadd.s32 v14, v4  }
0x9e: {  	v7 =	vld [tilespmem:s26+$0xFFFFFF80];
	v6 =	vadd.s32 v9, v6;
	v4 =	vadd.s32 v16, v4  }
0x9f: {  	v9 =	vld [tilespmem:s26+$0x0];
	v6 =	vadd.s32 v8, v6;
	v4 =	vadd.s32 v60, v4  }
0xa0: {  	v8 =	vld [tilespmem:s26+$0x80];
	v6 =	vadd.s32 v10, v6;
	v4 =	vadd.s32 v17, v4  }
0xa1: {  	v10 =	vld [tilespmem:s26+$0x100];
	v6 =	vadd.s32 v11, v6;
	v4 =	vadd.s32 v18, v4;
	s2 =	spop (v2sf)  }
0xa2: {  	v11 =	vld [tilespmem:s26+$0x180];
	v6 =	vadd.s32 v61, v6;
	v4 =	vadd.s32 v5, v4;
	s12 =	sxor.u32 $0x80000000, s2  }
0xa3: {  	v62 =	vld [tilespmem:s26+$0x200];
	vm2 =	veq.s32 v3, s12;
	v3 =	vadd.s32 v7, v6;
	v7 =	vxor.u32 $0x80000000, v4  }
0xa4: {  	v5 =	vld [tilespmem:s26+$0x280];
	v3 =	vadd.s32 v9, v3;
	(xrf0) =	vmax.scan.msk.u32 $0xffff, v7  }
0xa5: {  	v9 =	vld [tilespmem:s26+$0x300];
	v3 =	vadd.s32 v8, v3  }
0xa6: {  	v3 =	vadd.s32 v10, v3  }
0xa7: {  	v3 =	vadd.s32 v11, v3  }
0xa8: {  	v3 =	vadd.s32 v62, v3  }
0xa9: {  	v3 =	vadd.s32 v5, v3  }
0xaa: {  	v3 =	vadd.s32 v9, v3;
	v9, _, _ =	vpop (xrf0)  }
0xab: {  	(v2sf) =	vpush v9, $0xF  }
0xac: {  	v6 =	vmctz.xlane vm2;
	_ =	sdelay $0x1  }
0xad: {  	v7 =	vld [tilespmem:s26+$0x380];
	v6 =	vxor.u32 $0x80000000, v6  }
0xae: {  	s26 =	simm.s32 $0x3230;
	(xrf0) =	vmax.scan.msk.u32 $0xffff, v6  }
0xaf: {  	v8 =	vld [tilespmem:s26+$0xFFFFFC00]  }
0xb0: {  	v10 =	vld [tilespmem:s26+$0xFFFFFC80]  }
0xb1: {  	v11 =	vld [tilespmem:s26+$0xFFFFFD00]  }
0xb2: {  	v5 =	vld [tilespmem:s26+$0xFFFFFD80];
	v3 =	vadd.s32 v7, v3  }
0xb3: {  	s30 =	simm.s32 $0xFFFFFFFF;
	s3 =	simm.s32 $0x10;
	v6 =	vld [tilespmem:s26+$0xFFFFFE00];
	v9 =	vxor.u32 $0x80000000, v3  }
0xb4: {  	s4 =	simm.s32 $0x30;
	s31 =	simm.s32 $0x50;
	s23 =	simm.s32 $0x0;
	v7 =	vld [tilespmem:s26+$0xFFFFFE80];
	v63, _, _ =	vpop (xrf0);
	(xrf0) =	vmax.scan.msk.u32 $0xffff, v9  }
0xb5: {  	s0 =	simm.s32 $0x0;
	s24 =	simm.s32 $0x20;
	p1 =	sgt.s32 s12, $0xFFFFFFFF;
	v10 =	vadd.s32 v8, v10;
	v8 =	vld [tilespmem:s26+$0xFFFFFF00];
	(v2sf) =	vpush v63, $0xF  }
0xb6: {  	s2 =	simm.s32 $0x40;
	s30 =	smov.u32 @p1 s12;
	s12 =	simm.s32 $0x60;
	v10 =	vadd.s32 v11, v10;
	v9 =	vld [tilespmem:s26+$0xFFFFFF80]  }
.LBB2_10:
0xb7: {  	p2 =	sne.s32 s12, $0x70;
	v5 =	vadd.s32 v5, v10;
	v10 =	vld [tilespmem:s26+$0x0];
	s14 =	smov.u32 s4;
	s4 =	smov.u32 s2  }
0xb8: {  	s2 =	smov.u32 s31;
	s31 =	smov.u32 s12;
	p3 =	por p1, p1;
	v5 =	vadd.s32 v6, v5;
	v6 =	vld [tilespmem:s26+$0x80]  }
0xb9: {  	v5 =	vadd.s32 v7, v5;
	v7 =	vld [tilespmem:s26+$0x100];
	s25 =	spop (v2sf)  }
0xba: {  	v5 =	vadd.s32 v8, v5;
	v8 =	vld [tilespmem:s26+$0x180];
	v11, _, _ =	vpop (xrf0);
	s25 =	sxor.u32 $0x80000000, s25  }
0xbb: {  	v5 =	vadd.s32 v9, v5;
	v9 =	vld [tilespmem:s26+$0x200];
	(v2sf) =	vpush v11, $0xF;
	vm2 =	veq.s32 v4, s25;
	p1 =	sgt.s32 s25, s30;
	v4 =	vmovc v3  }
0xbc: {  	v3 =	vadd.s32 v10, v5;
	v5 =	vld [tilespmem:s26+$0x280];
	v10 =	vmctz.xlane vm2;
	s30 =	smov.u32 @p1 s25  }
0xbd: {  	v3 =	vadd.s32 v6, v3;
	v6 =	vld [tilespmem:s26+$0x300]  }
0xbe: {  	v3 =	vadd.s32 v7, v3;
	v7 =	vld [tilespmem:s26+$0x380];
	v10 =	vxor.u32 $0x80000000, v10  }
0xbf: {  	s26 =	sadd.s32 $0x10, s26;
	v3 =	vadd.s32 v8, v3;
	(xrf0) =	vmax.scan.msk.u32 $0xffff, v10  }
0xc0: {  	v8 =	vld [tilespmem:s26+$0xFFFFFC00];
	v3 =	vadd.s32 v9, v3  }
0xc1: {  	v9 =	vld [tilespmem:s26+$0xFFFFFC80];
	v3 =	vadd.s32 v5, v3  }
0xc2: {  	v10 =	vld [tilespmem:s26+$0xFFFFFD00];
	v3 =	vadd.s32 v6, v3  }
.Ltmp7:
0xc3: {  	v5 =	vld [tilespmem:s26+$0xFFFFFD80];
	v3 =	vadd.s32 v7, v3;
	(pc) =	sbr.rel @p2 .LBB2_10-.Ltmp7, $4  }
0xc4: {  	v6 =	vld [tilespmem:s26+$0xFFFFFE00];
	v12 =	vxor.u32 $0x80000000, v3;
	s25 =	spop (v2sf)  }
0xc5: {  	v7 =	vld [tilespmem:s26+$0xFFFFFE80];
	(xrf0) =	vmax.scan.msk.u32 $0xffff, v12;
	v11, _, _ =	vpop (xrf0);
	s25 =	sadd.s32 s25, s17  }
0xc6: {  	v9 =	vadd.s32 v8, v9;
	v8 =	vld [tilespmem:s26+$0xFFFFFF00];
	(v2sf) =	vpush v11, $0xF;
	s25 =	sadd.s32 s23, s25;
	s23 =	smov.u32 s3;
	s3 =	smov.u32 s24  }
0xc7: {  	s12 =	sadd.s32 $0x10, s12;
	s24 =	smov.u32 s14;
	v10 =	vadd.s32 v10, v9;
	v9 =	vld [tilespmem:s26+$0xFFFFFF80];
	s0 =	smov.u32 @p3 s25  }
0xc8: {  	v11 =	vld [tilespmem:s26+$0x0]  }
0xc9: {  	v12 =	vld [tilespmem:s26+$0x80]  }
0xca: {  	v13 =	vld [tilespmem:s26+$0x100]  }
0xcb: {  	v5 =	vadd.s32 v5, v10;
	v57 =	vld [tilespmem:s26+$0x180]  }
0xcc: {  	v58 =	vld [tilespmem:s26+$0x200];
	v5 =	vadd.s32 v6, v5  }
0xcd: {  	v59 =	vld [tilespmem:s26+$0x280];
	v5 =	vadd.s32 v7, v5  }
0xce: {  	v60 =	vld [tilespmem:s26+$0x300];
	v5 =	vadd.s32 v8, v5  }
0xcf: {  	v61 =	vld [tilespmem:s26+$0x380];
	s12 =	sadd.s32 $0x10, s26;
	v5 =	vadd.s32 v9, v5  }
0xd0: {  	v62 =	vld [tilespmem:s12+$0xFFFFFC00];
	v5 =	vadd.s32 v11, v5  }
0xd1: {  	v63 =	vld [tilespmem:s12+$0xFFFFFC80];
	v5 =	vadd.s32 v12, v5  }
0xd2: {  	v24 =	vld [tilespmem:s12+$0xFFFFFD00];
	s14 =	spop (v2sf);
	v5 =	vadd.s32 v13, v5  }
0xd3: {  	v25 =	vld [tilespmem:s12+$0xFFFFFD80];
	s26 =	sxor.u32 $0x80000000, s14;
	v5 =	vadd.s32 v57, v5  }
0xd4: {  	v27 =	vld [tilespmem:s12+$0xFFFFFE00];
	vm2 =	veq.s32 v4, s26;
	v26 =	vadd.s32 v58, v5  }
0xd5: {  	v29 =	vld [tilespmem:s12+$0xFFFFFE80];
	v28 =	vmctz.xlane vm2;
	v4 =	vadd.s32 v59, v26  }
0xd6: {  	v30 =	vld [tilespmem:s12+$0xFFFFFF00];
	v4 =	vadd.s32 v60, v4  }
0xd7: {  	v31 =	vld [tilespmem:s12+$0xFFFFFF80];
	v6 =	vxor.u32 $0x80000000, v28;
	v4 =	vadd.s32 v61, v4  }
0xd8: {  	v14 =	vld [tilespmem:s12+$0x0];
	(xrf0) =	vmax.scan.msk.u32 $0xffff, v6;
	v32 =	vxor.u32 $0x80000000, v4  }
0xd9: {  	v33 =	vld [tilespmem:s12+$0x80];
	(xrf0) =	vmax.scan.msk.u32 $0xffff, v32  }
0xda: {  	v15 =	vld [tilespmem:s12+$0x100]  }
0xdb: {  	v16 =	vld [tilespmem:s12+$0x180]  }
0xdc: {  	v18 =	vld [tilespmem:s12+$0x200];
	v17, _, _ =	vpop (xrf0)  }
0xdd: {  	v34 =	vld [tilespmem:s12+$0x280];
	(v2sf) =	vpush v17, $0xF  }
0xde: {  	v20 =	vld [tilespmem:s12+$0x300];
	v19, _, _ =	vpop (xrf0)  }
0xdf: {  	v21 =	vld [tilespmem:s12+$0x380];
	s25 =	sadd.s32 $0x10, s12;
	(v2sf) =	vpush v19, $0xF;
	v35, _, _ =	vpop (xrf0)  }
0xe0: {  	v36 =	vld [tilespmem:s25+$0xFFFFFC00];
	(v2sf) =	vpush v35, $0xF  }
0xe1: {  	v22 =	vld [tilespmem:s25+$0xFFFFFC80]  }
0xe2: {  	v23 =	vld [tilespmem:s25+$0xFFFFFD00]  }
0xe3: {  	v37 =	vld [tilespmem:s25+$0xFFFFFD80];
	v11 =	vadd.s32 v62, v63  }
0xe4: {  	v38 =	vld [tilespmem:s25+$0xFFFFFE00];
	v11 =	vadd.s32 v24, v11  }
0xe5: {  	v39 =	vld [tilespmem:s25+$0xFFFFFE80];
	v10 =	vadd.s32 v25, v11  }
0xe6: {  	v41 =	vld [tilespmem:s25+$0xFFFFFF00];
	v40 =	vadd.s32 v36, v22;
	v5 =	vadd.s32 v27, v10  }
0xe7: {  	v43 =	vld [tilespmem:s25+$0xFFFFFF80];
	v42 =	vadd.s32 v23, v40;
	v5 =	vadd.s32 v29, v5  }
0xe8: {  	v44 =	vld [tilespmem:s25+$0x0];
	v7 =	vadd.s32 v37, v42;
	v5 =	vadd.s32 v30, v5  }
0xe9: {  	v45 =	vld [tilespmem:s25+$0x80];
	v7 =	vadd.s32 v38, v7;
	v5 =	vadd.s32 v31, v5  }
0xea: {  	v46 =	vld [tilespmem:s25+$0x100];
	v7 =	vadd.s32 v39, v7;
	v5 =	vadd.s32 v14, v5  }
0xeb: {  	v48 =	vld [tilespmem:s25+$0x180];
	v47 =	vadd.s32 v41, v7;
	s12 =	spop (v2sf);
	v5 =	vadd.s32 v33, v5  }
0xec: {  	v49 =	vld [tilespmem:s25+$0x200];
	v6 =	vadd.s32 v43, v47;
	v5 =	vadd.s32 v15, v5;
	s11 =	spop (v2sf)  }
0xed: {  	v50 =	vld [tilespmem:s25+$0x280];
	v6 =	vadd.s32 v44, v6;
	v5 =	vadd.s32 v16, v5;
	s14 =	sxor.u32 $0x80000000, s11  }
0xee: {  	v52 =	vld [tilespmem:s25+$0x300];
	v51 =	vadd.s32 v45, v6;
	vm2 =	veq.s32 v3, s14;
	v3 =	vadd.s32 v18, v5;
	s9 =	spop (v2sf)  }
0xef: {  	v54 =	vld [tilespmem:s25+$0x380];
	v5 =	vadd.s32 v46, v51;
	v3 =	vadd.s32 v34, v3;
	v53 =	vmctz.xlane vm2;
	s11 =	spop (v2sf)  }
0xf0: {  	v5 =	vadd.s32 v48, v5;
	v3 =	vadd.s32 v20, v3;
	s11 =	sxor.u32 $0x80000000, s11  }
0xf1: {  	v56 =	vadd.s32 v49, v5;
	v55 =	vxor.u32 $0x80000000, v53;
	vm2 =	veq.s32 v4, s11  }
0xf2: {  	v3 =	vadd.s32 v21, v3;
	v4 =	vadd.s32 v50, v56;
	v57 =	vmctz.xlane vm2  }
0xf3: {  	(xrf0) =	vmax.scan.msk.u32 $0xffff, v55;
	v58 =	vxor.u32 $0x80000000, v3;
	v4 =	vadd.s32 v52, v4  }
0xf4: {  	(xrf0) =	vmax.scan.msk.u32 $0xffff, v58;
	v4 =	vadd.s32 v54, v4;
	v5 =	vxor.u32 $0x80000000, v57  }
0xf5: {  	v59 =	vxor.u32 $0x80000000, v4;
	(xrf0) =	vmax.scan.msk.u32 $0xffff, v5  }
0xf6: {  	(xrf0) =	vmax.scan.msk.u32 $0xffff, v59;
	_ =	sdelay $0x2  }
0xf7: {  	v60, _, _ =	vpop (xrf0)  }
0xf8: {  	v61, _, _ =	vpop (xrf0);
	(v2sf) =	vpush v60, $0xF  }
0xf9: {  	(v2sf) =	vpush v61, $0xF;
	v62, _, _ =	vpop (xrf0)  }
0xfa: {  	(v2sf) =	vpush v62, $0xF;
	v63, _, _ =	vpop (xrf0)  }
0xfb: {  	(v2sf) =	vpush v63, $0xF;
	_ =	sdelay $0xb  }
0xfc: {  	s25 =	spop (v2sf)  }
0xfd: {  	s15 =	spop (v2sf)  }
0xfe: {  	s1 =	spop (v2sf)  }
0xff: {  	s15 =	sxor.u32 $0x80000000, s15;
	s16 =	spop (v2sf)  }
0x100: {  	vm2 =	veq.s32 v3, s15;
	s16 =	sxor.u32 $0x80000000, s16  }
0x101: {  	v3 =	vmctz.xlane vm2;
	vm2 =	veq.s32 v4, s16  }
0x102: {  	v4 =	vmctz.xlane vm2  }
0x103: {  	v3 =	vxor.u32 $0x80000000, v3  }
0x104: {  	(xrf0) =	vmax.scan.msk.u32 $0xffff, v3;
	v3 =	vxor.u32 $0x80000000, v4  }
0x105: {  	(xrf0) =	vmax.scan.msk.u32 $0xffff, v3;
	_ =	sdelay $0x4  }
0x106: {  	v3, _, _ =	vpop (xrf0)  }
0x107: {  	(v2sf) =	vpush v3, $0xF;
	v3, _, _ =	vpop (xrf0)  }
0x108: {  	(v2sf) =	vpush v3, $0xF;
	_ =	sdelay $0x4  }
0x109: {  	p2 =	sgt.s32 s26, s30  }
0x10a: {  	p1 =	por p1, p1;
	s30 =	smov.u32 @p2 s26;
	s12 =	sadd.s32 s12, s17  }
0x10b: {  	p2 =	por p2, p2;
	s26 =	sshllo.u32 s29, $0x1;
	s12 =	sadd.s32 s23, s12  }
0x10c: {  	s0 =	smov.u32 @p1 s12;
	p1 =	sgt.s32 s14, s30;
	s9 =	sadd.s32 s9, s17  }
0x10d: {  	s30 =	smov.u32 @p1 s14;
	p1 =	por p1, p1;
	s3 =	sadd.s32 s3, s9  }
0x10e: {  	s0 =	smov.u32 @p2 s3;
	p2 =	sgt.s32 s11, s30;
	s14 =	sadd.s32 s25, s17  }
0x10f: {  	s30 =	smov.u32 @p2 s11;
	p2 =	por p2, p2;
	s3 =	sadd.s32 s24, s14  }
0x110: {  	s24 =	sshll.u32 s29, $0x1;
	s0 =	smov.u32 @p1 s3;
	p1 =	sgt.s32 s15, s30  }
0x111: {  	s29 =	sadd.s32 $0x1, s29;
	s30 =	smov.u32 @p1 s15;
	s1 =	sadd.s32 s1, s17  }
0x112: {  	p1 =	por p1, p1;
	s1 =	sadd.s32 s4, s1;
	s15 =	spop (v2sf)  }
0x113: {  	s0 =	smov.u32 @p2 s1;
	s1 =	sadd.s32 s15, s17;
	s23 =	spop (v2sf)  }
0x114: {  	p2 =	sgt.s32 s16, s30;
	s1 =	sadd.s32 s2, s1;
	s25 =	sadd.s32 s23, s17  }
0x115: {  	s0 =	smov.u32 @p1 s1;
	p1 =	por p2, p2;
	s1 =	sadd.s32 s31, s25  }
0x116: {  	s0 =	smov.u32 @p1 s1;
	p1 =	sne.s32 s29, s6  }
.Ltmp8:
0x117: {  	_ = 	snop;
	(pc) =	sbr.rel @p1 .LBB2_9-.Ltmp8, $4  }
0x118: {  	v3 =	vmov s24  }
0x119: {  	s30 =	smov.u32 @p2 s16;
	vm2 =	veq.s32 v3, v0;
	v3 =	vmov s26  }
0x11a: {  	v2 =	vsel vm2, s30, v2;
	vm2 =	veq.s32 v3, v0  }
0x11b: {  	v2 =	vsel vm2, s0, v2  }
0x11c: {  	[tilespmem:$0x3600] =	vst v2;
	s0 =	rddreg [dreg:$0x7];
	s1 =	simm.s32 $0x3600  }
0x11d: {  	[spmem:s0] =	stream.linear.scatter [tilespmem:s1], [sflag:$0x2], $0x10, $0x38;
	[tilespmem:$0xD010] =	vst v63  }
.Ltmp9:
0x11e: {  	_ =	swait.ge [sflag:s20], $0x10;
	(pc) =	sbr.rel @p0 .LBB2_18-.Ltmp9, $3  }
0x11f: {  	[sflag:s20] =	ssyncset.done $0x0  }
0x120: {  	[sflag:s20] =	ssyncadd.s32 $0xFFFFFFF0  }
0x121: {  	[bflag:$0x0] =	sbarrier.arrive $0xFFFF;
	_ =	sdelay $0x1  }
0x122: {  	s0 =	rddreg [dreg:$0x4];
	s1 =	simm.s32 $0x3680  }
0x123: {  	[tilespmem:s1], [sflag:$0x2] =	stream.linear.gather [spmem:s0], $0x100, $0x38;
	[tilespmem:$0xD010] =	vst v63  }
0x124: {  	_ =	swait.ge [sflag:s20], $0x100  }
0x125: {  	[sflag:s20] =	ssyncset.done $0x0  }
0x126: {  	[sflag:s20] =	ssyncadd.s32 $0xFFFFFF00  }
0x127: {  	v4 =	vld [tilespmem:$0x3680]  }
0x128: {  	v5 =	vld [tilespmem:$0x3690]  }
0x129: {  	v6 =	vld [tilespmem:$0x36A0]  }
0x12a: {  	v7 =	vld [tilespmem:$0x36B0]  }
0x12b: {  	v8 =	vld [tilespmem:$0x36C0]  }
0x12c: {  	v9 =	vld [tilespmem:$0x36D0]  }
0x12d: {  	v10 =	vld [tilespmem:$0x36E0]  }
0x12e: {  	v11 =	vld [tilespmem:$0x36F0]  }
0x12f: {  	v12 =	vld [tilespmem:$0x3700]  }
0x130: {  	v13 =	vld [tilespmem:$0x3710]  }
0x131: {  	v14 =	vld [tilespmem:$0x3720]  }
0x132: {  	v15 =	vld [tilespmem:$0x3730]  }
0x133: {  	v16 =	vld [tilespmem:$0x3740]  }
0x134: {  	v17 =	vld [tilespmem:$0x3750]  }
0x135: {  	s24 =	simm.s32 $0x1E00;
	s23 =	rddreg [dreg:$0x8];
	v3 =	vld [tilespmem:$0x3760]  }
0x136: {  	v2 =	vld [tilespmem:$0x3770];
	[tilespmem:s24], [sflag:$0x2] =	stream.strided.gather [hbm4b:s23+s18], $0x1000, s19, s18, $0x38;
	v4 =	vxor.u32 $0x80000000, v4  }
0x137: {  	_ =	swait.ge [sflag:s20], $0x1000;
	v18 =	vnsel vm1, $0x1, v4  }
0x138: {  	(xrf0) =	vmax.scan.msk.u32 $0xffff, v18  }
0x139: {  	v48 =	vxor.u32 $0x80000000, v5;
	v4 =	vnsel vm0, $0x1, v4  }
0x13a: {  	v5 =	vnsel vm1, $0x1, v48;
	(xrf0) =	vmax.scan.msk.u32 $0xffff, v4  }
0x13b: {  	v49 =	vxor.u32 $0x80000000, v6;
	v4 =	vnsel vm0, $0x1, v48;
	(xrf0) =	vmax.scan.msk.u32 $0xffff, v5  }
0x13c: {  	v50 =	vnsel vm1, $0x1, v49;
	(xrf0) =	vmax.scan.msk.u32 $0xffff, v4  }
0x13d: {  	v52 =	vxor.u32 $0x80000000, v7;
	v51 =	vnsel vm0, $0x1, v49;
	(xrf0) =	vmax.scan.msk.u32 $0xffff, v50  }
0x13e: {  	v54 =	vnsel vm1, $0x1, v52;
	(xrf0) =	vmax.scan.msk.u32 $0xffff, v51;
	v53, _, _ =	vpop (xrf0)  }
0x13f: {  	(xrf0) =	vmax.scan.msk.u32 $0xffff, v54;
	(v2sf) =	vpush v53, $0xF  }
0x140: {  	v57 =	vxor.u32 $0x80000000, v8;
	v56 =	vnsel vm0, $0x1, v52;
	v55, _, _ =	vpop (xrf0)  }
0x141: {  	v59 =	vnsel vm1, $0x1, v57;
	(v2sf) =	vpush v55, $0xF;
	v58, _, _ =	vpop (xrf0);
	(xrf0) =	vmax.scan.msk.u32 $0xffff, v56  }
0x142: {  	v62 =	vxor.u32 $0x80000000, v9;
	v61 =	vnsel vm0, $0x1, v57;
	(v2sf) =	vpush v58, $0xF;
	v60, _, _ =	vpop (xrf0);
	(xrf0) =	vmax.scan.msk.u32 $0xffff, v59  }
0x143: {  	v9 =	vnsel vm1, $0x1, v62;
	(v2sf) =	vpush v60, $0xF;
	v63, _, _ =	vpop (xrf0);
	(xrf0) =	vmax.scan.msk.u32 $0xffff, v61  }
0x144: {  	v20 =	vxor.u32 $0x80000000, v10;
	v19 =	vnsel vm0, $0x1, v62;
	(v2sf) =	vpush v63, $0xF;
	v18, _, _ =	vpop (xrf0);
	(xrf0) =	vmax.scan.msk.u32 $0xffff, v9  }
0x145: {  	v22 =	vnsel vm1, $0x1, v20;
	(v2sf) =	vpush v18, $0xF;
	v21, _, _ =	vpop (xrf0);
	(xrf0) =	vmax.scan.msk.u32 $0xffff, v19  }
0x146: {  	(v2sf) =	vpush v21, $0xF;
	(xrf0) =	vmax.scan.msk.u32 $0xffff, v22  }
0x147: {  	v24 =	vxor.u32 $0x80000000, v11;
	v5 =	vnsel vm0, $0x1, v20;
	v23, _, _ =	vpop (xrf0)  }
0x148: {  	v26 =	vnsel vm1, $0x1, v24;
	(xrf0) =	vmax.scan.msk.u32 $0xffff, v5;
	(v2sf) =	vpush v23, $0xF;
	v25, _, _ =	vpop (xrf0)  }
0x149: {  	v29 =	vxor.u32 $0x80000000, v12;
	v28 =	vnsel vm0, $0x1, v24;
	(xrf0) =	vmax.scan.msk.u32 $0xffff, v26;
	(v2sf) =	vpush v25, $0xF;
	v27, _, _ =	vpop (xrf0)  }
0x14a: {  	v31 =	vnsel vm1, $0x1, v29;
	(v2sf) =	vpush v27, $0xF;
	v30, _, _ =	vpop (xrf0);
	(xrf0) =	vmax.scan.msk.u32 $0xffff, v28  }
0x14b: {  	v34 =	vxor.u32 $0x80000000, v13;
	v33 =	vnsel vm0, $0x1, v29;
	(v2sf) =	vpush v30, $0xF;
	v32, _, _ =	vpop (xrf0);
	(xrf0) =	vmax.scan.msk.u32 $0xffff, v31  }
0x14c: {  	v36 =	vnsel vm1, $0x1, v34;
	(v2sf) =	vpush v32, $0xF;
	v35, _, _ =	vpop (xrf0);
	(xrf0) =	vmax.scan.msk.u32 $0xffff, v33  }
0x14d: {  	v38 =	vnsel vm0, $0x1, v34;
	(v2sf) =	vpush v35, $0xF;
	(xrf0) =	vmax.scan.msk.u32 $0xffff, v36  }
0x14e: {  	v39 =	vxor.u32 $0x80000000, v14;
	v37, _, _ =	vpop (xrf0);
	(xrf0) =	vmax.scan.msk.u32 $0xffff, v38;
	s25 =	spop (v2sf)  }
0x14f: {  	v41 =	vnsel vm1, $0x1, v39;
	v40, _, _ =	vpop (xrf0);
	(v2sf) =	vpush v37, $0xF;
	s26 =	sxor.u32 $0x80000000, s25  }
0x150: {  	v44 =	vxor.u32 $0x80000000, v15;
	v43 =	vnsel vm0, $0x1, v39;
	s2 =	spop (v2sf);
	(v2sf) =	vpush v40, $0xF;
	v42, _, _ =	vpop (xrf0);
	(xrf0) =	vmax.scan.msk.u32 $0xffff, v41;
	s1 =	sshra.s32 s25, $0x1F;
	s3 =	sshra.s32 s26, $0x1F  }
0x151: {  	v46 =	vnsel vm1, $0x1, v44;
	s2 =	sxor.u32 $0x80000000, s2;
	s29 =	spop (v2sf);
	(v2sf) =	vpush v42, $0xF;
	v45, _, _ =	vpop (xrf0);
	(xrf0) =	vmax.scan.msk.u32 $0xffff, v43;
	s0 =	sor.u32 s3, s26  }
0x152: {  	v49 =	vnsel vm0, $0x1, v44;
	v50 =	vxor.u32 $0x80000000, v16;
	s2 =	sand.u32 s2, s1;
	s1 =	sxor.u32 $0x80000000, s29;
	s30 =	spop (v2sf);
	(v2sf) =	vpush v45, $0xF;
	v47, _, _ =	vpop (xrf0);
	(xrf0) =	vmax.scan.msk.u32 $0xffff, v46  }
0x153: {  	v51 =	vnsel vm1, $0x1, v50;
	s3 =	sxor.u32 $0x80000000, s30;
	p1 =	sgt.s32 s1, s0;
	s4 =	spop (v2sf);
	v48, _, _ =	vpop (xrf0);
	(xrf0) =	vmax.scan.msk.u32 $0xffff, v49  }
0x154: {  	(v2sf) =	vpush v47, $0xF;
	s0 =	smov.u32 @p1 s1;
	s1 =	sxor.u32 $0x80000000, s4;
	s31 =	spop (v2sf);
	v52, _, _ =	vpop (xrf0);
	(xrf0) =	vmax.scan.msk.u32 $0xffff, v51  }
0x155: {  	v54 =	vxor.u32 $0x80000000, v17;
	v53 =	vnsel vm0, $0x1, v50;
	(v2sf) =	vpush v48, $0xF;
	s2 =	smov.u32 @p1 s3;
	p1 =	sgt.s32 s1, s0;
	s9 =	spop (v2sf)  }
0x156: {  	v56 =	vnsel vm1, $0x1, v54;
	s4 =	sxor.u32 $0x80000000, s31;
	(v2sf) =	vpush v52, $0xF;
	s0 =	smov.u32 @p1 s1;
	s1 =	sxor.u32 $0x80000000, s9;
	v55, _, _ =	vpop (xrf0);
	(xrf0) =	vmax.scan.msk.u32 $0xffff, v53  }
0x157: {  	v3 =	vxor.u32 $0x80000000, v3;
	v59 =	vnsel vm0, $0x1, v54;
	s2 =	smov.u32 @p1 s4;
	s11 =	spop (v2sf);
	p1 =	sgt.s32 s1, s0;
	(v2sf) =	vpush v55, $0xF;
	v57, _, _ =	vpop (xrf0);
	(xrf0) =	vmax.scan.msk.u32 $0xffff, v56  }
0x158: {  	v60 =	vnsel vm1, $0x1, v3;
	s3 =	sxor.u32 $0x80000000, s11;
	s0 =	smov.u32 @p1 s1;
	s12 =	spop (v2sf);
	(v2sf) =	vpush v57, $0xF;
	v58, _, _ =	vpop (xrf0);
	(xrf0) =	vmax.scan.msk.u32 $0xffff, v59  }
0x159: {  	v2 =	vxor.u32 $0x80000000, v2;
	v3 =	vnsel vm0, $0x1, v3;
	s2 =	smov.u32 @p1 s3;
	s1 =	sxor.u32 $0x80000000, s12;
	s14 =	spop (v2sf);
	(v2sf) =	vpush v58, $0xF;
	v61, _, _ =	vpop (xrf0);
	(xrf0) =	vmax.scan.msk.u32 $0xffff, v60  }
0x15a: {  	s3 =	sxor.u32 $0x80000000, s14;
	p1 =	sgt.s32 s1, s0;
	s15 =	spop (v2sf);
	v62, _, _ =	vpop (xrf0);
	(xrf0) =	vmax.scan.msk.u32 $0xffff, v3;
	v3 =	vnsel vm1, $0x1, v2  }
0x15b: {  	s0 =	smov.u32 @p1 s1;
	s1 =	sxor.u32 $0x80000000, s15;
	s16 =	spop (v2sf);
	(v2sf) =	vpush v61, $0xF  }
0x15c: {  	v2 =	vnsel vm0, $0x1, v2;
	s2 =	smov.u32 @p1 s3;
	p1 =	sgt.s32 s1, s0;
	s23 =	spop (v2sf);
	(v2sf) =	vpush v62, $0xF;
	v63, _, _ =	vpop (xrf0);
	(xrf0) =	vmax.scan.msk.u32 $0xffff, v3  }
0x15d: {  	[sflag:s20] =	ssyncset.done $0x0;
	s4 =	sxor.u32 $0x80000000, s16;
	s0 =	smov.u32 @p1 s1;
	(v2sf) =	vpush v63, $0xF;
	v3, _, _ =	vpop (xrf0);
	(xrf0) =	vmax.scan.msk.u32 $0xffff, v2  }
0x15e: {  	s1 =	sxor.u32 $0x80000000, s23;
	s2 =	smov.u32 @p1 s4;
	s24 =	spop (v2sf);
	(v2sf) =	vpush v3, $0xF  }
0x15f: {  	p1 =	sgt.s32 s1, s0;
	v2, _, _ =	vpop (xrf0);
	s25 =	spop (v2sf);
	s3 =	sxor.u32 $0x80000000, s24  }
0x160: {  	s0 =	smov.u32 @p1 s1;
	v3, _, _ =	vpop (xrf0);
	(v2sf) =	vpush v2, $0xF;
	s1 =	sxor.u32 $0x80000000, s25;
	s26 =	spop (v2sf)  }
0x161: {  	s2 =	smov.u32 @p1 s3;
	v2, _, _ =	vpop (xrf0);
	(v2sf) =	vpush v3, $0xF;
	p1 =	sgt.s32 s1, s0;
	s29 =	spop (v2sf)  }
0x162: {  	s3 =	sxor.u32 $0x80000000, s26;
	(v2sf) =	vpush v2, $0xF;
	v3, _, _ =	vpop (xrf0);
	s0 =	smov.u32 @p1 s1;
	s1 =	sxor.u32 $0x80000000, s29  }
0x163: {  	s30 =	spop (v2sf);
	s2 =	smov.u32 @p1 s3;
	p1 =	sgt.s32 s1, s0;
	(v2sf) =	vpush v3, $0xF;
	v2, _, _ =	vpop (xrf0)  }
0x164: {  	s31 =	spop (v2sf);
	s4 =	sxor.u32 $0x80000000, s30;
	s0 =	smov.u32 @p1 s1;
	(v2sf) =	vpush v2, $0xF  }
0x165: {  	s1 =	sxor.u32 $0x80000000, s31;
	s2 =	smov.u32 @p1 s4;
	s4 =	spop (v2sf)  }
0x166: {  	p1 =	sgt.s32 s1, s0;
	s3 =	sxor.u32 $0x80000000, s4;
	s9 =	spop (v2sf)  }
0x167: {  	s0 =	smov.u32 @p1 s1;
	s11 =	spop (v2sf);
	s4 =	sxor.u32 $0x80000000, s9  }
0x168: {  	s2 =	smov.u32 @p1 s3;
	s12 =	spop (v2sf);
	p1 =	sgt.s32 s4, s0  }
0x169: {  	s1 =	sxor.u32 $0x80000000, s11;
	s0 =	smov.u32 @p1 s4;
	s3 =	sxor.u32 $0x80000000, s12  }
0x16a: {  	s2 =	smov.u32 @p1 s1;
	s14 =	spop (v2sf);
	p1 =	sgt.s32 s3, s0  }
0x16b: {  	[sflag:s20] =	ssyncadd.s32 $0xFFFFF000;
	s15 =	spop (v2sf);
	s0 =	smov.u32 @p1 s3  }
0x16c: {  	s4 =	sxor.u32 $0x80000000, s14;
	s16 =	spop (v2sf);
	s1 =	sxor.u32 $0x80000000, s15  }
0x16d: {  	s2 =	smov.u32 @p1 s4;
	s23 =	spop (v2sf);
	p1 =	sgt.s32 s1, s0  }
0x16e: {  	s3 =	sxor.u32 $0x80000000, s16;
	s0 =	smov.u32 @p1 s1;
	s1 =	sxor.u32 $0x80000000, s23  }
0x16f: {  	s24 =	spop (v2sf);
	s2 =	smov.u32 @p1 s3;
	p1 =	sgt.s32 s1, s0  }
0x170: {  	s25 =	spop (v2sf);
	s4 =	sxor.u32 $0x80000000, s24;
	s0 =	smov.u32 @p1 s1  }
0x171: {  	s26 =	spop (v2sf);
	s2 =	smov.u32 @p1 s4;
	s3 =	sxor.u32 $0x80000000, s25  }
0x172: {  	s1 =	sxor.u32 $0x80000000, s26;
	p1 =	sgt.s32 s3, s0;
	s29 =	spop (v2sf)  }
0x173: {  	[tilespmem:$0x3780] =	vst v1;
	s0 =	smov.u32 @p1 s3;
	s30 =	sxor.u32 $0x80000000, s29;
	s31 =	spop (v2sf)  }
0x174: {  	[tilespmem:$0x3790] =	vst v1;
	s2 =	smov.u32 @p1 s1;
	s1 =	sxor.u32 $0x80000000, s31;
	p1 =	sgt.s32 s30, s0  }
0x175: {  	[tilespmem:$0x37A0] =	vst v1;
	s4 =	simm.s32 $0x10;
	s2 =	smov.u32 @p1 s1  }
0x176: {  	[tilespmem:$0x37B0] =	vst v1;
	s3 =	simm.s32 $0x1E10;
	s0 =	simm.s32 $0x0;
	v2 =	vmov s2;
	s2 =	simm.s32 $0xFFFFFFFE  }
.LBB2_14:
0x177: {  	v3 =	vld [tilespmem:s3+$0xFFFFFFF0];
	_ =	sdelay $0x4  }
0x178: {  	v3 =	vtrunc.f32 v3  }
0x179: {  	v3 =	vcvt.f32.s32 v3;
	_ =	sdelay $0x1  }
0x17a: {  	vm2 =	veq.s32 v2, v3  }
0x17b: {  	v4 =	vmpcnt.ones.xlane vm2;
	_ =	sdelay $0x1  }
0x17c: {  	v4 =	vxor.u32 $0x80000000, v4  }
0x17d: {  	(xrf0) =	vmax.scan.msk.u32 $0xffff, v4;
	_ =	sdelay $0x5  }
0x17e: {  	v4, _, _ =	vpop (xrf0)  }
0x17f: {  	(v2sf) =	vpush v4, $0xF;
	_ =	sdelay $0xe  }
0x180: {  	s1 =	spop (v2sf)  }
0x181: {  	s1 =	sxor.u32 $0x80000000, s1  }
0x182: {  	p1 =	slt.s32 s1, $0x1  }
0x183: {  	vm2 =	veq.s32 @!p1 v2, v3;
	v3 =	vimm.s32 @!p1 $0x0  }
0x184: {  	v3 =	vsel @!p1 vm2, $0x1, v3  }
0x185: {  	(xrf0) =	vadd.scan.msk.s32 @!p1 $0xffff, v3;
	_ =	sdelay $0x5  }
0x186: {  	s9 =	sadd.s32 @!p1 $0xFFFFFFFF, s0;
	v3, _, _ =	vpop @!p1 (xrf0)  }
0x187: {  	v3 =	vadd.s32 @!p1 s9, v3  }
0x188: {  	vm3 =	vlt.s32 @!p1 v3, $0x40;
	vm4 =	vgt.s32 @!p1 v3, $0x0  }
0x189: {  	vm2 =	vmand @!p1 vm2, vm3;
	v3 =	vnsel @!p1 vm4, $0x0, v3  }
0x18a: {  	v3 =	vmin.u32 @!p1 v3, $0x3F;
	_ =	sdelay $0x2  }
0x18b: {  	v4 =	vlaneseq.u32 @!p1;
	s9 =	sadd.s32 $0xFFFFFFF0, s4  }
0x18c: {  	v4 =	vor.u32 @!p1 s9, v4;
	s9 =	simm.s32 @!p1 $0x3780  }
0x18d: {  	[tilespmem:v3+s9+$0x0] =	vst.idx.msk @!p1 vm2, v4  }
0x18e: {  	v3 =	vld [tilespmem:s3+$0x0];
	_ =	sdelay $0x4  }
0x18f: {  	v3 =	vtrunc.f32 v3  }
0x190: {  	v3 =	vcvt.f32.s32 v3;
	_ =	sdelay $0x1  }
0x191: {  	vm2 =	veq.s32 v2, v3  }
0x192: {  	v63 =	vmpcnt.ones.xlane vm2;
	_ =	sdelay $0x1  }
0x193: {  	v4 =	vxor.u32 $0x80000000, v63  }
0x194: {  	(xrf0) =	vmax.scan.msk.u32 $0xffff, v4;
	_ =	sdelay $0x5  }
0x195: {  	v4, _, _ =	vpop (xrf0)  }
0x196: {  	(v2sf) =	vpush v4, $0xF;
	_ =	sdelay $0xe  }
0x197: {  	s31 =	spop (v2sf)  }
0x198: {  	s9 =	sxor.u32 $0x80000000, s31  }
0x199: {  	p1 =	slt.s32 s9, $0x1  }
0x19a: {  	vm2 =	veq.s32 @!p1 v2, v3;
	v3 =	vimm.s32 @!p1 $0x0  }
0x19b: {  	v3 =	vsel @!p1 vm2, $0x1, v3  }
0x19c: {  	(xrf0) =	vadd.scan.msk.s32 @!p1 $0xffff, v3;
	_ =	sdelay $0x4  }
0x19d: {  	s0 =	sadd.s32 s0, s1  }
0x19e: {  	s1 =	sadd.s32 @!p1 $0xFFFFFFFF, s0;
	v3, _, _ =	vpop @!p1 (xrf0)  }
0x19f: {  	v3 =	vadd.s32 @!p1 s1, v3  }
0x1a0: {  	vm3 =	vlt.s32 @!p1 v3, $0x40;
	vm4 =	vgt.s32 @!p1 v3, $0x0  }
0x1a1: {  	s2 =	sadd.s32 $0x2, s2;
	vm2 =	vmand @!p1 vm2, vm3;
	v3 =	vnsel @!p1 vm4, $0x0, v3  }
0x1a2: {  	p2 =	slt.u32 s2, $0xFE;
	v3 =	vmin.u32 @!p1 v3, $0x3F  }
.Ltmp10:
0x1a3: {  	_ = 	snop;
	(pc) =	sbr.rel @p2 .LBB2_14-.Ltmp10, $4  }
0x1a4: {  	_ = 	snop  }
0x1a5: {  	v4 =	vlaneseq.u32 @!p1  }
0x1a6: {  	v4 =	vor.u32 @!p1 s4, v4;
	s1 =	simm.s32 @!p1 $0x3780  }
0x1a7: {  	s3 =	sadd.s32 $0x20, s3;
	s0 =	sadd.s32 s0, s9;
	s4 =	sadd.s32 $0x20, s4;
	[tilespmem:v3+s1+$0x0] =	vst.idx.msk @!p1 vm2, v4  }
0x1a8: {  	v2 =	vld [tilespmem:$0x3780];
	_ =	sdelay $0x4  }
0x1a9: {  	v3 =	vshll.u32 v2, $0x2  }
0x1aa: {  	v2 =	vand.u32 $0x7, v2;
	v3 =	vand.u32 $0xFFFFFFE0, v3  }
0x1ab: {  	v4 =	vshrl.u32 v0, $0x3;
	v2 =	vor.u32 v2, v3;
	v3 =	vand.u32 $0x7, v0  }
0x1ac: {  	v4 =	vmul.u32 $0x8, v4;
	v5 =	vperm.xlane v2, v3;
	_ =	sdelay $0x1  }
0x1ad: {  	v5 =	vadd.s32 v4, v5  }
0x1ae: {  	v6 =	vor.u32 $0x8, v0  }
0x1af: {  	v2 =	vperm.xlane v2, v6;
	_ =	sdelay $0x1  }
0x1b0: {  	vm2 =	vmmov $0xffff;
	s2 =	simm.s32 $0x0;
	s1 =	rddreg [dreg:$0x1];
	s3 =	simm.s32 $0x3800;
	v2 =	vadd.s32 v4, v2  }
0x1b1: {  	[tilespmem:s3], [sflag:$0x1] =	stream.indirect_vreg.gather [hbm4b:s1+s2], $0x80, v5, vm2, $0xb8;
	[tilespmem:$0xD010] =	vst v63  }
0x1b2: {  	s31 =	simm.s32 $0x4000  }
0x1b3: {  	[tilespmem:s31], [sflag:$0x1] =	stream.indirect_vreg.gather [hbm4b:s13+s2], $0x80, v5, vm2, $0xb8;
	[tilespmem:$0xD010] =	vst v63  }
0x1b4: {  	s4 =	simm.s32 $0x4800  }
0x1b5: {  	[tilespmem:s4], [sflag:$0x1] =	stream.indirect_vreg.gather [hbm4b:s1+s2], $0x80, v2, vm2, $0xb8;
	[tilespmem:$0xD010] =	vst v63  }
0x1b6: {  	s9 =	simm.s32 $0x5000  }
0x1b7: {  	[tilespmem:s9], [sflag:$0x1] =	stream.indirect_vreg.gather [hbm4b:s13+s2], $0x80, v2, vm2, $0xb8;
	[tilespmem:$0xD010] =	vst v63  }
0x1b8: {  	v2 =	vld [tilespmem:$0x3790];
	_ =	sdelay $0x4  }
0x1b9: {  	v61 =	vshll.u32 v2, $0x2  }
0x1ba: {  	v2 =	vand.u32 $0x7, v2;
	v5 =	vand.u32 $0xFFFFFFE0, v61  }
0x1bb: {  	v2 =	vor.u32 v2, v5  }
0x1bc: {  	v5 =	vperm.xlane v2, v3;
	_ =	sdelay $0x1  }
0x1bd: {  	v5 =	vadd.s32 v4, v5;
	_ =	sdelay $0x1  }
0x1be: {  	v2 =	vperm.xlane v2, v6;
	_ =	sdelay $0x1  }
0x1bf: {  	s11 =	simm.s32 $0x5800;
	v2 =	vadd.s32 v4, v2  }
0x1c0: {  	[tilespmem:s11], [sflag:$0x1] =	stream.indirect_vreg.gather [hbm4b:s1+s2], $0x80, v5, vm2, $0xb8;
	[tilespmem:$0xD010] =	vst v63  }
0x1c1: {  	s12 =	simm.s32 $0x6000  }
0x1c2: {  	[tilespmem:s12], [sflag:$0x1] =	stream.indirect_vreg.gather [hbm4b:s13+s2], $0x80, v5, vm2, $0xb8;
	[tilespmem:$0xD010] =	vst v63  }
0x1c3: {  	s14 =	simm.s32 $0x6800  }
0x1c4: {  	[tilespmem:s14], [sflag:$0x1] =	stream.indirect_vreg.gather [hbm4b:s1+s2], $0x80, v2, vm2, $0xb8;
	[tilespmem:$0xD010] =	vst v63  }
0x1c5: {  	s15 =	simm.s32 $0x7000  }
0x1c6: {  	[tilespmem:s15], [sflag:$0x1] =	stream.indirect_vreg.gather [hbm4b:s13+s2], $0x80, v2, vm2, $0xb8;
	[tilespmem:$0xD010] =	vst v63  }
0x1c7: {  	v2 =	vld [tilespmem:$0x37A0];
	_ =	sdelay $0x4  }
0x1c8: {  	v62 =	vshll.u32 v2, $0x2  }
0x1c9: {  	v2 =	vand.u32 $0x7, v2;
	v5 =	vand.u32 $0xFFFFFFE0, v62  }
0x1ca: {  	v2 =	vor.u32 v2, v5  }
0x1cb: {  	v5 =	vperm.xlane v2, v3;
	_ =	sdelay $0x1  }
0x1cc: {  	v5 =	vadd.s32 v4, v5;
	_ =	sdelay $0x1  }
0x1cd: {  	v2 =	vperm.xlane v2, v6;
	_ =	sdelay $0x1  }
0x1ce: {  	s16 =	simm.s32 $0x7800;
	v2 =	vadd.s32 v4, v2  }
0x1cf: {  	[tilespmem:s16], [sflag:$0x1] =	stream.indirect_vreg.gather [hbm4b:s1+s2], $0x80, v5, vm2, $0xb8;
	[tilespmem:$0xD010] =	vst v63  }
0x1d0: {  	s23 =	simm.s32 $0x8000  }
0x1d1: {  	[tilespmem:s23], [sflag:$0x1] =	stream.indirect_vreg.gather [hbm4b:s13+s2], $0x80, v5, vm2, $0xb8;
	[tilespmem:$0xD010] =	vst v63  }
0x1d2: {  	s24 =	simm.s32 $0x8800  }
0x1d3: {  	[tilespmem:s24], [sflag:$0x1] =	stream.indirect_vreg.gather [hbm4b:s1+s2], $0x80, v2, vm2, $0xb8;
	[tilespmem:$0xD010] =	vst v63  }
0x1d4: {  	s25 =	simm.s32 $0x9000  }
0x1d5: {  	[tilespmem:s25], [sflag:$0x1] =	stream.indirect_vreg.gather [hbm4b:s13+s2], $0x80, v2, vm2, $0xb8;
	[tilespmem:$0xD010] =	vst v63  }
0x1d6: {  	v2 =	vld [tilespmem:$0x37B0];
	_ =	sdelay $0x4  }
0x1d7: {  	v63 =	vshll.u32 v2, $0x2  }
0x1d8: {  	v2 =	vand.u32 $0x7, v2;
	v5 =	vand.u32 $0xFFFFFFE0, v63  }
0x1d9: {  	v2 =	vor.u32 v2, v5  }
0x1da: {  	v3 =	vperm.xlane v2, v3;
	_ =	sdelay $0x1  }
0x1db: {  	v3 =	vadd.s32 v4, v3;
	_ =	sdelay $0x1  }
0x1dc: {  	v2 =	vperm.xlane v2, v6;
	_ =	sdelay $0x1  }
0x1dd: {  	s26 =	simm.s32 $0x9800;
	v2 =	vadd.s32 v4, v2  }
0x1de: {  	[tilespmem:s26], [sflag:$0x1] =	stream.indirect_vreg.gather [hbm4b:s1+s2], $0x80, v3, vm2, $0xb8;
	[tilespmem:$0xD010] =	vst v63  }
0x1df: {  	s29 =	simm.s32 $0xA000  }
0x1e0: {  	[tilespmem:s29], [sflag:$0x1] =	stream.indirect_vreg.gather [hbm4b:s13+s2], $0x80, v3, vm2, $0xb8;
	[tilespmem:$0xD010] =	vst v63  }
0x1e1: {  	s30 =	simm.s32 $0xA800  }
0x1e2: {  	[tilespmem:s30], [sflag:$0x1] =	stream.indirect_vreg.gather [hbm4b:s1+s2], $0x80, v2, vm2, $0xb8;
	[tilespmem:$0xD010] =	vst v63  }
0x1e3: {  	s31 =	simm.s32 $0xB000;
	s4 =	simm.s32 $0x1  }
0x1e4: {  	[tilespmem:s31], [sflag:$0x1] =	stream.indirect_vreg.gather [hbm4b:s13+s2], $0x80, v2, vm2, $0xb8;
	[tilespmem:$0xD010] =	vst v63  }
0x1e5: {  	p1 =	sgt.s32 s0, $0x0;
	_ =	swait.ge [sflag:s4], $0x8000  }
0x1e6: {  	s3 =	sand.u32 @!p1 $0x380, s2;
	s1 =	sand.u32 @!p1 $0x7000, s2;
	[sflag:s4] =	ssyncset.done $0x0  }
0x1e7: {  	s3 =	sor.u32 @!p1 s3, s1;
	v2 =	vimm.f32 @!p1 $0.0e+00;
	p1 =	por p1, p1;
	[sflag:s4] =	ssyncadd.s32 $0xFFFF8000  }
0x1e8: {  	[tilespmem:s3+$0x4470] =	vst @!p1 v2  }
0x1e9: {  	[tilespmem:s3+$0x3800] =	vst @!p1 v2  }
0x1ea: {  	[tilespmem:s3+$0x3810] =	vst @!p1 v2  }
0x1eb: {  	[tilespmem:s3+$0x3820] =	vst @!p1 v2  }
0x1ec: {  	[tilespmem:s3+$0x3830] =	vst @!p1 v2  }
0x1ed: {  	[tilespmem:s3+$0x3840] =	vst @!p1 v2  }
0x1ee: {  	[tilespmem:s3+$0x3850] =	vst @!p1 v2  }
0x1ef: {  	[tilespmem:s3+$0x3860] =	vst @!p1 v2  }
0x1f0: {  	[tilespmem:s3+$0x3870] =	vst @!p1 v2  }
0x1f1: {  	[tilespmem:s3+$0x3C00] =	vst @!p1 v2  }
0x1f2: {  	[tilespmem:s3+$0x3C10] =	vst @!p1 v2  }
0x1f3: {  	[tilespmem:s3+$0x3C20] =	vst @!p1 v2  }
0x1f4: {  	[tilespmem:s3+$0x3C30] =	vst @!p1 v2  }
0x1f5: {  	[tilespmem:s3+$0x3C40] =	vst @!p1 v2  }
0x1f6: {  	[tilespmem:s3+$0x3C50] =	vst @!p1 v2  }
0x1f7: {  	[tilespmem:s3+$0x3C60] =	vst @!p1 v2  }
0x1f8: {  	[tilespmem:s3+$0x3C70] =	vst @!p1 v2  }
0x1f9: {  	[tilespmem:s3+$0x4000] =	vst @!p1 v2  }
0x1fa: {  	[tilespmem:s3+$0x4010] =	vst @!p1 v2  }
0x1fb: {  	[tilespmem:s3+$0x4020] =	vst @!p1 v2  }
0x1fc: {  	[tilespmem:s3+$0x4030] =	vst @!p1 v2  }
0x1fd: {  	[tilespmem:s3+$0x4040] =	vst @!p1 v2  }
0x1fe: {  	[tilespmem:s3+$0x4050] =	vst @!p1 v2  }
0x1ff: {  	[tilespmem:s3+$0x4060] =	vst @!p1 v2  }
0x200: {  	[tilespmem:s3+$0x4070] =	vst @!p1 v2  }
0x201: {  	[tilespmem:s3+$0x4400] =	vst @!p1 v2  }
0x202: {  	[tilespmem:s3+$0x4410] =	vst @!p1 v2  }
0x203: {  	[tilespmem:s3+$0x4420] =	vst @!p1 v2  }
0x204: {  	s12 =	simm.s32 $0x1;
	s4 =	simm.s32 $0x80;
	[tilespmem:s3+$0x4430] =	vst @!p1 v2  }
.LBB2_16:
0x205: {  	p3 =	slt.s32 s12, s0  }
0x206: {  	[tilespmem:s3+$0x4440] =	vst @!p1 v2;
	s2 =	sadd.s32 $0x200, s2;
	s1 =	smov.u32 s4;
	s4 =	sadd.s32 $0x80, s4  }
0x207: {  	s9 =	sand.u32 @!p3 $0x7000, s2;
	s1 =	sand.u32 @!p3 $0x380, s1;
	p2 =	sne.s32 s4, $0x2000;
	[tilespmem:s3+$0x4450] =	vst @!p1 v2  }
0x208: {  	[tilespmem:s3+$0x4460] =	vst @!p1 v2;
	v2 =	vimm.f32 @!p3 $0.0e+00;
	s3 =	sor.u32 @!p3 s1, s9;
	p1 =	por p3, p3  }
0x209: {  	[tilespmem:s3+$0x4470] =	vst @!p1 v2  }
0x20a: {  	[tilespmem:s3+$0x3800] =	vst @!p1 v2  }
0x20b: {  	[tilespmem:s3+$0x3810] =	vst @!p1 v2  }
0x20c: {  	[tilespmem:s3+$0x3820] =	vst @!p1 v2  }
0x20d: {  	[tilespmem:s3+$0x3830] =	vst @!p1 v2  }
0x20e: {  	[tilespmem:s3+$0x3840] =	vst @!p1 v2  }
0x20f: {  	[tilespmem:s3+$0x3850] =	vst @!p1 v2  }
0x210: {  	[tilespmem:s3+$0x3860] =	vst @!p1 v2  }
0x211: {  	[tilespmem:s3+$0x3870] =	vst @!p1 v2  }
0x212: {  	[tilespmem:s3+$0x3C00] =	vst @!p1 v2  }
0x213: {  	[tilespmem:s3+$0x3C10] =	vst @!p1 v2  }
0x214: {  	[tilespmem:s3+$0x3C20] =	vst @!p1 v2  }
0x215: {  	[tilespmem:s3+$0x3C30] =	vst @!p1 v2  }
0x216: {  	[tilespmem:s3+$0x3C40] =	vst @!p1 v2  }
0x217: {  	[tilespmem:s3+$0x3C50] =	vst @!p1 v2  }
0x218: {  	[tilespmem:s3+$0x3C60] =	vst @!p1 v2  }
0x219: {  	[tilespmem:s3+$0x3C70] =	vst @!p1 v2  }
0x21a: {  	[tilespmem:s3+$0x4000] =	vst @!p1 v2  }
0x21b: {  	[tilespmem:s3+$0x4010] =	vst @!p1 v2  }
0x21c: {  	[tilespmem:s3+$0x4020] =	vst @!p1 v2  }
0x21d: {  	[tilespmem:s3+$0x4030] =	vst @!p1 v2  }
0x21e: {  	[tilespmem:s3+$0x4040] =	vst @!p1 v2  }
0x21f: {  	[tilespmem:s3+$0x4050] =	vst @!p1 v2  }
0x220: {  	[tilespmem:s3+$0x4060] =	vst @!p1 v2  }
.Ltmp11:
0x221: {  	[tilespmem:s3+$0x4070] =	vst @!p1 v2;
	(pc) =	sbr.rel @p2 .LBB2_16-.Ltmp11, $4  }
0x222: {  	[tilespmem:s3+$0x4400] =	vst @!p1 v2  }
0x223: {  	[tilespmem:s3+$0x4410] =	vst @!p1 v2  }
0x224: {  	[tilespmem:s3+$0x4420] =	vst @!p1 v2  }
0x225: {  	s12 =	sadd.s32 $0x1, s12;
	[tilespmem:s3+$0x4430] =	vst @!p1 v2  }
0x226: {  	[tilespmem:s3+$0x4440] =	vst @!p1 v2  }
0x227: {  	[tilespmem:s3+$0x4450] =	vst @!p1 v2;
	s0 =	simm.s32 $0x0  }
.Ltmp12:
0x228: {  	[tilespmem:s3+$0x4460] =	vst @!p1 v2;
	s1 =	rddreg [dreg:$0x9];
	s2 =	simm.s32 $0x3800;
	(pc) =	sbr.rel .LBB2_18-.Ltmp12, $4  }
0x229: {  	[hbm4b:s1+s0] =	stream.linear.scatter [tilespmem:s2], [sflag:$0x2], $0x8000, $0x38;
	[tilespmem:$0xD010] =	vst v63  }
0x22a: {  	_ =	swait.ge [sflag:s20], $0x8000  }
0x22b: {  	[sflag:s20] =	ssyncset.done $0x0  }
0x22c: {  	[sflag:s20] =	ssyncadd.s32 $0xFFFF8000  }
.LBB2_19:
0x22d: {  	_ =	sfence.sel $0x180000  }
0x22e: {  	[bflag:$0x0] =	sbarrier.arrive $0xFFFF  }
0x22f: {  	_ =	strace $0x90000047  }
0x230: {  	s0 =	stileid.u32;
	[bflag:$0x2] =	sbarrier.arrive $0xFFFF  }
0x231: {  	p0 =	sne.s32 s0, $0x0;
	s0 =	rddreg [dreg:$0x5]  }
0x232: {  	s0 =	sadd.s32 @!p0 $0x100000, s0  }
0x233: {  	[sflag:s0] =	ssyncadd.tile.s32 @!p0 $0x1;
	_ =	shalt  }
.Lfunc_end2:
_tile_overlayer_lowered:
.L_overlay_start_2:
0x234: {  	(tag) =	ssettag $0x2  }
0x235: {  	s0 =	rddreg [dreg:$0x0];
	s2 =	stileid.u32  }
0x236: {  	s1 =	rddreg [dreg:$0x1];
	p0 =	sne.s32 s2, $0x0  }
0x237: {  	s3 =	rddreg [dreg:$0x2];
	[bflag:$0x3] =	sbarrier.arrive $0xFFFF;
	s2 =	simm.s32 @!p0 $0x1C02  }
0x238: {  	[timem:s3], [sflag:s2] =	dma.local @!p0 [hbm:s0], s1  }
0x239: {  	s0 =	simm.s32 @!p0 $0x2  }
0x23a: {  	_ =	swait.ge @!p0 [sflag:s0], s1  }
0x23b: {  	s1 =	ssub.s32 @!p0 $0x0, s1;
	[sflag:s0] =	ssyncset.done @!p0 $0x0  }
0x23c: {  	[sflag:s0] =	ssyncadd.s32 @!p0 s1  }
0x23d: {  	[bflag:$0x3] =	sbarrier.arrive $0xFFFF  }
0x23e: {  	_ =	shalt  }

</sc_bundles>
